<compile_context>
chip_gen: v7x
topology: tpu7x:2x2x1
jax: 0.10.2.dev20260603
libtpu: 0.0.44.dev20260713+nightly
codegen_flags: <defaults>
</compile_context>

<pallas_src>
import jax
import jax.numpy as jnp
from jax import lax
from jax.experimental import pallas as pl
from jax.experimental.pallas import tpu as pltpu
from jax.experimental.pallas import tpu_sc as plsc

N_USERS = 25000
N_ITEMS = 25000
N_TOTAL = N_USERS + N_ITEMS
DIM = 64
HALF = 32
N_EDGES = 800000
N_TILES = 16

EDGES_PER_TILE = 50176
E_PAD = N_TILES * EDGES_PER_TILE
GROUPS_PER_TILE = EDGES_PER_TILE // 128
GROUPS_PER_CHUNK = 28
N_CHUNKS = GROUPS_PER_TILE // GROUPS_PER_CHUNK
EDGES_PER_CHUNK = GROUPS_PER_CHUNK * 128

ROWS_PER_TILE = N_TOTAL // N_TILES
EPI_ROWS = 125
EPI_CHUNKS = ROWS_PER_TILE // EPI_ROWS

_GATHER_DNUMS = lax.GatherDimensionNumbers(
    offset_dims=(), collapsed_slice_dims=(0,), start_index_map=(0,))


def _splat(vec16, j):
    idx = jnp.full((16, 1), j, jnp.int32)
    return lax.gather(vec16, idx, _GATHER_DNUMS, slice_sizes=(1,),
                      mode=lax.GatherScatterMode.PROMISE_IN_BOUNDS)


def _body(xs_hbm, comb_hbm, w_hbm, y_hbm, out_hbm,
          comb_v, w_v, rows_a, rows_b, zero_v, a_v, b_v, acc,
          sem, gsem_a, gsem_b, ssem_a, ssem_b):
    c_v = zero_v
    c = lax.axis_index("c")
    s = lax.axis_index("s")
    x_h = xs_hbm.at[c]
    y_h = y_hbm.at[c]
    o_h = out_hbm.at[c]

    def zfill(i, _):
        z = jnp.zeros((16,), jnp.float32)
        zero_v[i, pl.ds(0, 16)] = z
        zero_v[i, pl.ds(16, 16)] = z
        return 0
    lax.fori_loop(0, EPI_ROWS, zfill, 0)

    def zero_acc():
        def zb(i, _):
            pltpu.sync_copy(zero_v, acc.at[pl.ds(s * ROWS_PER_TILE + i * EPI_ROWS, EPI_ROWS)])
            return 0
        lax.fori_loop(0, EPI_CHUNKS, zb, 0)

    def weight_mul(rows_v, g):
        def e_body(e16, _):
            w16 = w_v[pl.ds(g * 128 + e16 * 16, 16)]
            for j in range(16):
                wj = _splat(w16, j)
                e = e16 * 16 + j
                rows_v[e, pl.ds(0, 16)] = rows_v[e, pl.ds(0, 16)] * wj
                rows_v[e, pl.ds(16, 16)] = rows_v[e, pl.ds(16, 16)] * wj
            return 0
        lax.fori_loop(0, 8, e_body, 0)

    def do_layer(src_h):
        def chunk_body(ch, _):
            pltpu.sync_copy(comb_hbm.at[s, ch], comb_v)
            pltpu.sync_copy(w_hbm.at[s, pl.ds(ch * EDGES_PER_CHUNK, EDGES_PER_CHUNK)], w_v)

            def pair_body(i, _):
                g0 = i * 2
                dA = pltpu.async_copy(src_h.at[comb_v.at[g0]], rows_a, gsem_a)
                dB = pltpu.async_copy(src_h.at[comb_v.at[g0 + 1]], rows_b, gsem_b)
                dA.wait()
                weight_mul(rows_a, g0)
                sA = pltpu.async_copy(rows_a, acc.at[comb_v.at[GROUPS_PER_CHUNK + g0]], ssem_a, add=True)
                dB.wait()
                weight_mul(rows_b, g0 + 1)
                sB = pltpu.async_copy(rows_b, acc.at[comb_v.at[GROUPS_PER_CHUNK + g0 + 1]], ssem_b, add=True)
                sA.wait()
                sB.wait()
                return 0
            lax.fori_loop(0, GROUPS_PER_CHUNK // 2, pair_body, 0)
            return 0
        lax.fori_loop(0, N_CHUNKS, chunk_body, 0)

    zero_acc()
    plsc.subcore_barrier()
    do_layer(x_h)
    plsc.subcore_barrier()

    def y_copy(i, _):
        r0 = s * ROWS_PER_TILE + i * EPI_ROWS
        pltpu.sync_copy(acc.at[pl.ds(r0, EPI_ROWS)], y_h.at[pl.ds(r0, EPI_ROWS)])
        return 0
    lax.fori_loop(0, EPI_CHUNKS, y_copy, 0)
    zero_acc()
    plsc.subcore_barrier()
    do_layer(y_h)
    plsc.subcore_barrier()

    third = jnp.float32(1.0 / 3.0)

    def epi(i, _):
        r0 = s * ROWS_PER_TILE + i * EPI_ROWS
        pltpu.sync_copy(x_h.at[pl.ds(r0, EPI_ROWS)], a_v)
        pltpu.sync_copy(y_h.at[pl.ds(r0, EPI_ROWS)], b_v)
        pltpu.sync_copy(acc.at[pl.ds(r0, EPI_ROWS)], c_v)

        def erow(r, _):
            for h in (0, 16):
                a_v[r, pl.ds(h, 16)] = (
                    a_v[r, pl.ds(h, 16)] + b_v[r, pl.ds(h, 16)] + c_v[r, pl.ds(h, 16)]
                ) * third
            return 0
        lax.fori_loop(0, EPI_ROWS, erow, 0)
        pltpu.sync_copy(a_v, o_h.at[pl.ds(r0, EPI_ROWS)])
        return 0
    lax.fori_loop(0, EPI_CHUNKS, epi, 0)


@jax.jit
def _run(xs, comb, wp):
    mesh = plsc.VectorSubcoreMesh(core_axis_name="c", subcore_axis_name="s")
    f = pl.kernel(
        _body,
        out_type=(
            jax.ShapeDtypeStruct((2, N_TOTAL, HALF), jnp.float32),
            jax.ShapeDtypeStruct((2, N_TOTAL, HALF), jnp.float32),
        ),
        mesh=mesh,
        scratch_types=[
            pltpu.VMEM((2 * GROUPS_PER_CHUNK, 128), jnp.int32),
            pltpu.VMEM((EDGES_PER_CHUNK,), jnp.float32),
            pltpu.VMEM((128, HALF), jnp.float32),
            pltpu.VMEM((128, HALF), jnp.float32),
            pltpu.VMEM((EPI_ROWS, HALF), jnp.float32),
            pltpu.VMEM((EPI_ROWS, HALF), jnp.float32),
            pltpu.VMEM((EPI_ROWS, HALF), jnp.float32),
            pltpu.VMEM_SHARED((N_TOTAL, HALF), jnp.float32),
            pltpu.SemaphoreType.DMA,
            pltpu.SemaphoreType.DMA,
            pltpu.SemaphoreType.DMA,
            pltpu.SemaphoreType.DMA,
            pltpu.SemaphoreType.DMA,
        ],
        compiler_params=pltpu.CompilerParams(use_tc_tiling_on_sc=False),
    )
    return f(xs, comb, wp)


def kernel(user_emb, item_emb, edge_index, edge_weight):
    x = jnp.concatenate([user_emb, item_emb], axis=0)
    xs = jnp.stack([x[:, :HALF], x[:, HALF:]])
    row = edge_index[0].astype(jnp.int32)
    col = edge_index[1].astype(jnp.int32)
    pad = E_PAD - N_EDGES
    colp = jnp.pad(col, (0, pad)).reshape(N_TILES, N_CHUNKS, GROUPS_PER_CHUNK, 128)
    rowp = jnp.pad(row, (0, pad)).reshape(N_TILES, N_CHUNKS, GROUPS_PER_CHUNK, 128)
    wp = jnp.pad(edge_weight.astype(jnp.float32), (0, pad)).reshape(N_TILES, EDGES_PER_TILE)
    comb = jnp.concatenate([colp, rowp], axis=2)
    _y, out = _run(xs, comb, wp)
    xf = jnp.concatenate([out[0], out[1]], axis=1)
    return xf[:N_USERS], xf[N_USERS:]

# --- scband reference (transcript-rebuilt; emitter-appended) ---
"""Pipeline reference for scband-two-tower-light-gcn-11596411699311 (READ-ONLY COPY).

The authoritative reference and input builder live on the scoring server;
editing this copy changes nothing except your own understanding.
"""

import jax, jax.numpy as jnp
import numpy as np

N_USERS = 25000
N_ITEMS = 25000
EMBED_DIM = 64
NUM_LAYERS = 2
N_EDGES = 800000


def setup_inputs(seed: int = 0) -> dict:
    key = jax.random.key(seed)
    k1, k2, k3, k4 = jax.random.split(key, 4)
    n_total = N_USERS + N_ITEMS
    # xavier_uniform init like nn.init.xavier_uniform_ on [num_emb, dim]
    lim_u = float(np.sqrt(6.0 / (N_USERS + EMBED_DIM)))
    lim_i = float(np.sqrt(6.0 / (N_ITEMS + EMBED_DIM)))
    user_emb = jax.random.uniform(k1, (N_USERS, EMBED_DIM), minval=-lim_u, maxval=lim_u, dtype=jnp.float32)
    item_emb = jax.random.uniform(k2, (N_ITEMS, EMBED_DIM), minval=-lim_i, maxval=lim_i, dtype=jnp.float32)
    # sparse adjacency in COO form: adj[row, col] = edge_weight
    edge_index = jax.random.randint(k3, (2, N_EDGES), 0, n_total)
    edge_weight = jax.random.uniform(k4, (N_EDGES,), dtype=jnp.float32)
    return {
        "user_emb": user_emb,
        "item_emb": item_emb,
        "edge_index": edge_index,
        "edge_weight": edge_weight,
    }


def reference(user_emb, item_emb, edge_index, edge_weight):
    n_users = user_emb.shape[0]
    n_items = item_emb.shape[0]
    n_total = n_users + n_items
    row = edge_index[0]
    col = edge_index[1]
    # x = cat([user_emb.weight, item_emb.weight], dim=0)
    x = jnp.concatenate([user_emb, item_emb], axis=0)
    out = x
    for _ in range(NUM_LAYERS):
        # torch.sparse.mm(adj, out): out_new[row] += w * out[col]
        msgs = out[col] * edge_weight[:, None]
        out = jax.ops.segment_sum(msgs, row, num_segments=n_total)
        x = x + out
    x = x / (NUM_LAYERS + 1)
    return x[:n_users], x[n_users:]

if __name__ == "__main__":
    import jax
    _d = setup_inputs()
    print(jax.jit(kernel)(*tuple(_d.values())))

</pallas_src>

<mosaic_0001>
#map = affine_map<(d0, d1) -> (0, 0, 0)>
#map1 = affine_map<(d0, d1) -> (0, 0, 0, 0)>
#map2 = affine_map<(d0, d1) -> (0, 0)>
module attributes {stable_mosaic.version = 14 : i64} {
  func.func @_body(%arg0: i32, %arg1: i32, %arg2: memref<2x50000x32xf32, #tpu.memory_space<hbm>>, %arg3: memref<16x14x56x128xi32, #tpu.memory_space<hbm>>, %arg4: memref<16x50176xf32, #tpu.memory_space<hbm>>, %arg5: memref<2x50000x32xf32, #tpu.memory_space<hbm>>, %arg6: memref<2x50000x32xf32, #tpu.memory_space<hbm>>, %arg7: memref<56x128xi32, #tpu.memory_space<vmem>>, %arg8: memref<3584xf32, #tpu.memory_space<vmem>>, %arg9: memref<128x32xf32, #tpu.memory_space<vmem>>, %arg10: memref<128x32xf32, #tpu.memory_space<vmem>>, %arg11: memref<125x32xf32, #tpu.memory_space<vmem>>, %arg12: memref<125x32xf32, #tpu.memory_space<vmem>>, %arg13: memref<125x32xf32, #tpu.memory_space<vmem>>, %arg14: memref<50000x32xf32, #tpu.memory_space<vmem_shared>>, %arg15: memref<!tpu.dma_semaphore, #tpu.memory_space<semaphore_mem>>, %arg16: memref<!tpu.dma_semaphore, #tpu.memory_space<semaphore_mem>>, %arg17: memref<!tpu.dma_semaphore, #tpu.memory_space<semaphore_mem>>, %arg18: memref<!tpu.dma_semaphore, #tpu.memory_space<semaphore_mem>>, %arg19: memref<!tpu.dma_semaphore, #tpu.memory_space<semaphore_mem>>) attributes {dimension_semantics = [#tpu.dimension_semantics<core_parallel>, #tpu.dimension_semantics<subcore_parallel>], iteration_bounds = array<i64: 2, 16>, scalar_prefetch = 0 : i64, scratch_operands = 13 : i64, tpu.core_type = #tpu.core_type<sc_vector_subcore>, window_params = [{transform_indices = #map}, {transform_indices = #map1}, {transform_indices = #map2}, {transform_indices = #map}, {transform_indices = #map}]} {
    %scan3A = arith.constant 0 : i32
    %scan3A_0 = arith.constant 0 : i32
    %scan3A_1 = arith.constant 125 : i32
    %scan3A_2 = arith.addi %scan3A_0, %scan3A_1 : i32
    %scan3A_3 = arith.constant 1 : i32
    %scan3A_4 = scf.for %scan3A_52 = %scan3A_0 to %scan3A_2 step %scan3A_3 iter_args(%scan3A_53 = %scan3A) -> (i32)  : i32 {
      %broadcast_in_dim3A = arith.constant 0.000000e+00 : f32
      %broadcast_in_dim3A_54 = vector.broadcast %broadcast_in_dim3A : f32 to vector<16xf32>
      %swap3A = arith.index_cast %scan3A_52 : i32 to index
      %swap3A_55 = arith.constant 0 : index
      %swap3A_56 = tpu.vector_load %arg11[%swap3A, %swap3A_55] {strides = array<i32>} : memref<125x32xf32, #tpu.memory_space<vmem>>, vector<1x16xf32>,
      %swap3A_57 = vector.shape_cast %swap3A_56 : vector<1x16xf32> to vector<16xf32>
      %swap3A_58 = vector.shape_cast %broadcast_in_dim3A_54 : vector<16xf32> to vector<1x16xf32>
      tpu.vector_store %arg11[%swap3A, %swap3A_55], %swap3A_58 {strides = array<i32>} : memref<125x32xf32, #tpu.memory_space<vmem>>, vector<1x16xf32>,
      %swap3A_59 = arith.index_cast %scan3A_52 : i32 to index
      %swap3A_60 = arith.constant 16 : index
      %swap3A_61 = tpu.vector_load %arg11[%swap3A_59, %swap3A_60] {strides = array<i32>} : memref<125x32xf32, #tpu.memory_space<vmem>>, vector<1x16xf32>,
      %swap3A_62 = vector.shape_cast %swap3A_61 : vector<1x16xf32> to vector<16xf32>
      %swap3A_63 = vector.shape_cast %broadcast_in_dim3A_54 : vector<16xf32> to vector<1x16xf32>
      tpu.vector_store %arg11[%swap3A_59, %swap3A_60], %swap3A_63 {strides = array<i32>} : memref<125x32xf32, #tpu.memory_space<vmem>>, vector<1x16xf32>,
      %scan3A_64 = arith.constant 0 : i32
      scf.yield %scan3A_64 : i32
    }
    %scan3A_5 = arith.constant 125 : i32
    %scan3A_6 = arith.constant 0 : i32
    %scan3A_7 = arith.constant 0 : i32
    %scan3A_8 = arith.constant 25 : i32
    %scan3A_9 = arith.addi %scan3A_7, %scan3A_8 : i32
    %scan3A_10 = arith.constant 1 : i32
    %scan3A_11 = scf.for %scan3A_52 = %scan3A_7 to %scan3A_9 step %scan3A_10 iter_args(%scan3A_53 = %scan3A_6) -> (i32)  : i32 {
      %mul3A = arith.constant 3125 : i32
      %mul3A_54 = arith.muli %arg1, %mul3A : i32
      %mul3A_55 = arith.constant 125 : i32
      %mul3A_56 = arith.muli %scan3A_52, %mul3A_55 : i32
      %add3A = arith.addi %mul3A_54, %mul3A_56 : i32
      "tpu.region"() ({
        %run_scoped3A = tpu.sem_alloc : memref<!tpu.dma_semaphore, #tpu.memory_space<semaphore_mem>>
        %dma_start3A = arith.constant 0 : i32
        %dma_start3A_58 = tpu.memref_slice %arg14[%add3A, %dma_start3A] : memref<50000x32xf32, #tpu.memory_space<vmem_shared>> -> memref<125x32xf32, #tpu.memory_space<vmem_shared>>
        %dma_start3A_59 = arith.constant 0 : i32
        %dma_start3A_60 = tpu.memref_slice %arg14[%add3A, %dma_start3A_59] : memref<50000x32xf32, #tpu.memory_space<vmem_shared>> -> memref<125x32xf32, #tpu.memory_space<vmem_shared>>
        tpu.enqueue_dma source(%arg11 : memref<125x32xf32, #tpu.memory_space<vmem>>) target(%dma_start3A_60 : memref<125x32xf32, #tpu.memory_space<vmem_shared>>) target_semaphore(%run_scoped3A : memref<!tpu.dma_semaphore, #tpu.memory_space<semaphore_mem>>)
        %dma_wait3A = arith.constant 0 : i32
        %dma_wait3A_61 = tpu.memref_slice %arg14[%add3A, %dma_wait3A] : memref<50000x32xf32, #tpu.memory_space<vmem_shared>> -> memref<125x32xf32, #tpu.memory_space<vmem_shared>>
        %dma_wait3A_62 = arith.constant 0 : i32
        %dma_wait3A_63 = tpu.memref_slice %arg14[%add3A, %dma_wait3A_62] : memref<50000x32xf32, #tpu.memory_space<vmem_shared>> -> memref<125x32xf32, #tpu.memory_space<vmem_shared>>
        tpu.wait_dma2 semaphore(%run_scoped3A : memref<!tpu.dma_semaphore, #tpu.memory_space<semaphore_mem>>) src(%arg11 : memref<125x32xf32, #tpu.memory_space<vmem>>) dst(%dma_wait3A_63 : memref<125x32xf32, #tpu.memory_space<vmem_shared>>)
        tpu.yield
      }) : () -> ()
      %scan3A_57 = arith.constant 0 : i32
      scf.yield %scan3A_57 : i32
    }
    %scan3A_12 = arith.constant 25 : i32
    %barrier3A = arith.constant 0 : index
    tpu.barrier barrier_id(%barrier3A)
    %scan3A_13 = arith.constant 0 : i32
    %scan3A_14 = arith.constant 0 : i32
    %scan3A_15 = arith.constant 14 : i32
    %scan3A_16 = arith.addi %scan3A_14, %scan3A_15 : i32
    %scan3A_17 = arith.constant 1 : i32
    %scan3A_18 = scf.for %scan3A_52 = %scan3A_14 to %scan3A_16 step %scan3A_17 iter_args(%scan3A_53 = %scan3A_13) -> (i32)  : i32 {
      "tpu.region"() ({
        %run_scoped3A = tpu.sem_alloc : memref<!tpu.dma_semaphore, #tpu.memory_space<semaphore_mem>>
        %dma_start3A = arith.constant 0 : i32
        %dma_start3A_63 = arith.constant 0 : i32
        %dma_start3A_64 = tpu.memref_slice %arg3[%arg1, %scan3A_52, %dma_start3A, %dma_start3A_63] : memref<16x14x56x128xi32, #tpu.memory_space<hbm>> -> memref<1x1x56x128xi32, #tpu.memory_space<hbm>>
        %dma_start3A_65 = tpu.memref_squeeze %dma_start3A_64 : memref<1x1x56x128xi32, #tpu.memory_space<hbm>> -> memref<56x128xi32, #tpu.memory_space<hbm>>
        %dma_start3A_66 = arith.constant 0 : i32
        %dma_start3A_67 = arith.constant 0 : i32
        %dma_start3A_68 = tpu.memref_slice %arg3[%arg1, %scan3A_52, %dma_start3A_66, %dma_start3A_67] : memref<16x14x56x128xi32, #tpu.memory_space<hbm>> -> memref<1x1x56x128xi32, #tpu.memory_space<hbm>>
        %dma_start3A_69 = tpu.memref_squeeze %dma_start3A_68 : memref<1x1x56x128xi32, #tpu.memory_space<hbm>> -> memref<56x128xi32, #tpu.memory_space<hbm>>
        tpu.enqueue_dma source(%dma_start3A_69 : memref<56x128xi32, #tpu.memory_space<hbm>>) target(%arg7 : memref<56x128xi32, #tpu.memory_space<vmem>>) target_semaphore(%run_scoped3A : memref<!tpu.dma_semaphore, #tpu.memory_space<semaphore_mem>>)
        %dma_wait3A = arith.constant 0 : i32
        %dma_wait3A_70 = arith.constant 0 : i32
        %dma_wait3A_71 = tpu.memref_slice %arg3[%arg1, %scan3A_52, %dma_wait3A, %dma_wait3A_70] : memref<16x14x56x128xi32, #tpu.memory_space<hbm>> -> memref<1x1x56x128xi32, #tpu.memory_space<hbm>>
        %dma_wait3A_72 = tpu.memref_squeeze %dma_wait3A_71 : memref<1x1x56x128xi32, #tpu.memory_space<hbm>> -> memref<56x128xi32, #tpu.memory_space<hbm>>
        %dma_wait3A_73 = arith.constant 0 : i32
        %dma_wait3A_74 = arith.constant 0 : i32
        %dma_wait3A_75 = tpu.memref_slice %arg3[%arg1, %scan3A_52, %dma_wait3A_73, %dma_wait3A_74] : memref<16x14x56x128xi32, #tpu.memory_space<hbm>> -> memref<1x1x56x128xi32, #tpu.memory_space<hbm>>
        %dma_wait3A_76 = tpu.memref_squeeze %dma_wait3A_75 : memref<1x1x56x128xi32, #tpu.memory_space<hbm>> -> memref<56x128xi32, #tpu.memory_space<hbm>>
        tpu.wait_dma2 semaphore(%run_scoped3A : memref<!tpu.dma_semaphore, #tpu.memory_space<semaphore_mem>>) src(%dma_wait3A_76 : memref<56x128xi32, #tpu.memory_space<hbm>>) dst(%arg7 : memref<56x128xi32, #tpu.memory_space<vmem>>)
        tpu.yield
      }) : () -> ()
      %mul3A = arith.constant 3584 : i32
      %mul3A_54 = arith.muli %scan3A_52, %mul3A : i32
      "tpu.region"() ({
        %run_scoped3A = tpu.sem_alloc : memref<!tpu.dma_semaphore, #tpu.memory_space<semaphore_mem>>
        %dma_start3A = tpu.memref_slice %arg4[%arg1, %mul3A_54] : memref<16x50176xf32, #tpu.memory_space<hbm>> -> memref<1x3584xf32, #tpu.memory_space<hbm>>
        %dma_start3A_63 = tpu.memref_squeeze %dma_start3A : memref<1x3584xf32, #tpu.memory_space<hbm>> -> memref<3584xf32, #tpu.memory_space<hbm>>
        %dma_start3A_64 = tpu.memref_slice %arg4[%arg1, %mul3A_54] : memref<16x50176xf32, #tpu.memory_space<hbm>> -> memref<1x3584xf32, #tpu.memory_space<hbm>>
        %dma_start3A_65 = tpu.memref_squeeze %dma_start3A_64 : memref<1x3584xf32, #tpu.memory_space<hbm>> -> memref<3584xf32, #tpu.memory_space<hbm>>
        tpu.enqueue_dma source(%dma_start3A_65 : memref<3584xf32, #tpu.memory_space<hbm>>) target(%arg8 : memref<3584xf32, #tpu.memory_space<vmem>>) target_semaphore(%run_scoped3A : memref<!tpu.dma_semaphore, #tpu.memory_space<semaphore_mem>>)
        %dma_wait3A = tpu.memref_slice %arg4[%arg1, %mul3A_54] : memref<16x50176xf32, #tpu.memory_space<hbm>> -> memref<1x3584xf32, #tpu.memory_space<hbm>>
        %dma_wait3A_66 = tpu.memref_squeeze %dma_wait3A : memref<1x3584xf32, #tpu.memory_space<hbm>> -> memref<3584xf32, #tpu.memory_space<hbm>>
        %dma_wait3A_67 = tpu.memref_slice %arg4[%arg1, %mul3A_54] : memref<16x50176xf32, #tpu.memory_space<hbm>> -> memref<1x3584xf32, #tpu.memory_space<hbm>>
        %dma_wait3A_68 = tpu.memref_squeeze %dma_wait3A_67 : memref<1x3584xf32, #tpu.memory_space<hbm>> -> memref<3584xf32, #tpu.memory_space<hbm>>
        tpu.wait_dma2 semaphore(%run_scoped3A : memref<!tpu.dma_semaphore, #tpu.memory_space<semaphore_mem>>) src(%dma_wait3A_68 : memref<3584xf32, #tpu.memory_space<hbm>>) dst(%arg8 : memref<3584xf32, #tpu.memory_space<vmem>>)
        tpu.yield
      }) : () -> ()
      %scan3A_55 = arith.constant 0 : i32
      %scan3A_56 = arith.constant 0 : i32
      %scan3A_57 = arith.constant 14 : i32
      %scan3A_58 = arith.addi %scan3A_56, %scan3A_57 : i32
      %scan3A_59 = arith.constant 1 : i32
      %scan3A_60 = scf.for %scan3A_63 = %scan3A_56 to %scan3A_58 step %scan3A_59 iter_args(%scan3A_64 = %scan3A_55) -> (i32)  : i32 {
        %mul3A_65 = arith.constant 2 : i32
        %mul3A_66 = arith.muli %scan3A_63, %mul3A_65 : i32
        %dma_start3A = arith.constant 0 : i32
        %dma_start3A_67 = tpu.memref_slice %arg7[%mul3A_66, %dma_start3A] : memref<56x128xi32, #tpu.memory_space<vmem>> -> memref<1x128xi32, #tpu.memory_space<vmem>>
        %dma_start3A_68 = tpu.memref_squeeze %dma_start3A_67 : memref<1x128xi32, #tpu.memory_space<vmem>> -> memref<128xi32, #tpu.memory_space<vmem>>
        %dma_start3A_69 = arith.constant 0 : i32
        %dma_start3A_70 = arith.constant 0 : i32
        %dma_start3A_71 = tpu.memref_slice %arg2[%arg0, %dma_start3A_69, %dma_start3A_70] : memref<2x50000x32xf32, #tpu.memory_space<hbm>> -> memref<1x50000x32xf32, #tpu.memory_space<hbm>>
        %dma_start3A_72 = tpu.memref_squeeze %dma_start3A_71 : memref<1x50000x32xf32, #tpu.memory_space<hbm>> -> memref<50000x32xf32, #tpu.memory_space<hbm>>
        %dma_start3A_73 = arith.constant 0 : i32
        %dma_start3A_74 = arith.constant 0 : i32
        %dma_start3A_75 = tpu.memref_slice %dma_start3A_72[%dma_start3A_73, %dma_start3A_74] : memref<50000x32xf32, #tpu.memory_space<hbm>> -> memref<50000x32xf32, #tpu.memory_space<hbm>>
        tpu.enqueue_indirect_dma source(%dma_start3A_75 : memref<50000x32xf32, #tpu.memory_space<hbm>>) target(%arg9 : memref<128x32xf32, #tpu.memory_space<vmem>>) offsets(%dma_start3A_68 : memref<128xi32, #tpu.memory_space<vmem>>) semaphore(%arg16 : memref<!tpu.dma_semaphore, #tpu.memory_space<semaphore_mem>>)
        %add3A = arith.constant 1 : i32
        %add3A_76 = arith.addi %mul3A_66, %add3A : i32
        %dma_start3A_77 = arith.constant 0 : i32
        %dma_start3A_78 = tpu.memref_slice %arg7[%add3A_76, %dma_start3A_77] : memref<56x128xi32, #tpu.memory_space<vmem>> -> memref<1x128xi32, #tpu.memory_space<vmem>>
        %dma_start3A_79 = tpu.memref_squeeze %dma_start3A_78 : memref<1x128xi32, #tpu.memory_space<vmem>> -> memref<128xi32, #tpu.memory_space<vmem>>
        %dma_start3A_80 = arith.constant 0 : i32
        %dma_start3A_81 = arith.constant 0 : i32
        %dma_start3A_82 = tpu.memref_slice %arg2[%arg0, %dma_start3A_80, %dma_start3A_81] : memref<2x50000x32xf32, #tpu.memory_space<hbm>> -> memref<1x50000x32xf32, #tpu.memory_space<hbm>>
        %dma_start3A_83 = tpu.memref_squeeze %dma_start3A_82 : memref<1x50000x32xf32, #tpu.memory_space<hbm>> -> memref<50000x32xf32, #tpu.memory_space<hbm>>
        %dma_start3A_84 = arith.constant 0 : i32
        %dma_start3A_85 = arith.constant 0 : i32
        %dma_start3A_86 = tpu.memref_slice %dma_start3A_83[%dma_start3A_84, %dma_start3A_85] : memref<50000x32xf32, #tpu.memory_space<hbm>> -> memref<50000x32xf32, #tpu.memory_space<hbm>>
        tpu.enqueue_indirect_dma source(%dma_start3A_86 : memref<50000x32xf32, #tpu.memory_space<hbm>>) target(%arg10 : memref<128x32xf32, #tpu.memory_space<vmem>>) offsets(%dma_start3A_79 : memref<128xi32, #tpu.memory_space<vmem>>) semaphore(%arg17 : memref<!tpu.dma_semaphore, #tpu.memory_space<semaphore_mem>>)
        %dma_wait3A = arith.constant 0 : i32
        %dma_wait3A_87 = tpu.memref_slice %arg7[%mul3A_66, %dma_wait3A] : memref<56x128xi32, #tpu.memory_space<vmem>> -> memref<1x128xi32, #tpu.memory_space<vmem>>
        %dma_wait3A_88 = tpu.memref_squeeze %dma_wait3A_87 : memref<1x128xi32, #tpu.memory_space<vmem>> -> memref<128xi32, #tpu.memory_space<vmem>>
        %dma_wait3A_89 = arith.constant 0 : i32
        %dma_wait3A_90 = arith.constant 0 : i32
        %dma_wait3A_91 = tpu.memref_slice %arg2[%arg0, %dma_wait3A_89, %dma_wait3A_90] : memref<2x50000x32xf32, #tpu.memory_space<hbm>> -> memref<1x50000x32xf32, #tpu.memory_space<hbm>>
        %dma_wait3A_92 = tpu.memref_squeeze %dma_wait3A_91 : memref<1x50000x32xf32, #tpu.memory_space<hbm>> -> memref<50000x32xf32, #tpu.memory_space<hbm>>
        %dma_wait3A_93 = arith.constant 0 : i32
        %dma_wait3A_94 = arith.constant 0 : i32
        %dma_wait3A_95 = tpu.memref_slice %dma_wait3A_92[%dma_wait3A_93, %dma_wait3A_94] : memref<50000x32xf32, #tpu.memory_space<hbm>> -> memref<50000x32xf32, #tpu.memory_space<hbm>>
        tpu.wait_indirect_dma semaphore(%arg16 : memref<!tpu.dma_semaphore, #tpu.memory_space<semaphore_mem>>) src(%dma_wait3A_95 : memref<50000x32xf32, #tpu.memory_space<hbm>>) dst(%arg9 : memref<128x32xf32, #tpu.memory_space<vmem>>)
        %scan3A_96 = arith.constant 0 : i32
        %scan3A_97 = arith.constant 0 : i32
        %scan3A_98 = arith.constant 8 : i32
        %scan3A_99 = arith.addi %scan3A_97, %scan3A_98 : i32
        %scan3A_100 = arith.constant 1 : i32
        %scan3A_101 = scf.for %scan3A_153 = %scan3A_97 to %scan3A_99 step %scan3A_100 iter_args(%scan3A_154 = %scan3A_96) -> (i32)  : i32 {
          %mul3A_155 = arith.constant 128 : i32
          %mul3A_156 = arith.muli %mul3A_66, %mul3A_155 : i32
          %mul3A_157 = arith.constant 16 : i32
          %mul3A_158 = arith.muli %scan3A_153, %mul3A_157 : i32
          %add3A_159 = arith.addi %mul3A_156, %mul3A_158 : i32
          %get3A = arith.index_cast %add3A_159 : i32 to index
          %get3A_160 = tpu.vector_load %arg8[%get3A] {strides = array<i32>} : memref<3584xf32, #tpu.memory_space<vmem>>, vector<16xf32>,
          %get3A_161 = vector.shape_cast %get3A_160 : vector<16xf32> to vector<16xf32>
          %broadcast_in_dim3A = arith.constant 0 : i32
          %broadcast_in_dim3A_162 = vector.broadcast %broadcast_in_dim3A : i32 to vector<16x1xi32>
          %gather3A = vector.shape_cast %broadcast_in_dim3A_162 : vector<16x1xi32> to vector<16xi32>
          %gather3A_163 = tpu.dynamic_gather %get3A_161[%gather3A] in [0] : vector<16xf32>, vector<16xi32> -> vector<16xf32>
          %mul3A_164 = arith.constant 16 : i32
          %mul3A_165 = arith.muli %scan3A_153, %mul3A_164 : i32
          %add3A_166 = arith.constant 0 : i32
          %add3A_167 = arith.addi %mul3A_165, %add3A_166 : i32
          %get3A_168 = arith.index_cast %add3A_167 : i32 to index
          %get3A_169 = arith.constant 0 : index
          %get3A_170 = tpu.vector_load %arg9[%get3A_168, %get3A_169] {strides = array<i32>} : memref<128x32xf32, #tpu.memory_space<vmem>>, vector<1x16xf32>,
          %get3A_171 = vector.shape_cast %get3A_170 : vector<1x16xf32> to vector<16xf32>
          %mul3A_172 = arith.mulf %get3A_171, %gather3A_163 : vector<16xf32>
          %swap3A = arith.index_cast %add3A_167 : i32 to index
          %swap3A_173 = arith.constant 0 : index
          %swap3A_174 = tpu.vector_load %arg9[%swap3A, %swap3A_173] {strides = array<i32>} : memref<128x32xf32, #tpu.memory_space<vmem>>, vector<1x16xf32>,
          %swap3A_175 = vector.shape_cast %swap3A_174 : vector<1x16xf32> to vector<16xf32>
          %swap3A_176 = vector.shape_cast %mul3A_172 : vector<16xf32> to vector<1x16xf32>
          tpu.vector_store %arg9[%swap3A, %swap3A_173], %swap3A_176 {strides = array<i32>} : memref<128x32xf32, #tpu.memory_space<vmem>>, vector<1x16xf32>,
          %get3A_177 = arith.index_cast %add3A_167 : i32 to index
          %get3A_178 = arith.constant 16 : index
          %get3A_179 = tpu.vector_load %arg9[%get3A_177, %get3A_178] {strides = array<i32>} : memref<128x32xf32, #tpu.memory_space<vmem>>, vector<1x16xf32>,
          %get3A_180 = vector.shape_cast %get3A_179 : vector<1x16xf32> to vector<16xf32>
          %mul3A_181 = arith.mulf %get3A_180, %gather3A_163 : vector<16xf32>
          %swap3A_182 = arith.index_cast %add3A_167 : i32 to index
          %swap3A_183 = arith.constant 16 : index
          %swap3A_184 = tpu.vector_load %arg9[%swap3A_182, %swap3A_183] {strides = array<i32>} : memref<128x32xf32, #tpu.memory_space<vmem>>, vector<1x16xf32>,
          %swap3A_185 = vector.shape_cast %swap3A_184 : vector<1x16xf32> to vector<16xf32>
          %swap3A_186 = vector.shape_cast %mul3A_181 : vector<16xf32> to vector<1x16xf32>
          tpu.vector_store %arg9[%swap3A_182, %swap3A_183], %swap3A_186 {strides = array<i32>} : memref<128x32xf32, #tpu.memory_space<vmem>>, vector<1x16xf32>,
          %broadcast_in_dim3A_187 = arith.constant 1 : i32
          %broadcast_in_dim3A_188 = vector.broadcast %broadcast_in_dim3A_187 : i32 to vector<16x1xi32>
          %gather3A_189 = vector.shape_cast %broadcast_in_dim3A_188 : vector<16x1xi32> to vector<16xi32>
          %gather3A_190 = tpu.dynamic_gather %get3A_161[%gather3A_189] in [0] : vector<16xf32>, vector<16xi32> -> vector<16xf32>
          %mul3A_191 = arith.constant 16 : i32
          %mul3A_192 = arith.muli %scan3A_153, %mul3A_191 : i32
          %add3A_193 = arith.constant 1 : i32
          %add3A_194 = arith.addi %mul3A_192, %add3A_193 : i32
          %get3A_195 = arith.index_cast %add3A_194 : i32 to index
          %get3A_196 = arith.constant 0 : index
          %get3A_197 = tpu.vector_load %arg9[%get3A_195, %get3A_196] {strides = array<i32>} : memref<128x32xf32, #tpu.memory_space<vmem>>, vector<1x16xf32>,
          %get3A_198 = vector.shape_cast %get3A_197 : vector<1x16xf32> to vector<16xf32>
          %mul3A_199 = arith.mulf %get3A_198, %gather3A_190 : vector<16xf32>
          %swap3A_200 = arith.index_cast %add3A_194 : i32 to index
          %swap3A_201 = arith.constant 0 : index
          %swap3A_202 = tpu.vector_load %arg9[%swap3A_200, %swap3A_201] {strides = array<i32>} : memref<128x32xf32, #tpu.memory_space<vmem>>, vector<1x16xf32>,
          %swap3A_203 = vector.shape_cast %swap3A_202 : vector<1x16xf32> to vector<16xf32>
          %swap3A_204 = vector.shape_cast %mul3A_199 : vector<16xf32> to vector<1x16xf32>
          tpu.vector_store %arg9[%swap3A_200, %swap3A_201], %swap3A_204 {strides = array<i32>} : memref<128x32xf32, #tpu.memory_space<vmem>>, vector<1x16xf32>,
          %get3A_205 = arith.index_cast %add3A_194 : i32 to index
          %get3A_206 = arith.constant 16 : index
          %get3A_207 = tpu.vector_load %arg9[%get3A_205, %get3A_206] {strides = array<i32>} : memref<128x32xf32, #tpu.memory_space<vmem>>, vector<1x16xf32>,
          %get3A_208 = vector.shape_cast %get3A_207 : vector<1x16xf32> to vector<16xf32>
          %mul3A_209 = arith.mulf %get3A_208, %gather3A_190 : vector<16xf32>
          %swap3A_210 = arith.index_cast %add3A_194 : i32 to index
          %swap3A_211 = arith.constant 16 : index
          %swap3A_212 = tpu.vector_load %arg9[%swap3A_210, %swap3A_211] {strides = array<i32>} : memref<128x32xf32, #tpu.memory_space<vmem>>, vector<1x16xf32>,
          %swap3A_213 = vector.shape_cast %swap3A_212 : vector<1x16xf32> to vector<16xf32>
          %swap3A_214 = vector.shape_cast %mul3A_209 : vector<16xf32> to vector<1x16xf32>
          tpu.vector_store %arg9[%swap3A_210, %swap3A_211], %swap3A_214 {strides = array<i32>} : memref<128x32xf32, #tpu.memory_space<vmem>>, vector<1x16xf32>,
          %broadcast_in_dim3A_215 = arith.constant 2 : i32
          %broadcast_in_dim3A_216 = vector.broadcast %broadcast_in_dim3A_215 : i32 to vector<16x1xi32>
          %gather3A_217 = vector.shape_cast %broadcast_in_dim3A_216 : vector<16x1xi32> to vector<16xi32>
          %gather3A_218 = tpu.dynamic_gather %get3A_161[%gather3A_217] in [0] : vector<16xf32>, vector<16xi32> -> vector<16xf32>
          %mul3A_219 = arith.constant 16 : i32
          %mul3A_220 = arith.muli %scan3A_153, %mul3A_219 : i32
          %add3A_221 = arith.constant 2 : i32
          %add3A_222 = arith.addi %mul3A_220, %add3A_221 : i32
          %get3A_223 = arith.index_cast %add3A_222 : i32 to index
          %get3A_224 = arith.constant 0 : index
          %get3A_225 = tpu.vector_load %arg9[%get3A_223, %get3A_224] {strides = array<i32>} : memref<128x32xf32, #tpu.memory_space<vmem>>, vector<1x16xf32>,
          %get3A_226 = vector.shape_cast %get3A_225 : vector<1x16xf32> to vector<16xf32>
          %mul3A_227 = arith.mulf %get3A_226, %gather3A_218 : vector<16xf32>
          %swap3A_228 = arith.index_cast %add3A_222 : i32 to index
          %swap3A_229 = arith.constant 0 : index
          %swap3A_230 = tpu.vector_load %arg9[%swap3A_228, %swap3A_229] {strides = array<i32>} : memref<128x32xf32, #tpu.memory_space<vmem>>, vector<1x16xf32>,
          %swap3A_231 = vector.shape_cast %swap3A_230 : vector<1x16xf32> to vector<16xf32>
          %swap3A_232 = vector.shape_cast %mul3A_227 : vector<16xf32> to vector<1x16xf32>
          tpu.vector_store %arg9[%swap3A_228, %swap3A_229], %swap3A_232 {strides = array<i32>} : memref<128x32xf32, #tpu.memory_space<vmem>>, vector<1x16xf32>,
          %get3A_233 = arith.index_cast %add3A_222 : i32 to index
          %get3A_234 = arith.constant 16 : index
          %get3A_235 = tpu.vector_load %arg9[%get3A_233, %get3A_234] {strides = array<i32>} : memref<128x32xf32, #tpu.memory_space<vmem>>, vector<1x16xf32>,
          %get3A_236 = vector.shape_cast %get3A_235 : vector<1x16xf32> to vector<16xf32>
          %mul3A_237 = arith.mulf %get3A_236, %gather3A_218 : vector<16xf32>
          %swap3A_238 = arith.index_cast %add3A_222 : i32 to index
          %swap3A_239 = arith.constant 16 : index
          %swap3A_240 = tpu.vector_load %arg9[%swap3A_238, %swap3A_239] {strides = array<i32>} : memref<128x32xf32, #tpu.memory_space<vmem>>, vector<1x16xf32>,
          %swap3A_241 = vector.shape_cast %swap3A_240 : vector<1x16xf32> to vector<16xf32>
          %swap3A_242 = vector.shape_cast %mul3A_237 : vector<16xf32> to vector<1x16xf32>
          tpu.vector_store %arg9[%swap3A_238, %swap3A_239], %swap3A_242 {strides = array<i32>} : memref<128x32xf32, #tpu.memory_space<vmem>>, vector<1x16xf32>,
          %broadcast_in_dim3A_243 = arith.constant 3 : i32
          %broadcast_in_dim3A_244 = vector.broadcast %broadcast_in_dim3A_243 : i32 to vector<16x1xi32>
          %gather3A_245 = vector.shape_cast %broadcast_in_dim3A_244 : vector<16x1xi32> to vector<16xi32>
          %gather3A_246 = tpu.dynamic_gather %get3A_161[%gather3A_245] in [0] : vector<16xf32>, vector<16xi32> -> vector<16xf32>
          %mul3A_247 = arith.constant 16 : i32
          %mul3A_248 = arith.muli %scan3A_153, %mul3A_247 : i32
          %add3A_249 = arith.constant 3 : i32
          %add3A_250 = arith.addi %mul3A_248, %add3A_249 : i32
          %get3A_251 = arith.index_cast %add3A_250 : i32 to index
          %get3A_252 = arith.constant 0 : index
          %get3A_253 = tpu.vector_load %arg9[%get3A_251, %get3A_252] {strides = array<i32>} : memref<128x32xf32, #tpu.memory_space<vmem>>, vector<1x16xf32>,
          %get3A_254 = vector.shape_cast %get3A_253 : vector<1x16xf32> to vector<16xf32>
          %mul3A_255 = arith.mulf %get3A_254, %gather3A_246 : vector<16xf32>
          %swap3A_256 = arith.index_cast %add3A_250 : i32 to index
          %swap3A_257 = arith.constant 0 : index
          %swap3A_258 = tpu.vector_load %arg9[%swap3A_256, %swap3A_257] {strides = array<i32>} : memref<128x32xf32, #tpu.memory_space<vmem>>, vector<1x16xf32>,
          %swap3A_259 = vector.shape_cast %swap3A_258 : vector<1x16xf32> to vector<16xf32>
          %swap3A_260 = vector.shape_cast %mul3A_255 : vector<16xf32> to vector<1x16xf32>
          tpu.vector_store %arg9[%swap3A_256, %swap3A_257], %swap3A_260 {strides = array<i32>} : memref<128x32xf32, #tpu.memory_space<vmem>>, vector<1x16xf32>,
          %get3A_261 = arith.index_cast %add3A_250 : i32 to index
          %get3A_262 = arith.constant 16 : index
          %get3A_263 = tpu.vector_load %arg9[%get3A_261, %get3A_262] {strides = array<i32>} : memref<128x32xf32, #tpu.memory_space<vmem>>, vector<1x16xf32>,
          %get3A_264 = vector.shape_cast %get3A_263 : vector<1x16xf32> to vector<16xf32>
          %mul3A_265 = arith.mulf %get3A_264, %gather3A_246 : vector<16xf32>
          %swap3A_266 = arith.index_cast %add3A_250 : i32 to index
          %swap3A_267 = arith.constant 16 : index
          %swap3A_268 = tpu.vector_load %arg9[%swap3A_266, %swap3A_267] {strides = array<i32>} : memref<128x32xf32, #tpu.memory_space<vmem>>, vector<1x16xf32>,
          %swap3A_269 = vector.shape_cast %swap3A_268 : vector<1x16xf32> to vector<16xf32>
          %swap3A_270 = vector.shape_cast %mul3A_265 : vector<16xf32> to vector<1x16xf32>
          tpu.vector_store %arg9[%swap3A_266, %swap3A_267], %swap3A_270 {strides = array<i32>} : memref<128x32xf32, #tpu.memory_space<vmem>>, vector<1x16xf32>,
          %broadcast_in_dim3A_271 = arith.constant 4 : i32
          %broadcast_in_dim3A_272 = vector.broadcast %broadcast_in_dim3A_271 : i32 to vector<16x1xi32>
          %gather3A_273 = vector.shape_cast %broadcast_in_dim3A_272 : vector<16x1xi32> to vector<16xi32>
          %gather3A_274 = tpu.dynamic_gather %get3A_161[%gather3A_273] in [0] : vector<16xf32>, vector<16xi32> -> vector<16xf32>
          %mul3A_275 = arith.constant 16 : i32
          %mul3A_276 = arith.muli %scan3A_153, %mul3A_275 : i32
          %add3A_277 = arith.constant 4 : i32
          %add3A_278 = arith.addi %mul3A_276, %add3A_277 : i32
          %get3A_279 = arith.index_cast %add3A_278 : i32 to index
          %get3A_280 = arith.constant 0 : index
          %get3A_281 = tpu.vector_load %arg9[%get3A_279, %get3A_280] {strides = array<i32>} : memref<128x32xf32, #tpu.memory_space<vmem>>, vector<1x16xf32>,
          %get3A_282 = vector.shape_cast %get3A_281 : vector<1x16xf32> to vector<16xf32>
          %mul3A_283 = arith.mulf %get3A_282, %gather3A_274 : vector<16xf32>
          %swap3A_284 = arith.index_cast %add3A_278 : i32 to index
          %swap3A_285 = arith.constant 0 : index
          %swap3A_286 = tpu.vector_load %arg9[%swap3A_284, %swap3A_285] {strides = array<i32>} : memref<128x32xf32, #tpu.memory_space<vmem>>, vector<1x16xf32>,
          %swap3A_287 = vector.shape_cast %swap3A_286 : vector<1x16xf32> to vector<16xf32>
          %swap3A_288 = vector.shape_cast %mul3A_283 : vector<16xf32> to vector<1x16xf32>
          tpu.vector_store %arg9[%swap3A_284, %swap3A_285], %swap3A_288 {strides = array<i32>} : memref<128x32xf32, #tpu.memory_space<vmem>>, vector<1x16xf32>,
          %get3A_289 = arith.index_cast %add3A_278 : i32 to index
          %get3A_290 = arith.constant 16 : index
          %get3A_291 = tpu.vector_load %arg9[%get3A_289, %get3A_290] {strides = array<i32>} : memref<128x32xf32, #tpu.memory_space<vmem>>, vector<1x16xf32>,
          %get3A_292 = vector.shape_cast %get3A_291 : vector<1x16xf32> to vector<16xf32>
          %mul3A_293 = arith.mulf %get3A_292, %gather3A_274 : vector<16xf32>
          %swap3A_294 = arith.index_cast %add3A_278 : i32 to index
          %swap3A_295 = arith.constant 16 : index
          %swap3A_296 = tpu.vector_load %arg9[%swap3A_294, %swap3A_295] {strides = array<i32>} : memref<128x32xf32, #tpu.memory_space<vmem>>, vector<1x16xf32>,
          %swap3A_297 = vector.shape_cast %swap3A_296 : vector<1x16xf32> to vector<16xf32>
          %swap3A_298 = vector.shape_cast %mul3A_293 : vector<16xf32> to vector<1x16xf32>
          tpu.vector_store %arg9[%swap3A_294, %swap3A_295], %swap3A_298 {strides = array<i32>} : memref<128x32xf32, #tpu.memory_space<vmem>>, vector<1x16xf32>,
          %broadcast_in_dim3A_299 = arith.constant 5 : i32
          %broadcast_in_dim3A_300 = vector.broadcast %broadcast_in_dim3A_299 : i32 to vector<16x1xi32>
          %gather3A_301 = vector.shape_cast %broadcast_in_dim3A_300 : vector<16x1xi32> to vector<16xi32>
          %gather3A_302 = tpu.dynamic_gather %get3A_161[%gather3A_301] in [0] : vector<16xf32>, vector<16xi32> -> vector<16xf32>
          %mul3A_303 = arith.constant 16 : i32
          %mul3A_304 = arith.muli %scan3A_153, %mul3A_303 : i32
          %add3A_305 = arith.constant 5 : i32
          %add3A_306 = arith.addi %mul3A_304, %add3A_305 : i32
          %get3A_307 = arith.index_cast %add3A_306 : i32 to index
          %get3A_308 = arith.constant 0 : index
          %get3A_309 = tpu.vector_load %arg9[%get3A_307, %get3A_308] {strides = array<i32>} : memref<128x32xf32, #tpu.memory_space<vmem>>, vector<1x16xf32>,
          %get3A_310 = vector.shape_cast %get3A_309 : vector<1x16xf32> to vector<16xf32>
          %mul3A_311 = arith.mulf %get3A_310, %gather3A_302 : vector<16xf32>
          %swap3A_312 = arith.index_cast %add3A_306 : i32 to index
          %swap3A_313 = arith.constant 0 : index
          %swap3A_314 = tpu.vector_load %arg9[%swap3A_312, %swap3A_313] {strides = array<i32>} : memref<128x32xf32, #tpu.memory_space<vmem>>, vector<1x16xf32>,
          %swap3A_315 = vector.shape_cast %swap3A_314 : vector<1x16xf32> to vector<16xf32>
          %swap3A_316 = vector.shape_cast %mul3A_311 : vector<16xf32> to vector<1x16xf32>
          tpu.vector_store %arg9[%swap3A_312, %swap3A_313], %swap3A_316 {strides = array<i32>} : memref<128x32xf32, #tpu.memory_space<vmem>>, vector<1x16xf32>,
          %get3A_317 = arith.index_cast %add3A_306 : i32 to index
          %get3A_318 = arith.constant 16 : index
          %get3A_319 = tpu.vector_load %arg9[%get3A_317, %get3A_318] {strides = array<i32>} : memref<128x32xf32, #tpu.memory_space<vmem>>, vector<1x16xf32>,
          %get3A_320 = vector.shape_cast %get3A_319 : vector<1x16xf32> to vector<16xf32>
          %mul3A_321 = arith.mulf %get3A_320, %gather3A_302 : vector<16xf32>
          %swap3A_322 = arith.index_cast %add3A_306 : i32 to index
          %swap3A_323 = arith.constant 16 : index
          %swap3A_324 = tpu.vector_load %arg9[%swap3A_322, %swap3A_323] {strides = array<i32>} : memref<128x32xf32, #tpu.memory_space<vmem>>, vector<1x16xf32>,
          %swap3A_325 = vector.shape_cast %swap3A_324 : vector<1x16xf32> to vector<16xf32>
          %swap3A_326 = vector.shape_cast %mul3A_321 : vector<16xf32> to vector<1x16xf32>
          tpu.vector_store %arg9[%swap3A_322, %swap3A_323], %swap3A_326 {strides = array<i32>} : memref<128x32xf32, #tpu.memory_space<vmem>>, vector<1x16xf32>,
          %broadcast_in_dim3A_327 = arith.constant 6 : i32
          %broadcast_in_dim3A_328 = vector.broadcast %broadcast_in_dim3A_327 : i32 to vector<16x1xi32>
          %gather3A_329 = vector.shape_cast %broadcast_in_dim3A_328 : vector<16x1xi32> to vector<16xi32>
          %gather3A_330 = tpu.dynamic_gather %get3A_161[%gather3A_329] in [0] : vector<16xf32>, vector<16xi32> -> vector<16xf32>
          %mul3A_331 = arith.constant 16 : i32
          %mul3A_332 = arith.muli %scan3A_153, %mul3A_331 : i32
          %add3A_333 = arith.constant 6 : i32
          %add3A_334 = arith.addi %mul3A_332, %add3A_333 : i32
          %get3A_335 = arith.index_cast %add3A_334 : i32 to index
          %get3A_336 = arith.constant 0 : index
          %get3A_337 = tpu.vector_load %arg9[%get3A_335, %get3A_336] {strides = array<i32>} : memref<128x32xf32, #tpu.memory_space<vmem>>, vector<1x16xf32>,
          %get3A_338 = vector.shape_cast %get3A_337 : vector<1x16xf32> to vector<16xf32>
          %mul3A_339 = arith.mulf %get3A_338, %gather3A_330 : vector<16xf32>
          %swap3A_340 = arith.index_cast %add3A_334 : i32 to index
          %swap3A_341 = arith.constant 0 : index
          %swap3A_342 = tpu.vector_load %arg9[%swap3A_340, %swap3A_341] {strides = array<i32>} : memref<128x32xf32, #tpu.memory_space<vmem>>, vector<1x16xf32>,
          %swap3A_343 = vector.shape_cast %swap3A_342 : vector<1x16xf32> to vector<16xf32>
          %swap3A_344 = vector.shape_cast %mul3A_339 : vector<16xf32> to vector<1x16xf32>
          tpu.vector_store %arg9[%swap3A_340, %swap3A_341], %swap3A_344 {strides = array<i32>} : memref<128x32xf32, #tpu.memory_space<vmem>>, vector<1x16xf32>,
          %get3A_345 = arith.index_cast %add3A_334 : i32 to index
          %get3A_346 = arith.constant 16 : index
          %get3A_347 = tpu.vector_load %arg9[%get3A_345, %get3A_346] {strides = array<i32>} : memref<128x32xf32, #tpu.memory_space<vmem>>, vector<1x16xf32>,
          %get3A_348 = vector.shape_cast %get3A_347 : vector<1x16xf32> to vector<16xf32>
          %mul3A_349 = arith.mulf %get3A_348, %gather3A_330 : vector<16xf32>
          %swap3A_350 = arith.index_cast %add3A_334 : i32 to index
          %swap3A_351 = arith.constant 16 : index
          %swap3A_352 = tpu.vector_load %arg9[%swap3A_350, %swap3A_351] {strides = array<i32>} : memref<128x32xf32, #tpu.memory_space<vmem>>, vector<1x16xf32>,
          %swap3A_353 = vector.shape_cast %swap3A_352 : vector<1x16xf32> to vector<16xf32>
          %swap3A_354 = vector.shape_cast %mul3A_349 : vector<16xf32> to vector<1x16xf32>
          tpu.vector_store %arg9[%swap3A_350, %swap3A_351], %swap3A_354 {strides = array<i32>} : memref<128x32xf32, #tpu.memory_space<vmem>>, vector<1x16xf32>,
          %broadcast_in_dim3A_355 = arith.constant 7 : i32
          %broadcast_in_dim3A_356 = vector.broadcast %broadcast_in_dim3A_355 : i32 to vector<16x1xi32>
          %gather3A_357 = vector.shape_cast %broadcast_in_dim3A_356 : vector<16x1xi32> to vector<16xi32>
          %gather3A_358 = tpu.dynamic_gather %get3A_161[%gather3A_357] in [0] : vector<16xf32>, vector<16xi32> -> vector<16xf32>
          %mul3A_359 = arith.constant 16 : i32
          %mul3A_360 = arith.muli %scan3A_153, %mul3A_359 : i32
          %add3A_361 = arith.constant 7 : i32
          %add3A_362 = arith.addi %mul3A_360, %add3A_361 : i32
          %get3A_363 = arith.index_cast %add3A_362 : i32 to index
          %get3A_364 = arith.constant 0 : index
          %get3A_365 = tpu.vector_load %arg9[%get3A_363, %get3A_364] {strides = array<i32>} : memref<128x32xf32, #tpu.memory_space<vmem>>, vector<1x16xf32>,
          %get3A_366 = vector.shape_cast %get3A_365 : vector<1x16xf32> to vector<16xf32>
          %mul3A_367 = arith.mulf %get3A_366, %gather3A_358 : vector<16xf32>
          %swap3A_368 = arith.index_cast %add3A_362 : i32 to index
          %swap3A_369 = arith.constant 0 : index
          %swap3A_370 = tpu.vector_load %arg9[%swap3A_368, %swap3A_369] {strides = array<i32>} : memref<128x32xf32, #tpu.memory_space<vmem>>, vector<1x16xf32>,
          %swap3A_371 = vector.shape_cast %swap3A_370 : vector<1x16xf32> to vector<16xf32>
          %swap3A_372 = vector.shape_cast %mul3A_367 : vector<16xf32> to vector<1x16xf32>
          tpu.vector_store %arg9[%swap3A_368, %swap3A_369], %swap3A_372 {strides = array<i32>} : memref<128x32xf32, #tpu.memory_space<vmem>>, vector<1x16xf32>,
          %get3A_373 = arith.index_cast %add3A_362 : i32 to index
          %get3A_374 = arith.constant 16 : index
          %get3A_375 = tpu.vector_load %arg9[%get3A_373, %get3A_374] {strides = array<i32>} : memref<128x32xf32, #tpu.memory_space<vmem>>, vector<1x16xf32>,
          %get3A_376 = vector.shape_cast %get3A_375 : vector<1x16xf32> to vector<16xf32>
          %mul3A_377 = arith.mulf %get3A_376, %gather3A_358 : vector<16xf32>
          %swap3A_378 = arith.index_cast %add3A_362 : i32 to index
          %swap3A_379 = arith.constant 16 : index
          %swap3A_380 = tpu.vector_load %arg9[%swap3A_378, %swap3A_379] {strides = array<i32>} : memref<128x32xf32, #tpu.memory_space<vmem>>, vector<1x16xf32>,
          %swap3A_381 = vector.shape_cast %swap3A_380 : vector<1x16xf32> to vector<16xf32>
          %swap3A_382 = vector.shape_cast %mul3A_377 : vector<16xf32> to vector<1x16xf32>
          tpu.vector_store %arg9[%swap3A_378, %swap3A_379], %swap3A_382 {strides = array<i32>} : memref<128x32xf32, #tpu.memory_space<vmem>>, vector<1x16xf32>,
          %broadcast_in_dim3A_383 = arith.constant 8 : i32
          %broadcast_in_dim3A_384 = vector.broadcast %broadcast_in_dim3A_383 : i32 to vector<16x1xi32>
          %gather3A_385 = vector.shape_cast %broadcast_in_dim3A_384 : vector<16x1xi32> to vector<16xi32>
          %gather3A_386 = tpu.dynamic_gather %get3A_161[%gather3A_385] in [0] : vector<16xf32>, vector<16xi32> -> vector<16xf32>
          %mul3A_387 = arith.constant 16 : i32
          %mul3A_388 = arith.muli %scan3A_153, %mul3A_387 : i32
          %add3A_389 = arith.constant 8 : i32
          %add3A_390 = arith.addi %mul3A_388, %add3A_389 : i32
          %get3A_391 = arith.index_cast %add3A_390 : i32 to index
          %get3A_392 = arith.constant 0 : index
          %get3A_393 = tpu.vector_load %arg9[%get3A_391, %get3A_392] {strides = array<i32>} : memref<128x32xf32, #tpu.memory_space<vmem>>, vector<1x16xf32>,
          %get3A_394 = vector.shape_cast %get3A_393 : vector<1x16xf32> to vector<16xf32>
          %mul3A_395 = arith.mulf %get3A_394, %gather3A_386 : vector<16xf32>
          %swap3A_396 = arith.index_cast %add3A_390 : i32 to index
          %swap3A_397 = arith.constant 0 : index
          %swap3A_398 = tpu.vector_load %arg9[%swap3A_396, %swap3A_397] {strides = array<i32>} : memref<128x32xf32, #tpu.memory_space<vmem>>, vector<1x16xf32>,
          %swap3A_399 = vector.shape_cast %swap3A_398 : vector<1x16xf32> to vector<16xf32>
          %swap3A_400 = vector.shape_cast %mul3A_395 : vector<16xf32> to vector<1x16xf32>
          tpu.vector_store %arg9[%swap3A_396, %swap3A_397], %swap3A_400 {strides = array<i32>} : memref<128x32xf32, #tpu.memory_space<vmem>>, vector<1x16xf32>,
          %get3A_401 = arith.index_cast %add3A_390 : i32 to index
          %get3A_402 = arith.constant 16 : index
          %get3A_403 = tpu.vector_load %arg9[%get3A_401, %get3A_402] {strides = array<i32>} : memref<128x32xf32, #tpu.memory_space<vmem>>, vector<1x16xf32>,
          %get3A_404 = vector.shape_cast %get3A_403 : vector<1x16xf32> to vector<16xf32>
          %mul3A_405 = arith.mulf %get3A_404, %gather3A_386 : vector<16xf32>
          %swap3A_406 = arith.index_cast %add3A_390 : i32 to index
          %swap3A_407 = arith.constant 16 : index
          %swap3A_408 = tpu.vector_load %arg9[%swap3A_406, %swap3A_407] {strides = array<i32>} : memref<128x32xf32, #tpu.memory_space<vmem>>, vector<1x16xf32>,
          %swap3A_409 = vector.shape_cast %swap3A_408 : vector<1x16xf32> to vector<16xf32>
          %swap3A_410 = vector.shape_cast %mul3A_405 : vector<16xf32> to vector<1x16xf32>
          tpu.vector_store %arg9[%swap3A_406, %swap3A_407], %swap3A_410 {strides = array<i32>} : memref<128x32xf32, #tpu.memory_space<vmem>>, vector<1x16xf32>,
          %broadcast_in_dim3A_411 = arith.constant 9 : i32
          %broadcast_in_dim3A_412 = vector.broadcast %broadcast_in_dim3A_411 : i32 to vector<16x1xi32>
          %gather3A_413 = vector.shape_cast %broadcast_in_dim3A_412 : vector<16x1xi32> to vector<16xi32>
          %gather3A_414 = tpu.dynamic_gather %get3A_161[%gather3A_413] in [0] : vector<16xf32>, vector<16xi32> -> vector<16xf32>
          %mul3A_415 = arith.constant 16 : i32
          %mul3A_416 = arith.muli %scan3A_153, %mul3A_415 : i32
          %add3A_417 = arith.constant 9 : i32
          %add3A_418 = arith.addi %mul3A_416, %add3A_417 : i32
          %get3A_419 = arith.index_cast %add3A_418 : i32 to index
          %get3A_420 = arith.constant 0 : index
          %get3A_421 = tpu.vector_load %arg9[%get3A_419, %get3A_420] {strides = array<i32>} : memref<128x32xf32, #tpu.memory_space<vmem>>, vector<1x16xf32>,
          %get3A_422 = vector.shape_cast %get3A_421 : vector<1x16xf32> to vector<16xf32>
          %mul3A_423 = arith.mulf %get3A_422, %gather3A_414 : vector<16xf32>
          %swap3A_424 = arith.index_cast %add3A_418 : i32 to index
          %swap3A_425 = arith.constant 0 : index
          %swap3A_426 = tpu.vector_load %arg9[%swap3A_424, %swap3A_425] {strides = array<i32>} : memref<128x32xf32, #tpu.memory_space<vmem>>, vector<1x16xf32>,
          %swap3A_427 = vector.shape_cast %swap3A_426 : vector<1x16xf32> to vector<16xf32>
          %swap3A_428 = vector.shape_cast %mul3A_423 : vector<16xf32> to vector<1x16xf32>
          tpu.vector_store %arg9[%swap3A_424, %swap3A_425], %swap3A_428 {strides = array<i32>} : memref<128x32xf32, #tpu.memory_space<vmem>>, vector<1x16xf32>,
          %get3A_429 = arith.index_cast %add3A_418 : i32 to index
          %get3A_430 = arith.constant 16 : index
          %get3A_431 = tpu.vector_load %arg9[%get3A_429, %get3A_430] {strides = array<i32>} : memref<128x32xf32, #tpu.memory_space<vmem>>, vector<1x16xf32>,
          %get3A_432 = vector.shape_cast %get3A_431 : vector<1x16xf32> to vector<16xf32>
          %mul3A_433 = arith.mulf %get3A_432, %gather3A_414 : vector<16xf32>
          %swap3A_434 = arith.index_cast %add3A_418 : i32 to index
          %swap3A_435 = arith.constant 16 : index
          %swap3A_436 = tpu.vector_load %arg9[%swap3A_434, %swap3A_435] {strides = array<i32>} : memref<128x32xf32, #tpu.memory_space<vmem>>, vector<1x16xf32>,
          %swap3A_437 = vector.shape_cast %swap3A_436 : vector<1x16xf32> to vector<16xf32>
          %swap3A_438 = vector.shape_cast %mul3A_433 : vector<16xf32> to vector<1x16xf32>
          tpu.vector_store %arg9[%swap3A_434, %swap3A_435], %swap3A_438 {strides = array<i32>} : memref<128x32xf32, #tpu.memory_space<vmem>>, vector<1x16xf32>,
          %broadcast_in_dim3A_439 = arith.constant 10 : i32
          %broadcast_in_dim3A_440 = vector.broadcast %broadcast_in_dim3A_439 : i32 to vector<16x1xi32>
          %gather3A_441 = vector.shape_cast %broadcast_in_dim3A_440 : vector<16x1xi32> to vector<16xi32>
          %gather3A_442 = tpu.dynamic_gather %get3A_161[%gather3A_441] in [0] : vector<16xf32>, vector<16xi32> -> vector<16xf32>
          %mul3A_443 = arith.constant 16 : i32
          %mul3A_444 = arith.muli %scan3A_153, %mul3A_443 : i32
          %add3A_445 = arith.constant 10 : i32
          %add3A_446 = arith.addi %mul3A_444, %add3A_445 : i32
          %get3A_447 = arith.index_cast %add3A_446 : i32 to index
          %get3A_448 = arith.constant 0 : index
          %get3A_449 = tpu.vector_load %arg9[%get3A_447, %get3A_448] {strides = array<i32>} : memref<128x32xf32, #tpu.memory_space<vmem>>, vector<1x16xf32>,
          %get3A_450 = vector.shape_cast %get3A_449 : vector<1x16xf32> to vector<16xf32>
          %mul3A_451 = arith.mulf %get3A_450, %gather3A_442 : vector<16xf32>
          %swap3A_452 = arith.index_cast %add3A_446 : i32 to index
          %swap3A_453 = arith.constant 0 : index
          %swap3A_454 = tpu.vector_load %arg9[%swap3A_452, %swap3A_453] {strides = array<i32>} : memref<128x32xf32, #tpu.memory_space<vmem>>, vector<1x16xf32>,
          %swap3A_455 = vector.shape_cast %swap3A_454 : vector<1x16xf32> to vector<16xf32>
          %swap3A_456 = vector.shape_cast %mul3A_451 : vector<16xf32> to vector<1x16xf32>
          tpu.vector_store %arg9[%swap3A_452, %swap3A_453], %swap3A_456 {strides = array<i32>} : memref<128x32xf32, #tpu.memory_space<vmem>>, vector<1x16xf32>,
          %get3A_457 = arith.index_cast %add3A_446 : i32 to index
          %get3A_458 = arith.constant 16 : index
          %get3A_459 = tpu.vector_load %arg9[%get3A_457, %get3A_458] {strides = array<i32>} : memref<128x32xf32, #tpu.memory_space<vmem>>, vector<1x16xf32>,
          %get3A_460 = vector.shape_cast %get3A_459 : vector<1x16xf32> to vector<16xf32>
          %mul3A_461 = arith.mulf %get3A_460, %gather3A_442 : vector<16xf32>
          %swap3A_462 = arith.index_cast %add3A_446 : i32 to index
          %swap3A_463 = arith.constant 16 : index
          %swap3A_464 = tpu.vector_load %arg9[%swap3A_462, %swap3A_463] {strides = array<i32>} : memref<128x32xf32, #tpu.memory_space<vmem>>, vector<1x16xf32>,
          %swap3A_465 = vector.shape_cast %swap3A_464 : vector<1x16xf32> to vector<16xf32>
          %swap3A_466 = vector.shape_cast %mul3A_461 : vector<16xf32> to vector<1x16xf32>
          tpu.vector_store %arg9[%swap3A_462, %swap3A_463], %swap3A_466 {strides = array<i32>} : memref<128x32xf32, #tpu.memory_space<vmem>>, vector<1x16xf32>,
          %broadcast_in_dim3A_467 = arith.constant 11 : i32
          %broadcast_in_dim3A_468 = vector.broadcast %broadcast_in_dim3A_467 : i32 to vector<16x1xi32>
          %gather3A_469 = vector.shape_cast %broadcast_in_dim3A_468 : vector<16x1xi32> to vector<16xi32>
          %gather3A_470 = tpu.dynamic_gather %get3A_161[%gather3A_469] in [0] : vector<16xf32>, vector<16xi32> -> vector<16xf32>
          %mul3A_471 = arith.constant 16 : i32
          %mul3A_472 = arith.muli %scan3A_153, %mul3A_471 : i32
          %add3A_473 = arith.constant 11 : i32
          %add3A_474 = arith.addi %mul3A_472, %add3A_473 : i32
          %get3A_475 = arith.index_cast %add3A_474 : i32 to index
          %get3A_476 = arith.constant 0 : index
          %get3A_477 = tpu.vector_load %arg9[%get3A_475, %get3A_476] {strides = array<i32>} : memref<128x32xf32, #tpu.memory_space<vmem>>, vector<1x16xf32>,
          %get3A_478 = vector.shape_cast %get3A_477 : vector<1x16xf32> to vector<16xf32>
          %mul3A_479 = arith.mulf %get3A_478, %gather3A_470 : vector<16xf32>
          %swap3A_480 = arith.index_cast %add3A_474 : i32 to index
          %swap3A_481 = arith.constant 0 : index
          %swap3A_482 = tpu.vector_load %arg9[%swap3A_480, %swap3A_481] {strides = array<i32>} : memref<128x32xf32, #tpu.memory_space<vmem>>, vector<1x16xf32>,
          %swap3A_483 = vector.shape_cast %swap3A_482 : vector<1x16xf32> to vector<16xf32>
          %swap3A_484 = vector.shape_cast %mul3A_479 : vector<16xf32> to vector<1x16xf32>
          tpu.vector_store %arg9[%swap3A_480, %swap3A_481], %swap3A_484 {strides = array<i32>} : memref<128x32xf32, #tpu.memory_space<vmem>>, vector<1x16xf32>,
          %get3A_485 = arith.index_cast %add3A_474 : i32 to index
          %get3A_486 = arith.constant 16 : index
          %get3A_487 = tpu.vector_load %arg9[%get3A_485, %get3A_486] {strides = array<i32>} : memref<128x32xf32, #tpu.memory_space<vmem>>, vector<1x16xf32>,
          %get3A_488 = vector.shape_cast %get3A_487 : vector<1x16xf32> to vector<16xf32>
          %mul3A_489 = arith.mulf %get3A_488, %gather3A_470 : vector<16xf32>
          %swap3A_490 = arith.index_cast %add3A_474 : i32 to index
          %swap3A_491 = arith.constant 16 : index
          %swap3A_492 = tpu.vector_load %arg9[%swap3A_490, %swap3A_491] {strides = array<i32>} : memref<128x32xf32, #tpu.memory_space<vmem>>, vector<1x16xf32>,
          %swap3A_493 = vector.shape_cast %swap3A_492 : vector<1x16xf32> to vector<16xf32>
          %swap3A_494 = vector.shape_cast %mul3A_489 : vector<16xf32> to vector<1x16xf32>
          tpu.vector_store %arg9[%swap3A_490, %swap3A_491], %swap3A_494 {strides = array<i32>} : memref<128x32xf32, #tpu.memory_space<vmem>>, vector<1x16xf32>,
          %broadcast_in_dim3A_495 = arith.constant 12 : i32
          %broadcast_in_dim3A_496 = vector.broadcast %broadcast_in_dim3A_495 : i32 to vector<16x1xi32>
          %gather3A_497 = vector.shape_cast %broadcast_in_dim3A_496 : vector<16x1xi32> to vector<16xi32>
          %gather3A_498 = tpu.dynamic_gather %get3A_161[%gather3A_497] in [0] : vector<16xf32>, vector<16xi32> -> vector<16xf32>
          %mul3A_499 = arith.constant 16 : i32
          %mul3A_500 = arith.muli %scan3A_153, %mul3A_499 : i32
          %add3A_501 = arith.constant 12 : i32
          %add3A_502 = arith.addi %mul3A_500, %add3A_501 : i32
          %get3A_503 = arith.index_cast %add3A_502 : i32 to index
          %get3A_504 = arith.constant 0 : index
          %get3A_505 = tpu.vector_load %arg9[%get3A_503, %get3A_504] {strides = array<i32>} : memref<128x32xf32, #tpu.memory_space<vmem>>, vector<1x16xf32>,
          %get3A_506 = vector.shape_cast %get3A_505 : vector<1x16xf32> to vector<16xf32>
          %mul3A_507 = arith.mulf %get3A_506, %gather3A_498 : vector<16xf32>
          %swap3A_508 = arith.index_cast %add3A_502 : i32 to index
          %swap3A_509 = arith.constant 0 : index
          %swap3A_510 = tpu.vector_load %arg9[%swap3A_508, %swap3A_509] {strides = array<i32>} : memref<128x32xf32, #tpu.memory_space<vmem>>, vector<1x16xf32>,
          %swap3A_511 = vector.shape_cast %swap3A_510 : vector<1x16xf32> to vector<16xf32>
          %swap3A_512 = vector.shape_cast %mul3A_507 : vector<16xf32> to vector<1x16xf32>
          tpu.vector_store %arg9[%swap3A_508, %swap3A_509], %swap3A_512 {strides = array<i32>} : memref<128x32xf32, #tpu.memory_space<vmem>>, vector<1x16xf32>,
          %get3A_513 = arith.index_cast %add3A_502 : i32 to index
          %get3A_514 = arith.constant 16 : index
          %get3A_515 = tpu.vector_load %arg9[%get3A_513, %get3A_514] {strides = array<i32>} : memref<128x32xf32, #tpu.memory_space<vmem>>, vector<1x16xf32>,
          %get3A_516 = vector.shape_cast %get3A_515 : vector<1x16xf32> to vector<16xf32>
          %mul3A_517 = arith.mulf %get3A_516, %gather3A_498 : vector<16xf32>
          %swap3A_518 = arith.index_cast %add3A_502 : i32 to index
          %swap3A_519 = arith.constant 16 : index
          %swap3A_520 = tpu.vector_load %arg9[%swap3A_518, %swap3A_519] {strides = array<i32>} : memref<128x32xf32, #tpu.memory_space<vmem>>, vector<1x16xf32>,
          %swap3A_521 = vector.shape_cast %swap3A_520 : vector<1x16xf32> to vector<16xf32>
          %swap3A_522 = vector.shape_cast %mul3A_517 : vector<16xf32> to vector<1x16xf32>
          tpu.vector_store %arg9[%swap3A_518, %swap3A_519], %swap3A_522 {strides = array<i32>} : memref<128x32xf32, #tpu.memory_space<vmem>>, vector<1x16xf32>,
          %broadcast_in_dim3A_523 = arith.constant 13 : i32
          %broadcast_in_dim3A_524 = vector.broadcast %broadcast_in_dim3A_523 : i32 to vector<16x1xi32>
          %gather3A_525 = vector.shape_cast %broadcast_in_dim3A_524 : vector<16x1xi32> to vector<16xi32>
          %gather3A_526 = tpu.dynamic_gather %get3A_161[%gather3A_525] in [0] : vector<16xf32>, vector<16xi32> -> vector<16xf32>
          %mul3A_527 = arith.constant 16 : i32
          %mul3A_528 = arith.muli %scan3A_153, %mul3A_527 : i32
          %add3A_529 = arith.constant 13 : i32
          %add3A_530 = arith.addi %mul3A_528, %add3A_529 : i32
          %get3A_531 = arith.index_cast %add3A_530 : i32 to index
          %get3A_532 = arith.constant 0 : index
          %get3A_533 = tpu.vector_load %arg9[%get3A_531, %get3A_532] {strides = array<i32>} : memref<128x32xf32, #tpu.memory_space<vmem>>, vector<1x16xf32>,
          %get3A_534 = vector.shape_cast %get3A_533 : vector<1x16xf32> to vector<16xf32>
          %mul3A_535 = arith.mulf %get3A_534, %gather3A_526 : vector<16xf32>
          %swap3A_536 = arith.index_cast %add3A_530 : i32 to index
          %swap3A_537 = arith.constant 0 : index
          %swap3A_538 = tpu.vector_load %arg9[%swap3A_536, %swap3A_537] {strides = array<i32>} : memref<128x32xf32, #tpu.memory_space<vmem>>, vector<1x16xf32>,
          %swap3A_539 = vector.shape_cast %swap3A_538 : vector<1x16xf32> to vector<16xf32>
          %swap3A_540 = vector.shape_cast %mul3A_535 : vector<16xf32> to vector<1x16xf32>
          tpu.vector_store %arg9[%swap3A_536, %swap3A_537], %swap3A_540 {strides = array<i32>} : memref<128x32xf32, #tpu.memory_space<vmem>>, vector<1x16xf32>,
          %get3A_541 = arith.index_cast %add3A_530 : i32 to index
          %get3A_542 = arith.constant 16 : index
          %get3A_543 = tpu.vector_load %arg9[%get3A_541, %get3A_542] {strides = array<i32>} : memref<128x32xf32, #tpu.memory_space<vmem>>, vector<1x16xf32>,
          %get3A_544 = vector.shape_cast %get3A_543 : vector<1x16xf32> to vector<16xf32>
          %mul3A_545 = arith.mulf %get3A_544, %gather3A_526 : vector<16xf32>
          %swap3A_546 = arith.index_cast %add3A_530 : i32 to index
          %swap3A_547 = arith.constant 16 : index
          %swap3A_548 = tpu.vector_load %arg9[%swap3A_546, %swap3A_547] {strides = array<i32>} : memref<128x32xf32, #tpu.memory_space<vmem>>, vector<1x16xf32>,
          %swap3A_549 = vector.shape_cast %swap3A_548 : vector<1x16xf32> to vector<16xf32>
          %swap3A_550 = vector.shape_cast %mul3A_545 : vector<16xf32> to vector<1x16xf32>
          tpu.vector_store %arg9[%swap3A_546, %swap3A_547], %swap3A_550 {strides = array<i32>} : memref<128x32xf32, #tpu.memory_space<vmem>>, vector<1x16xf32>,
          %broadcast_in_dim3A_551 = arith.constant 14 : i32
          %broadcast_in_dim3A_552 = vector.broadcast %broadcast_in_dim3A_551 : i32 to vector<16x1xi32>
          %gather3A_553 = vector.shape_cast %broadcast_in_dim3A_552 : vector<16x1xi32> to vector<16xi32>
          %gather3A_554 = tpu.dynamic_gather %get3A_161[%gather3A_553] in [0] : vector<16xf32>, vector<16xi32> -> vector<16xf32>
          %mul3A_555 = arith.constant 16 : i32
          %mul3A_556 = arith.muli %scan3A_153, %mul3A_555 : i32
          %add3A_557 = arith.constant 14 : i32
          %add3A_558 = arith.addi %mul3A_556, %add3A_557 : i32
          %get3A_559 = arith.index_cast %add3A_558 : i32 to index
          %get3A_560 = arith.constant 0 : index
          %get3A_561 = tpu.vector_load %arg9[%get3A_559, %get3A_560] {strides = array<i32>} : memref<128x32xf32, #tpu.memory_space<vmem>>, vector<1x16xf32>,
          %get3A_562 = vector.shape_cast %get3A_561 : vector<1x16xf32> to vector<16xf32>
          %mul3A_563 = arith.mulf %get3A_562, %gather3A_554 : vector<16xf32>
          %swap3A_564 = arith.index_cast %add3A_558 : i32 to index
          %swap3A_565 = arith.constant 0 : index
          %swap3A_566 = tpu.vector_load %arg9[%swap3A_564, %swap3A_565] {strides = array<i32>} : memref<128x32xf32, #tpu.memory_space<vmem>>, vector<1x16xf32>,
          %swap3A_567 = vector.shape_cast %swap3A_566 : vector<1x16xf32> to vector<16xf32>
          %swap3A_568 = vector.shape_cast %mul3A_563 : vector<16xf32> to vector<1x16xf32>
          tpu.vector_store %arg9[%swap3A_564, %swap3A_565], %swap3A_568 {strides = array<i32>} : memref<128x32xf32, #tpu.memory_space<vmem>>, vector<1x16xf32>,
          %get3A_569 = arith.index_cast %add3A_558 : i32 to index
          %get3A_570 = arith.constant 16 : index
          %get3A_571 = tpu.vector_load %arg9[%get3A_569, %get3A_570] {strides = array<i32>} : memref<128x32xf32, #tpu.memory_space<vmem>>, vector<1x16xf32>,
          %get3A_572 = vector.shape_cast %get3A_571 : vector<1x16xf32> to vector<16xf32>
          %mul3A_573 = arith.mulf %get3A_572, %gather3A_554 : vector<16xf32>
          %swap3A_574 = arith.index_cast %add3A_558 : i32 to index
          %swap3A_575 = arith.constant 16 : index
          %swap3A_576 = tpu.vector_load %arg9[%swap3A_574, %swap3A_575] {strides = array<i32>} : memref<128x32xf32, #tpu.memory_space<vmem>>, vector<1x16xf32>,
          %swap3A_577 = vector.shape_cast %swap3A_576 : vector<1x16xf32> to vector<16xf32>
          %swap3A_578 = vector.shape_cast %mul3A_573 : vector<16xf32> to vector<1x16xf32>
          tpu.vector_store %arg9[%swap3A_574, %swap3A_575], %swap3A_578 {strides = array<i32>} : memref<128x32xf32, #tpu.memory_space<vmem>>, vector<1x16xf32>,
          %broadcast_in_dim3A_579 = arith.constant 15 : i32
          %broadcast_in_dim3A_580 = vector.broadcast %broadcast_in_dim3A_579 : i32 to vector<16x1xi32>
          %gather3A_581 = vector.shape_cast %broadcast_in_dim3A_580 : vector<16x1xi32> to vector<16xi32>
          %gather3A_582 = tpu.dynamic_gather %get3A_161[%gather3A_581] in [0] : vector<16xf32>, vector<16xi32> -> vector<16xf32>
          %mul3A_583 = arith.constant 16 : i32
          %mul3A_584 = arith.muli %scan3A_153, %mul3A_583 : i32
          %add3A_585 = arith.constant 15 : i32
          %add3A_586 = arith.addi %mul3A_584, %add3A_585 : i32
          %get3A_587 = arith.index_cast %add3A_586 : i32 to index
          %get3A_588 = arith.constant 0 : index
          %get3A_589 = tpu.vector_load %arg9[%get3A_587, %get3A_588] {strides = array<i32>} : memref<128x32xf32, #tpu.memory_space<vmem>>, vector<1x16xf32>,
          %get3A_590 = vector.shape_cast %get3A_589 : vector<1x16xf32> to vector<16xf32>
          %mul3A_591 = arith.mulf %get3A_590, %gather3A_582 : vector<16xf32>
          %swap3A_592 = arith.index_cast %add3A_586 : i32 to index
          %swap3A_593 = arith.constant 0 : index
          %swap3A_594 = tpu.vector_load %arg9[%swap3A_592, %swap3A_593] {strides = array<i32>} : memref<128x32xf32, #tpu.memory_space<vmem>>, vector<1x16xf32>,
          %swap3A_595 = vector.shape_cast %swap3A_594 : vector<1x16xf32> to vector<16xf32>
          %swap3A_596 = vector.shape_cast %mul3A_591 : vector<16xf32> to vector<1x16xf32>
          tpu.vector_store %arg9[%swap3A_592, %swap3A_593], %swap3A_596 {strides = array<i32>} : memref<128x32xf32, #tpu.memory_space<vmem>>, vector<1x16xf32>,
          %get3A_597 = arith.index_cast %add3A_586 : i32 to index
          %get3A_598 = arith.constant 16 : index
          %get3A_599 = tpu.vector_load %arg9[%get3A_597, %get3A_598] {strides = array<i32>} : memref<128x32xf32, #tpu.memory_space<vmem>>, vector<1x16xf32>,
          %get3A_600 = vector.shape_cast %get3A_599 : vector<1x16xf32> to vector<16xf32>
          %mul3A_601 = arith.mulf %get3A_600, %gather3A_582 : vector<16xf32>
          %swap3A_602 = arith.index_cast %add3A_586 : i32 to index
          %swap3A_603 = arith.constant 16 : index
          %swap3A_604 = tpu.vector_load %arg9[%swap3A_602, %swap3A_603] {strides = array<i32>} : memref<128x32xf32, #tpu.memory_space<vmem>>, vector<1x16xf32>,
          %swap3A_605 = vector.shape_cast %swap3A_604 : vector<1x16xf32> to vector<16xf32>
          %swap3A_606 = vector.shape_cast %mul3A_601 : vector<16xf32> to vector<1x16xf32>
          tpu.vector_store %arg9[%swap3A_602, %swap3A_603], %swap3A_606 {strides = array<i32>} : memref<128x32xf32, #tpu.memory_space<vmem>>, vector<1x16xf32>,
          %scan3A_607 = arith.constant 0 : i32
          scf.yield %scan3A_607 : i32
        }
        %scan3A_102 = arith.constant 8 : i32
        %add3A_103 = arith.constant 28 : i32
        %add3A_104 = arith.addi %add3A_103, %mul3A_66 : i32
        %dma_start3A_105 = arith.constant 0 : i32
        %dma_start3A_106 = tpu.memref_slice %arg7[%add3A_104, %dma_start3A_105] : memref<56x128xi32, #tpu.memory_space<vmem>> -> memref<1x128xi32, #tpu.memory_space<vmem>>
        %dma_start3A_107 = tpu.memref_squeeze %dma_start3A_106 : memref<1x128xi32, #tpu.memory_space<vmem>> -> memref<128xi32, #tpu.memory_space<vmem>>
        %dma_start3A_108 = arith.constant 0 : i32
        %dma_start3A_109 = arith.constant 0 : i32
        %dma_start3A_110 = tpu.memref_slice %arg14[%dma_start3A_108, %dma_start3A_109] : memref<50000x32xf32, #tpu.memory_space<vmem_shared>> -> memref<50000x32xf32, #tpu.memory_space<vmem_shared>>
        tpu.enqueue_indirect_dma source(%arg9 : memref<128x32xf32, #tpu.memory_space<vmem>>) target(%dma_start3A_110 : memref<50000x32xf32, #tpu.memory_space<vmem_shared>>) offsets(%dma_start3A_107 : memref<128xi32, #tpu.memory_space<vmem>>) semaphore(%arg18 : memref<!tpu.dma_semaphore, #tpu.memory_space<semaphore_mem>>) {add = true}
        %dma_wait3A_111 = arith.constant 0 : i32
        %dma_wait3A_112 = tpu.memref_slice %arg7[%add3A_76, %dma_wait3A_111] : memref<56x128xi32, #tpu.memory_space<vmem>> -> memref<1x128xi32, #tpu.memory_space<vmem>>
        %dma_wait3A_113 = tpu.memref_squeeze %dma_wait3A_112 : memref<1x128xi32, #tpu.memory_space<vmem>> -> memref<128xi32, #tpu.memory_space<vmem>>
        %dma_wait3A_114 = arith.constant 0 : i32
        %dma_wait3A_115 = arith.constant 0 : i32
        %dma_wait3A_116 = tpu.memref_slice %arg2[%arg0, %dma_wait3A_114, %dma_wait3A_115] : memref<2x50000x32xf32, #tpu.memory_space<hbm>> -> memref<1x50000x32xf32, #tpu.memory_space<hbm>>
        %dma_wait3A_117 = tpu.memref_squeeze %dma_wait3A_116 : memref<1x50000x32xf32, #tpu.memory_space<hbm>> -> memref<50000x32xf32, #tpu.memory_space<hbm>>
        %dma_wait3A_118 = arith.constant 0 : i32
        %dma_wait3A_119 = arith.constant 0 : i32
        %dma_wait3A_120 = tpu.memref_slice %dma_wait3A_117[%dma_wait3A_118, %dma_wait3A_119] : memref<50000x32xf32, #tpu.memory_space<hbm>> -> memref<50000x32xf32, #tpu.memory_space<hbm>>
        tpu.wait_indirect_dma semaphore(%arg17 : memref<!tpu.dma_semaphore, #tpu.memory_space<semaphore_mem>>) src(%dma_wait3A_120 : memref<50000x32xf32, #tpu.memory_space<hbm>>) dst(%arg10 : memref<128x32xf32, #tpu.memory_space<vmem>>)
        %add3A_121 = arith.constant 1 : i32
        %add3A_122 = arith.addi %mul3A_66, %add3A_121 : i32
        %scan3A_123 = arith.constant 0 : i32
        %scan3A_124 = arith.constant 0 : i32
        %scan3A_125 = arith.constant 8 : i32
        %scan3A_126 = arith.addi %scan3A_124, %scan3A_125 : i32
        %scan3A_127 = arith.constant 1 : i32
        %scan3A_128 = scf.for %scan3A_153 = %scan3A_124 to %scan3A_126 step %scan3A_127 iter_args(%scan3A_154 = %scan3A_123) -> (i32)  : i32 {
          %mul3A_155 = arith.constant 128 : i32
          %mul3A_156 = arith.muli %add3A_122, %mul3A_155 : i32
          %mul3A_157 = arith.constant 16 : i32
          %mul3A_158 = arith.muli %scan3A_153, %mul3A_157 : i32
          %add3A_159 = arith.addi %mul3A_156, %mul3A_158 : i32
          %get3A = arith.index_cast %add3A_159 : i32 to index
          %get3A_160 = tpu.vector_load %arg8[%get3A] {strides = array<i32>} : memref<3584xf32, #tpu.memory_space<vmem>>, vector<16xf32>,
          %get3A_161 = vector.shape_cast %get3A_160 : vector<16xf32> to vector<16xf32>
          %broadcast_in_dim3A = arith.constant 0 : i32
          %broadcast_in_dim3A_162 = vector.broadcast %broadcast_in_dim3A : i32 to vector<16x1xi32>
          %gather3A = vector.shape_cast %broadcast_in_dim3A_162 : vector<16x1xi32> to vector<16xi32>
          %gather3A_163 = tpu.dynamic_gather %get3A_161[%gather3A] in [0] : vector<16xf32>, vector<16xi32> -> vector<16xf32>
          %mul3A_164 = arith.constant 16 : i32
          %mul3A_165 = arith.muli %scan3A_153, %mul3A_164 : i32
          %add3A_166 = arith.constant 0 : i32
          %add3A_167 = arith.addi %mul3A_165, %add3A_166 : i32
          %get3A_168 = arith.index_cast %add3A_167 : i32 to index
          %get3A_169 = arith.constant 0 : index
          %get3A_170 = tpu.vector_load %arg10[%get3A_168, %get3A_169] {strides = array<i32>} : memref<128x32xf32, #tpu.memory_space<vmem>>, vector<1x16xf32>,
          %get3A_171 = vector.shape_cast %get3A_170 : vector<1x16xf32> to vector<16xf32>
          %mul3A_172 = arith.mulf %get3A_171, %gather3A_163 : vector<16xf32>
          %swap3A = arith.index_cast %add3A_167 : i32 to index
          %swap3A_173 = arith.constant 0 : index
          %swap3A_174 = tpu.vector_load %arg10[%swap3A, %swap3A_173] {strides = array<i32>} : memref<128x32xf32, #tpu.memory_space<vmem>>, vector<1x16xf32>,
          %swap3A_175 = vector.shape_cast %swap3A_174 : vector<1x16xf32> to vector<16xf32>
          %swap3A_176 = vector.shape_cast %mul3A_172 : vector<16xf32> to vector<1x16xf32>
          tpu.vector_store %arg10[%swap3A, %swap3A_173], %swap3A_176 {strides = array<i32>} : memref<128x32xf32, #tpu.memory_space<vmem>>, vector<1x16xf32>,
          %get3A_177 = arith.index_cast %add3A_167 : i32 to index
          %get3A_178 = arith.constant 16 : index
          %get3A_179 = tpu.vector_load %arg10[%get3A_177, %get3A_178] {strides = array<i32>} : memref<128x32xf32, #tpu.memory_space<vmem>>, vector<1x16xf32>,
          %get3A_180 = vector.shape_cast %get3A_179 : vector<1x16xf32> to vector<16xf32>
          %mul3A_181 = arith.mulf %get3A_180, %gather3A_163 : vector<16xf32>
          %swap3A_182 = arith.index_cast %add3A_167 : i32 to index
          %swap3A_183 = arith.constant 16 : index
          %swap3A_184 = tpu.vector_load %arg10[%swap3A_182, %swap3A_183] {strides = array<i32>} : memref<128x32xf32, #tpu.memory_space<vmem>>, vector<1x16xf32>,
          %swap3A_185 = vector.shape_cast %swap3A_184 : vector<1x16xf32> to vector<16xf32>
          %swap3A_186 = vector.shape_cast %mul3A_181 : vector<16xf32> to vector<1x16xf32>
          tpu.vector_store %arg10[%swap3A_182, %swap3A_183], %swap3A_186 {strides = array<i32>} : memref<128x32xf32, #tpu.memory_space<vmem>>, vector<1x16xf32>,
          %broadcast_in_dim3A_187 = arith.constant 1 : i32
          %broadcast_in_dim3A_188 = vector.broadcast %broadcast_in_dim3A_187 : i32 to vector<16x1xi32>
          %gather3A_189 = vector.shape_cast %broadcast_in_dim3A_188 : vector<16x1xi32> to vector<16xi32>
          %gather3A_190 = tpu.dynamic_gather %get3A_161[%gather3A_189] in [0] : vector<16xf32>, vector<16xi32> -> vector<16xf32>
          %mul3A_191 = arith.constant 16 : i32
          %mul3A_192 = arith.muli %scan3A_153, %mul3A_191 : i32
          %add3A_193 = arith.constant 1 : i32
          %add3A_194 = arith.addi %mul3A_192, %add3A_193 : i32
          %get3A_195 = arith.index_cast %add3A_194 : i32 to index
          %get3A_196 = arith.constant 0 : index
          %get3A_197 = tpu.vector_load %arg10[%get3A_195, %get3A_196] {strides = array<i32>} : memref<128x32xf32, #tpu.memory_space<vmem>>, vector<1x16xf32>,
          %get3A_198 = vector.shape_cast %get3A_197 : vector<1x16xf32> to vector<16xf32>
          %mul3A_199 = arith.mulf %get3A_198, %gather3A_190 : vector<16xf32>
          %swap3A_200 = arith.index_cast %add3A_194 : i32 to index
          %swap3A_201 = arith.constant 0 : index
          %swap3A_202 = tpu.vector_load %arg10[%swap3A_200, %swap3A_201] {strides = array<i32>} : memref<128x32xf32, #tpu.memory_space<vmem>>, vector<1x16xf32>,
          %swap3A_203 = vector.shape_cast %swap3A_202 : vector<1x16xf32> to vector<16xf32>
          %swap3A_204 = vector.shape_cast %mul3A_199 : vector<16xf32> to vector<1x16xf32>
          tpu.vector_store %arg10[%swap3A_200, %swap3A_201], %swap3A_204 {strides = array<i32>} : memref<128x32xf32, #tpu.memory_space<vmem>>, vector<1x16xf32>,
          %get3A_205 = arith.index_cast %add3A_194 : i32 to index
          %get3A_206 = arith.constant 16 : index
          %get3A_207 = tpu.vector_load %arg10[%get3A_205, %get3A_206] {strides = array<i32>} : memref<128x32xf32, #tpu.memory_space<vmem>>, vector<1x16xf32>,
          %get3A_208 = vector.shape_cast %get3A_207 : vector<1x16xf32> to vector<16xf32>
          %mul3A_209 = arith.mulf %get3A_208, %gather3A_190 : vector<16xf32>
          %swap3A_210 = arith.index_cast %add3A_194 : i32 to index
          %swap3A_211 = arith.constant 16 : index
          %swap3A_212 = tpu.vector_load %arg10[%swap3A_210, %swap3A_211] {strides = array<i32>} : memref<128x32xf32, #tpu.memory_space<vmem>>, vector<1x16xf32>,
          %swap3A_213 = vector.shape_cast %swap3A_212 : vector<1x16xf32> to vector<16xf32>
          %swap3A_214 = vector.shape_cast %mul3A_209 : vector<16xf32> to vector<1x16xf32>
          tpu.vector_store %arg10[%swap3A_210, %swap3A_211], %swap3A_214 {strides = array<i32>} : memref<128x32xf32, #tpu.memory_space<vmem>>, vector<1x16xf32>,
          %broadcast_in_dim3A_215 = arith.constant 2 : i32
          %broadcast_in_dim3A_216 = vector.broadcast %broadcast_in_dim3A_215 : i32 to vector<16x1xi32>
          %gather3A_217 = vector.shape_cast %broadcast_in_dim3A_216 : vector<16x1xi32> to vector<16xi32>
          %gather3A_218 = tpu.dynamic_gather %get3A_161[%gather3A_217] in [0] : vector<16xf32>, vector<16xi32> -> vector<16xf32>
          %mul3A_219 = arith.constant 16 : i32
          %mul3A_220 = arith.muli %scan3A_153, %mul3A_219 : i32
          %add3A_221 = arith.constant 2 : i32
          %add3A_222 = arith.addi %mul3A_220, %add3A_221 : i32
          %get3A_223 = arith.index_cast %add3A_222 : i32 to index
          %get3A_224 = arith.constant 0 : index
          %get3A_225 = tpu.vector_load %arg10[%get3A_223, %get3A_224] {strides = array<i32>} : memref<128x32xf32, #tpu.memory_space<vmem>>, vector<1x16xf32>,
          %get3A_226 = vector.shape_cast %get3A_225 : vector<1x16xf32> to vector<16xf32>
          %mul3A_227 = arith.mulf %get3A_226, %gather3A_218 : vector<16xf32>
          %swap3A_228 = arith.index_cast %add3A_222 : i32 to index
          %swap3A_229 = arith.constant 0 : index
          %swap3A_230 = tpu.vector_load %arg10[%swap3A_228, %swap3A_229] {strides = array<i32>} : memref<128x32xf32, #tpu.memory_space<vmem>>, vector<1x16xf32>,
          %swap3A_231 = vector.shape_cast %swap3A_230 : vector<1x16xf32> to vector<16xf32>
          %swap3A_232 = vector.shape_cast %mul3A_227 : vector<16xf32> to vector<1x16xf32>
          tpu.vector_store %arg10[%swap3A_228, %swap3A_229], %swap3A_232 {strides = array<i32>} : memref<128x32xf32, #tpu.memory_space<vmem>>, vector<1x16xf32>,
          %get3A_233 = arith.index_cast %add3A_222 : i32 to index
          %get3A_234 = arith.constant 16 : index
          %get3A_235 = tpu.vector_load %arg10[%get3A_233, %get3A_234] {strides = array<i32>} : memref<128x32xf32, #tpu.memory_space<vmem>>, vector<1x16xf32>,
          %get3A_236 = vector.shape_cast %get3A_235 : vector<1x16xf32> to vector<16xf32>
          %mul3A_237 = arith.mulf %get3A_236, %gather3A_218 : vector<16xf32>
          %swap3A_238 = arith.index_cast %add3A_222 : i32 to index
          %swap3A_239 = arith.constant 16 : index
          %swap3A_240 = tpu.vector_load %arg10[%swap3A_238, %swap3A_239] {strides = array<i32>} : memref<128x32xf32, #tpu.memory_space<vmem>>, vector<1x16xf32>,
          %swap3A_241 = vector.shape_cast %swap3A_240 : vector<1x16xf32> to vector<16xf32>
          %swap3A_242 = vector.shape_cast %mul3A_237 : vector<16xf32> to vector<1x16xf32>
          tpu.vector_store %arg10[%swap3A_238, %swap3A_239], %swap3A_242 {strides = array<i32>} : memref<128x32xf32, #tpu.memory_space<vmem>>, vector<1x16xf32>,
          %broadcast_in_dim3A_243 = arith.constant 3 : i32
          %broadcast_in_dim3A_244 = vector.broadcast %broadcast_in_dim3A_243 : i32 to vector<16x1xi32>
          %gather3A_245 = vector.shape_cast %broadcast_in_dim3A_244 : vector<16x1xi32> to vector<16xi32>
          %gather3A_246 = tpu.dynamic_gather %get3A_161[%gather3A_245] in [0] : vector<16xf32>, vector<16xi32> -> vector<16xf32>
          %mul3A_247 = arith.constant 16 : i32
          %mul3A_248 = arith.muli %scan3A_153, %mul3A_247 : i32
          %add3A_249 = arith.constant 3 : i32
          %add3A_250 = arith.addi %mul3A_248, %add3A_249 : i32
          %get3A_251 = arith.index_cast %add3A_250 : i32 to index
          %get3A_252 = arith.constant 0 : index
          %get3A_253 = tpu.vector_load %arg10[%get3A_251, %get3A_252] {strides = array<i32>} : memref<128x32xf32, #tpu.memory_space<vmem>>, vector<1x16xf32>,
          %get3A_254 = vector.shape_cast %get3A_253 : vector<1x16xf32> to vector<16xf32>
          %mul3A_255 = arith.mulf %get3A_254, %gather3A_246 : vector<16xf32>
          %swap3A_256 = arith.index_cast %add3A_250 : i32 to index
          %swap3A_257 = arith.constant 0 : index
          %swap3A_258 = tpu.vector_load %arg10[%swap3A_256, %swap3A_257] {strides = array<i32>} : memref<128x32xf32, #tpu.memory_space<vmem>>, vector<1x16xf32>,
          %swap3A_259 = vector.shape_cast %swap3A_258 : vector<1x16xf32> to vector<16xf32>
          %swap3A_260 = vector.shape_cast %mul3A_255 : vector<16xf32> to vector<1x16xf32>
          tpu.vector_store %arg10[%swap3A_256, %swap3A_257], %swap3A_260 {strides = array<i32>} : memref<128x32xf32, #tpu.memory_space<vmem>>, vector<1x16xf32>,
          %get3A_261 = arith.index_cast %add3A_250 : i32 to index
          %get3A_262 = arith.constant 16 : index
          %get3A_263 = tpu.vector_load %arg10[%get3A_261, %get3A_262] {strides = array<i32>} : memref<128x32xf32, #tpu.memory_space<vmem>>, vector<1x16xf32>,
          %get3A_264 = vector.shape_cast %get3A_263 : vector<1x16xf32> to vector<16xf32>
          %mul3A_265 = arith.mulf %get3A_264, %gather3A_246 : vector<16xf32>
          %swap3A_266 = arith.index_cast %add3A_250 : i32 to index
          %swap3A_267 = arith.constant 16 : index
          %swap3A_268 = tpu.vector_load %arg10[%swap3A_266, %swap3A_267] {strides = array<i32>} : memref<128x32xf32, #tpu.memory_space<vmem>>, vector<1x16xf32>,
          %swap3A_269 = vector.shape_cast %swap3A_268 : vector<1x16xf32> to vector<16xf32>
          %swap3A_270 = vector.shape_cast %mul3A_265 : vector<16xf32> to vector<1x16xf32>
          tpu.vector_store %arg10[%swap3A_266, %swap3A_267], %swap3A_270 {strides = array<i32>} : memref<128x32xf32, #tpu.memory_space<vmem>>, vector<1x16xf32>,
          %broadcast_in_dim3A_271 = arith.constant 4 : i32
          %broadcast_in_dim3A_272 = vector.broadcast %broadcast_in_dim3A_271 : i32 to vector<16x1xi32>
          %gather3A_273 = vector.shape_cast %broadcast_in_dim3A_272 : vector<16x1xi32> to vector<16xi32>
          %gather3A_274 = tpu.dynamic_gather %get3A_161[%gather3A_273] in [0] : vector<16xf32>, vector<16xi32> -> vector<16xf32>
          %mul3A_275 = arith.constant 16 : i32
          %mul3A_276 = arith.muli %scan3A_153, %mul3A_275 : i32
          %add3A_277 = arith.constant 4 : i32
          %add3A_278 = arith.addi %mul3A_276, %add3A_277 : i32
          %get3A_279 = arith.index_cast %add3A_278 : i32 to index
          %get3A_280 = arith.constant 0 : index
          %get3A_281 = tpu.vector_load %arg10[%get3A_279, %get3A_280] {strides = array<i32>} : memref<128x32xf32, #tpu.memory_space<vmem>>, vector<1x16xf32>,
          %get3A_282 = vector.shape_cast %get3A_281 : vector<1x16xf32> to vector<16xf32>
          %mul3A_283 = arith.mulf %get3A_282, %gather3A_274 : vector<16xf32>
          %swap3A_284 = arith.index_cast %add3A_278 : i32 to index
          %swap3A_285 = arith.constant 0 : index
          %swap3A_286 = tpu.vector_load %arg10[%swap3A_284, %swap3A_285] {strides = array<i32>} : memref<128x32xf32, #tpu.memory_space<vmem>>, vector<1x16xf32>,
          %swap3A_287 = vector.shape_cast %swap3A_286 : vector<1x16xf32> to vector<16xf32>
          %swap3A_288 = vector.shape_cast %mul3A_283 : vector<16xf32> to vector<1x16xf32>
          tpu.vector_store %arg10[%swap3A_284, %swap3A_285], %swap3A_288 {strides = array<i32>} : memref<128x32xf32, #tpu.memory_space<vmem>>, vector<1x16xf32>,
          %get3A_289 = arith.index_cast %add3A_278 : i32 to index
          %get3A_290 = arith.constant 16 : index
          %get3A_291 = tpu.vector_load %arg10[%get3A_289, %get3A_290] {strides = array<i32>} : memref<128x32xf32, #tpu.memory_space<vmem>>, vector<1x16xf32>,
          %get3A_292 = vector.shape_cast %get3A_291 : vector<1x16xf32> to vector<16xf32>
          %mul3A_293 = arith.mulf %get3A_292, %gather3A_274 : vector<16xf32>
          %swap3A_294 = arith.index_cast %add3A_278 : i32 to index
          %swap3A_295 = arith.constant 16 : index
          %swap3A_296 = tpu.vector_load %arg10[%swap3A_294, %swap3A_295] {strides = array<i32>} : memref<128x32xf32, #tpu.memory_space<vmem>>, vector<1x16xf32>,
          %swap3A_297 = vector.shape_cast %swap3A_296 : vector<1x16xf32> to vector<16xf32>
          %swap3A_298 = vector.shape_cast %mul3A_293 : vector<16xf32> to vector<1x16xf32>
          tpu.vector_store %arg10[%swap3A_294, %swap3A_295], %swap3A_298 {strides = array<i32>} : memref<128x32xf32, #tpu.memory_space<vmem>>, vector<1x16xf32>,
          %broadcast_in_dim3A_299 = arith.constant 5 : i32
          %broadcast_in_dim3A_300 = vector.broadcast %broadcast_in_dim3A_299 : i32 to vector<16x1xi32>
          %gather3A_301 = vector.shape_cast %broadcast_in_dim3A_300 : vector<16x1xi32> to vector<16xi32>
          %gather3A_302 = tpu.dynamic_gather %get3A_161[%gather3A_301] in [0] : vector<16xf32>, vector<16xi32> -> vector<16xf32>
          %mul3A_303 = arith.constant 16 : i32
          %mul3A_304 = arith.muli %scan3A_153, %mul3A_303 : i32
          %add3A_305 = arith.constant 5 : i32
          %add3A_306 = arith.addi %mul3A_304, %add3A_305 : i32
          %get3A_307 = arith.index_cast %add3A_306 : i32 to index
          %get3A_308 = arith.constant 0 : index
          %get3A_309 = tpu.vector_load %arg10[%get3A_307, %get3A_308] {strides = array<i32>} : memref<128x32xf32, #tpu.memory_space<vmem>>, vector<1x16xf32>,
          %get3A_310 = vector.shape_cast %get3A_309 : vector<1x16xf32> to vector<16xf32>
          %mul3A_311 = arith.mulf %get3A_310, %gather3A_302 : vector<16xf32>
          %swap3A_312 = arith.index_cast %add3A_306 : i32 to index
          %swap3A_313 = arith.constant 0 : index
          %swap3A_314 = tpu.vector_load %arg10[%swap3A_312, %swap3A_313] {strides = array<i32>} : memref<128x32xf32, #tpu.memory_space<vmem>>, vector<1x16xf32>,
          %swap3A_315 = vector.shape_cast %swap3A_314 : vector<1x16xf32> to vector<16xf32>
          %swap3A_316 = vector.shape_cast %mul3A_311 : vector<16xf32> to vector<1x16xf32>
          tpu.vector_store %arg10[%swap3A_312, %swap3A_313], %swap3A_316 {strides = array<i32>} : memref<128x32xf32, #tpu.memory_space<vmem>>, vector<1x16xf32>,
          %get3A_317 = arith.index_cast %add3A_306 : i32 to index
          %get3A_318 = arith.constant 16 : index
          %get3A_319 = tpu.vector_load %arg10[%get3A_317, %get3A_318] {strides = array<i32>} : memref<128x32xf32, #tpu.memory_space<vmem>>, vector<1x16xf32>,
          %get3A_320 = vector.shape_cast %get3A_319 : vector<1x16xf32> to vector<16xf32>
          %mul3A_321 = arith.mulf %get3A_320, %gather3A_302 : vector<16xf32>
          %swap3A_322 = arith.index_cast %add3A_306 : i32 to index
          %swap3A_323 = arith.constant 16 : index
          %swap3A_324 = tpu.vector_load %arg10[%swap3A_322, %swap3A_323] {strides = array<i32>} : memref<128x32xf32, #tpu.memory_space<vmem>>, vector<1x16xf32>,
          %swap3A_325 = vector.shape_cast %swap3A_324 : vector<1x16xf32> to vector<16xf32>
          %swap3A_326 = vector.shape_cast %mul3A_321 : vector<16xf32> to vector<1x16xf32>
          tpu.vector_store %arg10[%swap3A_322, %swap3A_323], %swap3A_326 {strides = array<i32>} : memref<128x32xf32, #tpu.memory_space<vmem>>, vector<1x16xf32>,
          %broadcast_in_dim3A_327 = arith.constant 6 : i32
          %broadcast_in_dim3A_328 = vector.broadcast %broadcast_in_dim3A_327 : i32 to vector<16x1xi32>
          %gather3A_329 = vector.shape_cast %broadcast_in_dim3A_328 : vector<16x1xi32> to vector<16xi32>
          %gather3A_330 = tpu.dynamic_gather %get3A_161[%gather3A_329] in [0] : vector<16xf32>, vector<16xi32> -> vector<16xf32>
          %mul3A_331 = arith.constant 16 : i32
          %mul3A_332 = arith.muli %scan3A_153, %mul3A_331 : i32
          %add3A_333 = arith.constant 6 : i32
          %add3A_334 = arith.addi %mul3A_332, %add3A_333 : i32
          %get3A_335 = arith.index_cast %add3A_334 : i32 to index
          %get3A_336 = arith.constant 0 : index
          %get3A_337 = tpu.vector_load %arg10[%get3A_335, %get3A_336] {strides = array<i32>} : memref<128x32xf32, #tpu.memory_space<vmem>>, vector<1x16xf32>,
          %get3A_338 = vector.shape_cast %get3A_337 : vector<1x16xf32> to vector<16xf32>
          %mul3A_339 = arith.mulf %get3A_338, %gather3A_330 : vector<16xf32>
          %swap3A_340 = arith.index_cast %add3A_334 : i32 to index
          %swap3A_341 = arith.constant 0 : index
          %swap3A_342 = tpu.vector_load %arg10[%swap3A_340, %swap3A_341] {strides = array<i32>} : memref<128x32xf32, #tpu.memory_space<vmem>>, vector<1x16xf32>,
          %swap3A_343 = vector.shape_cast %swap3A_342 : vector<1x16xf32> to vector<16xf32>
          %swap3A_344 = vector.shape_cast %mul3A_339 : vector<16xf32> to vector<1x16xf32>
          tpu.vector_store %arg10[%swap3A_340, %swap3A_341], %swap3A_344 {strides = array<i32>} : memref<128x32xf32, #tpu.memory_space<vmem>>, vector<1x16xf32>,
          %get3A_345 = arith.index_cast %add3A_334 : i32 to index
          %get3A_346 = arith.constant 16 : index
          %get3A_347 = tpu.vector_load %arg10[%get3A_345, %get3A_346] {strides = array<i32>} : memref<128x32xf32, #tpu.memory_space<vmem>>, vector<1x16xf32>,
          %get3A_348 = vector.shape_cast %get3A_347 : vector<1x16xf32> to vector<16xf32>
          %mul3A_349 = arith.mulf %get3A_348, %gather3A_330 : vector<16xf32>
          %swap3A_350 = arith.index_cast %add3A_334 : i32 to index
          %swap3A_351 = arith.constant 16 : index
          %swap3A_352 = tpu.vector_load %arg10[%swap3A_350, %swap3A_351] {strides = array<i32>} : memref<128x32xf32, #tpu.memory_space<vmem>>, vector<1x16xf32>,
          %swap3A_353 = vector.shape_cast %swap3A_352 : vector<1x16xf32> to vector<16xf32>
          %swap3A_354 = vector.shape_cast %mul3A_349 : vector<16xf32> to vector<1x16xf32>
          tpu.vector_store %arg10[%swap3A_350, %swap3A_351], %swap3A_354 {strides = array<i32>} : memref<128x32xf32, #tpu.memory_space<vmem>>, vector<1x16xf32>,
          %broadcast_in_dim3A_355 = arith.constant 7 : i32
          %broadcast_in_dim3A_356 = vector.broadcast %broadcast_in_dim3A_355 : i32 to vector<16x1xi32>
          %gather3A_357 = vector.shape_cast %broadcast_in_dim3A_356 : vector<16x1xi32> to vector<16xi32>
          %gather3A_358 = tpu.dynamic_gather %get3A_161[%gather3A_357] in [0] : vector<16xf32>, vector<16xi32> -> vector<16xf32>
          %mul3A_359 = arith.constant 16 : i32
          %mul3A_360 = arith.muli %scan3A_153, %mul3A_359 : i32
          %add3A_361 = arith.constant 7 : i32
          %add3A_362 = arith.addi %mul3A_360, %add3A_361 : i32
          %get3A_363 = arith.index_cast %add3A_362 : i32 to index
          %get3A_364 = arith.constant 0 : index
          %get3A_365 = tpu.vector_load %arg10[%get3A_363, %get3A_364] {strides = array<i32>} : memref<128x32xf32, #tpu.memory_space<vmem>>, vector<1x16xf32>,
          %get3A_366 = vector.shape_cast %get3A_365 : vector<1x16xf32> to vector<16xf32>
          %mul3A_367 = arith.mulf %get3A_366, %gather3A_358 : vector<16xf32>
          %swap3A_368 = arith.index_cast %add3A_362 : i32 to index
          %swap3A_369 = arith.constant 0 : index
          %swap3A_370 = tpu.vector_load %arg10[%swap3A_368, %swap3A_369] {strides = array<i32>} : memref<128x32xf32, #tpu.memory_space<vmem>>, vector<1x16xf32>,
          %swap3A_371 = vector.shape_cast %swap3A_370 : vector<1x16xf32> to vector<16xf32>
          %swap3A_372 = vector.shape_cast %mul3A_367 : vector<16xf32> to vector<1x16xf32>
          tpu.vector_store %arg10[%swap3A_368, %swap3A_369], %swap3A_372 {strides = array<i32>} : memref<128x32xf32, #tpu.memory_space<vmem>>, vector<1x16xf32>,
          %get3A_373 = arith.index_cast %add3A_362 : i32 to index
          %get3A_374 = arith.constant 16 : index
          %get3A_375 = tpu.vector_load %arg10[%get3A_373, %get3A_374] {strides = array<i32>} : memref<128x32xf32, #tpu.memory_space<vmem>>, vector<1x16xf32>,
          %get3A_376 = vector.shape_cast %get3A_375 : vector<1x16xf32> to vector<16xf32>
          %mul3A_377 = arith.mulf %get3A_376, %gather3A_358 : vector<16xf32>
          %swap3A_378 = arith.index_cast %add3A_362 : i32 to index
          %swap3A_379 = arith.constant 16 : index
          %swap3A_380 = tpu.vector_load %arg10[%swap3A_378, %swap3A_379] {strides = array<i32>} : memref<128x32xf32, #tpu.memory_space<vmem>>, vector<1x16xf32>,
          %swap3A_381 = vector.shape_cast %swap3A_380 : vector<1x16xf32> to vector<16xf32>
          %swap3A_382 = vector.shape_cast %mul3A_377 : vector<16xf32> to vector<1x16xf32>
          tpu.vector_store %arg10[%swap3A_378, %swap3A_379], %swap3A_382 {strides = array<i32>} : memref<128x32xf32, #tpu.memory_space<vmem>>, vector<1x16xf32>,
          %broadcast_in_dim3A_383 = arith.constant 8 : i32
          %broadcast_in_dim3A_384 = vector.broadcast %broadcast_in_dim3A_383 : i32 to vector<16x1xi32>
          %gather3A_385 = vector.shape_cast %broadcast_in_dim3A_384 : vector<16x1xi32> to vector<16xi32>
          %gather3A_386 = tpu.dynamic_gather %get3A_161[%gather3A_385] in [0] : vector<16xf32>, vector<16xi32> -> vector<16xf32>
          %mul3A_387 = arith.constant 16 : i32
          %mul3A_388 = arith.muli %scan3A_153, %mul3A_387 : i32
          %add3A_389 = arith.constant 8 : i32
          %add3A_390 = arith.addi %mul3A_388, %add3A_389 : i32
          %get3A_391 = arith.index_cast %add3A_390 : i32 to index
          %get3A_392 = arith.constant 0 : index
          %get3A_393 = tpu.vector_load %arg10[%get3A_391, %get3A_392] {strides = array<i32>} : memref<128x32xf32, #tpu.memory_space<vmem>>, vector<1x16xf32>,
          %get3A_394 = vector.shape_cast %get3A_393 : vector<1x16xf32> to vector<16xf32>
          %mul3A_395 = arith.mulf %get3A_394, %gather3A_386 : vector<16xf32>
          %swap3A_396 = arith.index_cast %add3A_390 : i32 to index
          %swap3A_397 = arith.constant 0 : index
          %swap3A_398 = tpu.vector_load %arg10[%swap3A_396, %swap3A_397] {strides = array<i32>} : memref<128x32xf32, #tpu.memory_space<vmem>>, vector<1x16xf32>,
          %swap3A_399 = vector.shape_cast %swap3A_398 : vector<1x16xf32> to vector<16xf32>
          %swap3A_400 = vector.shape_cast %mul3A_395 : vector<16xf32> to vector<1x16xf32>
          tpu.vector_store %arg10[%swap3A_396, %swap3A_397], %swap3A_400 {strides = array<i32>} : memref<128x32xf32, #tpu.memory_space<vmem>>, vector<1x16xf32>,
          %get3A_401 = arith.index_cast %add3A_390 : i32 to index
          %get3A_402 = arith.constant 16 : index
          %get3A_403 = tpu.vector_load %arg10[%get3A_401, %get3A_402] {strides = array<i32>} : memref<128x32xf32, #tpu.memory_space<vmem>>, vector<1x16xf32>,
          %get3A_404 = vector.shape_cast %get3A_403 : vector<1x16xf32> to vector<16xf32>
          %mul3A_405 = arith.mulf %get3A_404, %gather3A_386 : vector<16xf32>
          %swap3A_406 = arith.index_cast %add3A_390 : i32 to index
          %swap3A_407 = arith.constant 16 : index
          %swap3A_408 = tpu.vector_load %arg10[%swap3A_406, %swap3A_407] {strides = array<i32>} : memref<128x32xf32, #tpu.memory_space<vmem>>, vector<1x16xf32>,
          %swap3A_409 = vector.shape_cast %swap3A_408 : vector<1x16xf32> to vector<16xf32>
          %swap3A_410 = vector.shape_cast %mul3A_405 : vector<16xf32> to vector<1x16xf32>
          tpu.vector_store %arg10[%swap3A_406, %swap3A_407], %swap3A_410 {strides = array<i32>} : memref<128x32xf32, #tpu.memory_space<vmem>>, vector<1x16xf32>,
          %broadcast_in_dim3A_411 = arith.constant 9 : i32
          %broadcast_in_dim3A_412 = vector.broadcast %broadcast_in_dim3A_411 : i32 to vector<16x1xi32>
          %gather3A_413 = vector.shape_cast %broadcast_in_dim3A_412 : vector<16x1xi32> to vector<16xi32>
          %gather3A_414 = tpu.dynamic_gather %get3A_161[%gather3A_413] in [0] : vector<16xf32>, vector<16xi32> -> vector<16xf32>
          %mul3A_415 = arith.constant 16 : i32
          %mul3A_416 = arith.muli %scan3A_153, %mul3A_415 : i32
          %add3A_417 = arith.constant 9 : i32
          %add3A_418 = arith.addi %mul3A_416, %add3A_417 : i32
          %get3A_419 = arith.index_cast %add3A_418 : i32 to index
          %get3A_420 = arith.constant 0 : index
          %get3A_421 = tpu.vector_load %arg10[%get3A_419, %get3A_420] {strides = array<i32>} : memref<128x32xf32, #tpu.memory_space<vmem>>, vector<1x16xf32>,
          %get3A_422 = vector.shape_cast %get3A_421 : vector<1x16xf32> to vector<16xf32>
          %mul3A_423 = arith.mulf %get3A_422, %gather3A_414 : vector<16xf32>
          %swap3A_424 = arith.index_cast %add3A_418 : i32 to index
          %swap3A_425 = arith.constant 0 : index
          %swap3A_426 = tpu.vector_load %arg10[%swap3A_424, %swap3A_425] {strides = array<i32>} : memref<128x32xf32, #tpu.memory_space<vmem>>, vector<1x16xf32>,
          %swap3A_427 = vector.shape_cast %swap3A_426 : vector<1x16xf32> to vector<16xf32>
          %swap3A_428 = vector.shape_cast %mul3A_423 : vector<16xf32> to vector<1x16xf32>
          tpu.vector_store %arg10[%swap3A_424, %swap3A_425], %swap3A_428 {strides = array<i32>} : memref<128x32xf32, #tpu.memory_space<vmem>>, vector<1x16xf32>,
          %get3A_429 = arith.index_cast %add3A_418 : i32 to index
          %get3A_430 = arith.constant 16 : index
          %get3A_431 = tpu.vector_load %arg10[%get3A_429, %get3A_430] {strides = array<i32>} : memref<128x32xf32, #tpu.memory_space<vmem>>, vector<1x16xf32>,
          %get3A_432 = vector.shape_cast %get3A_431 : vector<1x16xf32> to vector<16xf32>
          %mul3A_433 = arith.mulf %get3A_432, %gather3A_414 : vector<16xf32>
          %swap3A_434 = arith.index_cast %add3A_418 : i32 to index
          %swap3A_435 = arith.constant 16 : index
          %swap3A_436 = tpu.vector_load %arg10[%swap3A_434, %swap3A_435] {strides = array<i32>} : memref<128x32xf32, #tpu.memory_space<vmem>>, vector<1x16xf32>,
          %swap3A_437 = vector.shape_cast %swap3A_436 : vector<1x16xf32> to vector<16xf32>
          %swap3A_438 = vector.shape_cast %mul3A_433 : vector<16xf32> to vector<1x16xf32>
          tpu.vector_store %arg10[%swap3A_434, %swap3A_435], %swap3A_438 {strides = array<i32>} : memref<128x32xf32, #tpu.memory_space<vmem>>, vector<1x16xf32>,
          %broadcast_in_dim3A_439 = arith.constant 10 : i32
          %broadcast_in_dim3A_440 = vector.broadcast %broadcast_in_dim3A_439 : i32 to vector<16x1xi32>
          %gather3A_441 = vector.shape_cast %broadcast_in_dim3A_440 : vector<16x1xi32> to vector<16xi32>
          %gather3A_442 = tpu.dynamic_gather %get3A_161[%gather3A_441] in [0] : vector<16xf32>, vector<16xi32> -> vector<16xf32>
          %mul3A_443 = arith.constant 16 : i32
          %mul3A_444 = arith.muli %scan3A_153, %mul3A_443 : i32
          %add3A_445 = arith.constant 10 : i32
          %add3A_446 = arith.addi %mul3A_444, %add3A_445 : i32
          %get3A_447 = arith.index_cast %add3A_446 : i32 to index
          %get3A_448 = arith.constant 0 : index
          %get3A_449 = tpu.vector_load %arg10[%get3A_447, %get3A_448] {strides = array<i32>} : memref<128x32xf32, #tpu.memory_space<vmem>>, vector<1x16xf32>,
          %get3A_450 = vector.shape_cast %get3A_449 : vector<1x16xf32> to vector<16xf32>
          %mul3A_451 = arith.mulf %get3A_450, %gather3A_442 : vector<16xf32>
          %swap3A_452 = arith.index_cast %add3A_446 : i32 to index
          %swap3A_453 = arith.constant 0 : index
          %swap3A_454 = tpu.vector_load %arg10[%swap3A_452, %swap3A_453] {strides = array<i32>} : memref<128x32xf32, #tpu.memory_space<vmem>>, vector<1x16xf32>,
          %swap3A_455 = vector.shape_cast %swap3A_454 : vector<1x16xf32> to vector<16xf32>
          %swap3A_456 = vector.shape_cast %mul3A_451 : vector<16xf32> to vector<1x16xf32>
          tpu.vector_store %arg10[%swap3A_452, %swap3A_453], %swap3A_456 {strides = array<i32>} : memref<128x32xf32, #tpu.memory_space<vmem>>, vector<1x16xf32>,
          %get3A_457 = arith.index_cast %add3A_446 : i32 to index
          %get3A_458 = arith.constant 16 : index
          %get3A_459 = tpu.vector_load %arg10[%get3A_457, %get3A_458] {strides = array<i32>} : memref<128x32xf32, #tpu.memory_space<vmem>>, vector<1x16xf32>,
          %get3A_460 = vector.shape_cast %get3A_459 : vector<1x16xf32> to vector<16xf32>
          %mul3A_461 = arith.mulf %get3A_460, %gather3A_442 : vector<16xf32>
          %swap3A_462 = arith.index_cast %add3A_446 : i32 to index
          %swap3A_463 = arith.constant 16 : index
          %swap3A_464 = tpu.vector_load %arg10[%swap3A_462, %swap3A_463] {strides = array<i32>} : memref<128x32xf32, #tpu.memory_space<vmem>>, vector<1x16xf32>,
          %swap3A_465 = vector.shape_cast %swap3A_464 : vector<1x16xf32> to vector<16xf32>
          %swap3A_466 = vector.shape_cast %mul3A_461 : vector<16xf32> to vector<1x16xf32>
          tpu.vector_store %arg10[%swap3A_462, %swap3A_463], %swap3A_466 {strides = array<i32>} : memref<128x32xf32, #tpu.memory_space<vmem>>, vector<1x16xf32>,
          %broadcast_in_dim3A_467 = arith.constant 11 : i32
          %broadcast_in_dim3A_468 = vector.broadcast %broadcast_in_dim3A_467 : i32 to vector<16x1xi32>
          %gather3A_469 = vector.shape_cast %broadcast_in_dim3A_468 : vector<16x1xi32> to vector<16xi32>
          %gather3A_470 = tpu.dynamic_gather %get3A_161[%gather3A_469] in [0] : vector<16xf32>, vector<16xi32> -> vector<16xf32>
          %mul3A_471 = arith.constant 16 : i32
          %mul3A_472 = arith.muli %scan3A_153, %mul3A_471 : i32
          %add3A_473 = arith.constant 11 : i32
          %add3A_474 = arith.addi %mul3A_472, %add3A_473 : i32
          %get3A_475 = arith.index_cast %add3A_474 : i32 to index
          %get3A_476 = arith.constant 0 : index
          %get3A_477 = tpu.vector_load %arg10[%get3A_475, %get3A_476] {strides = array<i32>} : memref<128x32xf32, #tpu.memory_space<vmem>>, vector<1x16xf32>,
          %get3A_478 = vector.shape_cast %get3A_477 : vector<1x16xf32> to vector<16xf32>
          %mul3A_479 = arith.mulf %get3A_478, %gather3A_470 : vector<16xf32>
          %swap3A_480 = arith.index_cast %add3A_474 : i32 to index
          %swap3A_481 = arith.constant 0 : index
          %swap3A_482 = tpu.vector_load %arg10[%swap3A_480, %swap3A_481] {strides = array<i32>} : memref<128x32xf32, #tpu.memory_space<vmem>>, vector<1x16xf32>,
          %swap3A_483 = vector.shape_cast %swap3A_482 : vector<1x16xf32> to vector<16xf32>
          %swap3A_484 = vector.shape_cast %mul3A_479 : vector<16xf32> to vector<1x16xf32>
          tpu.vector_store %arg10[%swap3A_480, %swap3A_481], %swap3A_484 {strides = array<i32>} : memref<128x32xf32, #tpu.memory_space<vmem>>, vector<1x16xf32>,
          %get3A_485 = arith.index_cast %add3A_474 : i32 to index
          %get3A_486 = arith.constant 16 : index
          %get3A_487 = tpu.vector_load %arg10[%get3A_485, %get3A_486] {strides = array<i32>} : memref<128x32xf32, #tpu.memory_space<vmem>>, vector<1x16xf32>,
          %get3A_488 = vector.shape_cast %get3A_487 : vector<1x16xf32> to vector<16xf32>
          %mul3A_489 = arith.mulf %get3A_488, %gather3A_470 : vector<16xf32>
          %swap3A_490 = arith.index_cast %add3A_474 : i32 to index
          %swap3A_491 = arith.constant 16 : index
          %swap3A_492 = tpu.vector_load %arg10[%swap3A_490, %swap3A_491] {strides = array<i32>} : memref<128x32xf32, #tpu.memory_space<vmem>>, vector<1x16xf32>,
          %swap3A_493 = vector.shape_cast %swap3A_492 : vector<1x16xf32> to vector<16xf32>
          %swap3A_494 = vector.shape_cast %mul3A_489 : vector<16xf32> to vector<1x16xf32>
          tpu.vector_store %arg10[%swap3A_490, %swap3A_491], %swap3A_494 {strides = array<i32>} : memref<128x32xf32, #tpu.memory_space<vmem>>, vector<1x16xf32>,
          %broadcast_in_dim3A_495 = arith.constant 12 : i32
          %broadcast_in_dim3A_496 = vector.broadcast %broadcast_in_dim3A_495 : i32 to vector<16x1xi32>
          %gather3A_497 = vector.shape_cast %broadcast_in_dim3A_496 : vector<16x1xi32> to vector<16xi32>
          %gather3A_498 = tpu.dynamic_gather %get3A_161[%gather3A_497] in [0] : vector<16xf32>, vector<16xi32> -> vector<16xf32>
          %mul3A_499 = arith.constant 16 : i32
          %mul3A_500 = arith.muli %scan3A_153, %mul3A_499 : i32
          %add3A_501 = arith.constant 12 : i32
          %add3A_502 = arith.addi %mul3A_500, %add3A_501 : i32
          %get3A_503 = arith.index_cast %add3A_502 : i32 to index
          %get3A_504 = arith.constant 0 : index
          %get3A_505 = tpu.vector_load %arg10[%get3A_503, %get3A_504] {strides = array<i32>} : memref<128x32xf32, #tpu.memory_space<vmem>>, vector<1x16xf32>,
          %get3A_506 = vector.shape_cast %get3A_505 : vector<1x16xf32> to vector<16xf32>
          %mul3A_507 = arith.mulf %get3A_506, %gather3A_498 : vector<16xf32>
          %swap3A_508 = arith.index_cast %add3A_502 : i32 to index
          %swap3A_509 = arith.constant 0 : index
          %swap3A_510 = tpu.vector_load %arg10[%swap3A_508, %swap3A_509] {strides = array<i32>} : memref<128x32xf32, #tpu.memory_space<vmem>>, vector<1x16xf32>,
          %swap3A_511 = vector.shape_cast %swap3A_510 : vector<1x16xf32> to vector<16xf32>
          %swap3A_512 = vector.shape_cast %mul3A_507 : vector<16xf32> to vector<1x16xf32>
          tpu.vector_store %arg10[%swap3A_508, %swap3A_509], %swap3A_512 {strides = array<i32>} : memref<128x32xf32, #tpu.memory_space<vmem>>, vector<1x16xf32>,
          %get3A_513 = arith.index_cast %add3A_502 : i32 to index
          %get3A_514 = arith.constant 16 : index
          %get3A_515 = tpu.vector_load %arg10[%get3A_513, %get3A_514] {strides = array<i32>} : memref<128x32xf32, #tpu.memory_space<vmem>>, vector<1x16xf32>,
          %get3A_516 = vector.shape_cast %get3A_515 : vector<1x16xf32> to vector<16xf32>
          %mul3A_517 = arith.mulf %get3A_516, %gather3A_498 : vector<16xf32>
          %swap3A_518 = arith.index_cast %add3A_502 : i32 to index
          %swap3A_519 = arith.constant 16 : index
          %swap3A_520 = tpu.vector_load %arg10[%swap3A_518, %swap3A_519] {strides = array<i32>} : memref<128x32xf32, #tpu.memory_space<vmem>>, vector<1x16xf32>,
          %swap3A_521 = vector.shape_cast %swap3A_520 : vector<1x16xf32> to vector<16xf32>
          %swap3A_522 = vector.shape_cast %mul3A_517 : vector<16xf32> to vector<1x16xf32>
          tpu.vector_store %arg10[%swap3A_518, %swap3A_519], %swap3A_522 {strides = array<i32>} : memref<128x32xf32, #tpu.memory_space<vmem>>, vector<1x16xf32>,
          %broadcast_in_dim3A_523 = arith.constant 13 : i32
          %broadcast_in_dim3A_524 = vector.broadcast %broadcast_in_dim3A_523 : i32 to vector<16x1xi32>
          %gather3A_525 = vector.shape_cast %broadcast_in_dim3A_524 : vector<16x1xi32> to vector<16xi32>
          %gather3A_526 = tpu.dynamic_gather %get3A_161[%gather3A_525] in [0] : vector<16xf32>, vector<16xi32> -> vector<16xf32>
          %mul3A_527 = arith.constant 16 : i32
          %mul3A_528 = arith.muli %scan3A_153, %mul3A_527 : i32
          %add3A_529 = arith.constant 13 : i32
          %add3A_530 = arith.addi %mul3A_528, %add3A_529 : i32
          %get3A_531 = arith.index_cast %add3A_530 : i32 to index
          %get3A_532 = arith.constant 0 : index
          %get3A_533 = tpu.vector_load %arg10[%get3A_531, %get3A_532] {strides = array<i32>} : memref<128x32xf32, #tpu.memory_space<vmem>>, vector<1x16xf32>,
          %get3A_534 = vector.shape_cast %get3A_533 : vector<1x16xf32> to vector<16xf32>
          %mul3A_535 = arith.mulf %get3A_534, %gather3A_526 : vector<16xf32>
          %swap3A_536 = arith.index_cast %add3A_530 : i32 to index
          %swap3A_537 = arith.constant 0 : index
          %swap3A_538 = tpu.vector_load %arg10[%swap3A_536, %swap3A_537] {strides = array<i32>} : memref<128x32xf32, #tpu.memory_space<vmem>>, vector<1x16xf32>,
          %swap3A_539 = vector.shape_cast %swap3A_538 : vector<1x16xf32> to vector<16xf32>
          %swap3A_540 = vector.shape_cast %mul3A_535 : vector<16xf32> to vector<1x16xf32>
          tpu.vector_store %arg10[%swap3A_536, %swap3A_537], %swap3A_540 {strides = array<i32>} : memref<128x32xf32, #tpu.memory_space<vmem>>, vector<1x16xf32>,
          %get3A_541 = arith.index_cast %add3A_530 : i32 to index
          %get3A_542 = arith.constant 16 : index
          %get3A_543 = tpu.vector_load %arg10[%get3A_541, %get3A_542] {strides = array<i32>} : memref<128x32xf32, #tpu.memory_space<vmem>>, vector<1x16xf32>,
          %get3A_544 = vector.shape_cast %get3A_543 : vector<1x16xf32> to vector<16xf32>
          %mul3A_545 = arith.mulf %get3A_544, %gather3A_526 : vector<16xf32>
          %swap3A_546 = arith.index_cast %add3A_530 : i32 to index
          %swap3A_547 = arith.constant 16 : index
          %swap3A_548 = tpu.vector_load %arg10[%swap3A_546, %swap3A_547] {strides = array<i32>} : memref<128x32xf32, #tpu.memory_space<vmem>>, vector<1x16xf32>,
          %swap3A_549 = vector.shape_cast %swap3A_548 : vector<1x16xf32> to vector<16xf32>
          %swap3A_550 = vector.shape_cast %mul3A_545 : vector<16xf32> to vector<1x16xf32>
          tpu.vector_store %arg10[%swap3A_546, %swap3A_547], %swap3A_550 {strides = array<i32>} : memref<128x32xf32, #tpu.memory_space<vmem>>, vector<1x16xf32>,
          %broadcast_in_dim3A_551 = arith.constant 14 : i32
          %broadcast_in_dim3A_552 = vector.broadcast %broadcast_in_dim3A_551 : i32 to vector<16x1xi32>
          %gather3A_553 = vector.shape_cast %broadcast_in_dim3A_552 : vector<16x1xi32> to vector<16xi32>
          %gather3A_554 = tpu.dynamic_gather %get3A_161[%gather3A_553] in [0] : vector<16xf32>, vector<16xi32> -> vector<16xf32>
          %mul3A_555 = arith.constant 16 : i32
          %mul3A_556 = arith.muli %scan3A_153, %mul3A_555 : i32
          %add3A_557 = arith.constant 14 : i32
          %add3A_558 = arith.addi %mul3A_556, %add3A_557 : i32
          %get3A_559 = arith.index_cast %add3A_558 : i32 to index
          %get3A_560 = arith.constant 0 : index
          %get3A_561 = tpu.vector_load %arg10[%get3A_559, %get3A_560] {strides = array<i32>} : memref<128x32xf32, #tpu.memory_space<vmem>>, vector<1x16xf32>,
          %get3A_562 = vector.shape_cast %get3A_561 : vector<1x16xf32> to vector<16xf32>
          %mul3A_563 = arith.mulf %get3A_562, %gather3A_554 : vector<16xf32>
          %swap3A_564 = arith.index_cast %add3A_558 : i32 to index
          %swap3A_565 = arith.constant 0 : index
          %swap3A_566 = tpu.vector_load %arg10[%swap3A_564, %swap3A_565] {strides = array<i32>} : memref<128x32xf32, #tpu.memory_space<vmem>>, vector<1x16xf32>,
          %swap3A_567 = vector.shape_cast %swap3A_566 : vector<1x16xf32> to vector<16xf32>
          %swap3A_568 = vector.shape_cast %mul3A_563 : vector<16xf32> to vector<1x16xf32>
          tpu.vector_store %arg10[%swap3A_564, %swap3A_565], %swap3A_568 {strides = array<i32>} : memref<128x32xf32, #tpu.memory_space<vmem>>, vector<1x16xf32>,
          %get3A_569 = arith.index_cast %add3A_558 : i32 to index
          %get3A_570 = arith.constant 16 : index
          %get3A_571 = tpu.vector_load %arg10[%get3A_569, %get3A_570] {strides = array<i32>} : memref<128x32xf32, #tpu.memory_space<vmem>>, vector<1x16xf32>,
          %get3A_572 = vector.shape_cast %get3A_571 : vector<1x16xf32> to vector<16xf32>
          %mul3A_573 = arith.mulf %get3A_572, %gather3A_554 : vector<16xf32>
          %swap3A_574 = arith.index_cast %add3A_558 : i32 to index
          %swap3A_575 = arith.constant 16 : index
          %swap3A_576 = tpu.vector_load %arg10[%swap3A_574, %swap3A_575] {strides = array<i32>} : memref<128x32xf32, #tpu.memory_space<vmem>>, vector<1x16xf32>,
          %swap3A_577 = vector.shape_cast %swap3A_576 : vector<1x16xf32> to vector<16xf32>
          %swap3A_578 = vector.shape_cast %mul3A_573 : vector<16xf32> to vector<1x16xf32>
          tpu.vector_store %arg10[%swap3A_574, %swap3A_575], %swap3A_578 {strides = array<i32>} : memref<128x32xf32, #tpu.memory_space<vmem>>, vector<1x16xf32>,
          %broadcast_in_dim3A_579 = arith.constant 15 : i32
          %broadcast_in_dim3A_580 = vector.broadcast %broadcast_in_dim3A_579 : i32 to vector<16x1xi32>
          %gather3A_581 = vector.shape_cast %broadcast_in_dim3A_580 : vector<16x1xi32> to vector<16xi32>
          %gather3A_582 = tpu.dynamic_gather %get3A_161[%gather3A_581] in [0] : vector<16xf32>, vector<16xi32> -> vector<16xf32>
          %mul3A_583 = arith.constant 16 : i32
          %mul3A_584 = arith.muli %scan3A_153, %mul3A_583 : i32
          %add3A_585 = arith.constant 15 : i32
          %add3A_586 = arith.addi %mul3A_584, %add3A_585 : i32
          %get3A_587 = arith.index_cast %add3A_586 : i32 to index
          %get3A_588 = arith.constant 0 : index
          %get3A_589 = tpu.vector_load %arg10[%get3A_587, %get3A_588] {strides = array<i32>} : memref<128x32xf32, #tpu.memory_space<vmem>>, vector<1x16xf32>,
          %get3A_590 = vector.shape_cast %get3A_589 : vector<1x16xf32> to vector<16xf32>
          %mul3A_591 = arith.mulf %get3A_590, %gather3A_582 : vector<16xf32>
          %swap3A_592 = arith.index_cast %add3A_586 : i32 to index
          %swap3A_593 = arith.constant 0 : index
          %swap3A_594 = tpu.vector_load %arg10[%swap3A_592, %swap3A_593] {strides = array<i32>} : memref<128x32xf32, #tpu.memory_space<vmem>>, vector<1x16xf32>,
          %swap3A_595 = vector.shape_cast %swap3A_594 : vector<1x16xf32> to vector<16xf32>
          %swap3A_596 = vector.shape_cast %mul3A_591 : vector<16xf32> to vector<1x16xf32>
          tpu.vector_store %arg10[%swap3A_592, %swap3A_593], %swap3A_596 {strides = array<i32>} : memref<128x32xf32, #tpu.memory_space<vmem>>, vector<1x16xf32>,
          %get3A_597 = arith.index_cast %add3A_586 : i32 to index
          %get3A_598 = arith.constant 16 : index
          %get3A_599 = tpu.vector_load %arg10[%get3A_597, %get3A_598] {strides = array<i32>} : memref<128x32xf32, #tpu.memory_space<vmem>>, vector<1x16xf32>,
          %get3A_600 = vector.shape_cast %get3A_599 : vector<1x16xf32> to vector<16xf32>
          %mul3A_601 = arith.mulf %get3A_600, %gather3A_582 : vector<16xf32>
          %swap3A_602 = arith.index_cast %add3A_586 : i32 to index
          %swap3A_603 = arith.constant 16 : index
          %swap3A_604 = tpu.vector_load %arg10[%swap3A_602, %swap3A_603] {strides = array<i32>} : memref<128x32xf32, #tpu.memory_space<vmem>>, vector<1x16xf32>,
          %swap3A_605 = vector.shape_cast %swap3A_604 : vector<1x16xf32> to vector<16xf32>
          %swap3A_606 = vector.shape_cast %mul3A_601 : vector<16xf32> to vector<1x16xf32>
          tpu.vector_store %arg10[%swap3A_602, %swap3A_603], %swap3A_606 {strides = array<i32>} : memref<128x32xf32, #tpu.memory_space<vmem>>, vector<1x16xf32>,
          %scan3A_607 = arith.constant 0 : i32
          scf.yield %scan3A_607 : i32
        }
        %scan3A_129 = arith.constant 8 : i32
        %add3A_130 = arith.constant 28 : i32
        %add3A_131 = arith.addi %add3A_130, %mul3A_66 : i32
        %add3A_132 = arith.constant 1 : i32
        %add3A_133 = arith.addi %add3A_131, %add3A_132 : i32
        %dma_start3A_134 = arith.constant 0 : i32
        %dma_start3A_135 = tpu.memref_slice %arg7[%add3A_133, %dma_start3A_134] : memref<56x128xi32, #tpu.memory_space<vmem>> -> memref<1x128xi32, #tpu.memory_space<vmem>>
        %dma_start3A_136 = tpu.memref_squeeze %dma_start3A_135 : memref<1x128xi32, #tpu.memory_space<vmem>> -> memref<128xi32, #tpu.memory_space<vmem>>
        %dma_start3A_137 = arith.constant 0 : i32
        %dma_start3A_138 = arith.constant 0 : i32
        %dma_start3A_139 = tpu.memref_slice %arg14[%dma_start3A_137, %dma_start3A_138] : memref<50000x32xf32, #tpu.memory_space<vmem_shared>> -> memref<50000x32xf32, #tpu.memory_space<vmem_shared>>
        tpu.enqueue_indirect_dma source(%arg10 : memref<128x32xf32, #tpu.memory_space<vmem>>) target(%dma_start3A_139 : memref<50000x32xf32, #tpu.memory_space<vmem_shared>>) offsets(%dma_start3A_136 : memref<128xi32, #tpu.memory_space<vmem>>) semaphore(%arg19 : memref<!tpu.dma_semaphore, #tpu.memory_space<semaphore_mem>>) {add = true}
        %dma_wait3A_140 = arith.constant 0 : i32
        %dma_wait3A_141 = tpu.memref_slice %arg7[%add3A_104, %dma_wait3A_140] : memref<56x128xi32, #tpu.memory_space<vmem>> -> memref<1x128xi32, #tpu.memory_space<vmem>>
        %dma_wait3A_142 = tpu.memref_squeeze %dma_wait3A_141 : memref<1x128xi32, #tpu.memory_space<vmem>> -> memref<128xi32, #tpu.memory_space<vmem>>
        %dma_wait3A_143 = arith.constant 0 : i32
        %dma_wait3A_144 = arith.constant 0 : i32
        %dma_wait3A_145 = tpu.memref_slice %arg14[%dma_wait3A_143, %dma_wait3A_144] : memref<50000x32xf32, #tpu.memory_space<vmem_shared>> -> memref<50000x32xf32, #tpu.memory_space<vmem_shared>>
        tpu.wait_indirect_dma semaphore(%arg18 : memref<!tpu.dma_semaphore, #tpu.memory_space<semaphore_mem>>) src(%arg9 : memref<128x32xf32, #tpu.memory_space<vmem>>) dst(%dma_wait3A_145 : memref<50000x32xf32, #tpu.memory_space<vmem_shared>>)
        %dma_wait3A_146 = arith.constant 0 : i32
        %dma_wait3A_147 = tpu.memref_slice %arg7[%add3A_133, %dma_wait3A_146] : memref<56x128xi32, #tpu.memory_space<vmem>> -> memref<1x128xi32, #tpu.memory_space<vmem>>
        %dma_wait3A_148 = tpu.memref_squeeze %dma_wait3A_147 : memref<1x128xi32, #tpu.memory_space<vmem>> -> memref<128xi32, #tpu.memory_space<vmem>>
        %dma_wait3A_149 = arith.constant 0 : i32
        %dma_wait3A_150 = arith.constant 0 : i32
        %dma_wait3A_151 = tpu.memref_slice %arg14[%dma_wait3A_149, %dma_wait3A_150] : memref<50000x32xf32, #tpu.memory_space<vmem_shared>> -> memref<50000x32xf32, #tpu.memory_space<vmem_shared>>
        tpu.wait_indirect_dma semaphore(%arg19 : memref<!tpu.dma_semaphore, #tpu.memory_space<semaphore_mem>>) src(%arg10 : memref<128x32xf32, #tpu.memory_space<vmem>>) dst(%dma_wait3A_151 : memref<50000x32xf32, #tpu.memory_space<vmem_shared>>)
        %scan3A_152 = arith.constant 0 : i32
        scf.yield %scan3A_152 : i32
      }
      %scan3A_61 = arith.constant 14 : i32
      %scan3A_62 = arith.constant 0 : i32
      scf.yield %scan3A_62 : i32
    }
    %scan3A_19 = arith.constant 14 : i32
    %barrier3A_20 = arith.constant 0 : index
    tpu.barrier barrier_id(%barrier3A_20)
    %scan3A_21 = arith.constant 0 : i32
    %scan3A_22 = arith.constant 0 : i32
    %scan3A_23 = arith.constant 25 : i32
    %scan3A_24 = arith.addi %scan3A_22, %scan3A_23 : i32
    %scan3A_25 = arith.constant 1 : i32
    %scan3A_26 = scf.for %scan3A_52 = %scan3A_22 to %scan3A_24 step %scan3A_25 iter_args(%scan3A_53 = %scan3A_21) -> (i32)  : i32 {
      %mul3A = arith.constant 3125 : i32
      %mul3A_54 = arith.muli %arg1, %mul3A : i32
      %mul3A_55 = arith.constant 125 : i32
      %mul3A_56 = arith.muli %scan3A_52, %mul3A_55 : i32
      %add3A = arith.addi %mul3A_54, %mul3A_56 : i32
      "tpu.region"() ({
        %run_scoped3A = tpu.sem_alloc : memref<!tpu.dma_semaphore, #tpu.memory_space<semaphore_mem>>
        %dma_start3A = arith.constant 0 : i32
        %dma_start3A_58 = arith.constant 0 : i32
        %dma_start3A_59 = tpu.memref_slice %arg5[%arg0, %dma_start3A, %dma_start3A_58] : memref<2x50000x32xf32, #tpu.memory_space<hbm>> -> memref<1x50000x32xf32, #tpu.memory_space<hbm>>
        %dma_start3A_60 = tpu.memref_squeeze %dma_start3A_59 : memref<1x50000x32xf32, #tpu.memory_space<hbm>> -> memref<50000x32xf32, #tpu.memory_space<hbm>>
        %dma_start3A_61 = arith.constant 0 : i32
        %dma_start3A_62 = tpu.memref_slice %dma_start3A_60[%add3A, %dma_start3A_61] : memref<50000x32xf32, #tpu.memory_space<hbm>> -> memref<125x32xf32, #tpu.memory_space<hbm>>
        %dma_start3A_63 = arith.constant 0 : i32
        %dma_start3A_64 = tpu.memref_slice %arg14[%add3A, %dma_start3A_63] : memref<50000x32xf32, #tpu.memory_space<vmem_shared>> -> memref<125x32xf32, #tpu.memory_space<vmem_shared>>
        tpu.enqueue_dma source(%dma_start3A_64 : memref<125x32xf32, #tpu.memory_space<vmem_shared>>) target(%dma_start3A_62 : memref<125x32xf32, #tpu.memory_space<hbm>>) target_semaphore(%run_scoped3A : memref<!tpu.dma_semaphore, #tpu.memory_space<semaphore_mem>>)
        %dma_wait3A = arith.constant 0 : i32
        %dma_wait3A_65 = arith.constant 0 : i32
        %dma_wait3A_66 = tpu.memref_slice %arg5[%arg0, %dma_wait3A, %dma_wait3A_65] : memref<2x50000x32xf32, #tpu.memory_space<hbm>> -> memref<1x50000x32xf32, #tpu.memory_space<hbm>>
        %dma_wait3A_67 = tpu.memref_squeeze %dma_wait3A_66 : memref<1x50000x32xf32, #tpu.memory_space<hbm>> -> memref<50000x32xf32, #tpu.memory_space<hbm>>
        %dma_wait3A_68 = arith.constant 0 : i32
        %dma_wait3A_69 = tpu.memref_slice %dma_wait3A_67[%add3A, %dma_wait3A_68] : memref<50000x32xf32, #tpu.memory_space<hbm>> -> memref<125x32xf32, #tpu.memory_space<hbm>>
        %dma_wait3A_70 = arith.constant 0 : i32
        %dma_wait3A_71 = tpu.memref_slice %arg14[%add3A, %dma_wait3A_70] : memref<50000x32xf32, #tpu.memory_space<vmem_shared>> -> memref<125x32xf32, #tpu.memory_space<vmem_shared>>
        tpu.wait_dma2 semaphore(%run_scoped3A : memref<!tpu.dma_semaphore, #tpu.memory_space<semaphore_mem>>) src(%dma_wait3A_71 : memref<125x32xf32, #tpu.memory_space<vmem_shared>>) dst(%dma_wait3A_69 : memref<125x32xf32, #tpu.memory_space<hbm>>)
        tpu.yield
      }) : () -> ()
      %scan3A_57 = arith.constant 0 : i32
      scf.yield %scan3A_57 : i32
    }
    %scan3A_27 = arith.constant 25 : i32
    %scan3A_28 = arith.constant 0 : i32
    %scan3A_29 = arith.constant 0 : i32
    %scan3A_30 = arith.constant 25 : i32
    %scan3A_31 = arith.addi %scan3A_29, %scan3A_30 : i32
    %scan3A_32 = arith.constant 1 : i32
    %scan3A_33 = scf.for %scan3A_52 = %scan3A_29 to %scan3A_31 step %scan3A_32 iter_args(%scan3A_53 = %scan3A_28) -> (i32)  : i32 {
      %mul3A = arith.constant 3125 : i32
      %mul3A_54 = arith.muli %arg1, %mul3A : i32
      %mul3A_55 = arith.constant 125 : i32
      %mul3A_56 = arith.muli %scan3A_52, %mul3A_55 : i32
      %add3A = arith.addi %mul3A_54, %mul3A_56 : i32
      "tpu.region"() ({
        %run_scoped3A = tpu.sem_alloc : memref<!tpu.dma_semaphore, #tpu.memory_space<semaphore_mem>>
        %dma_start3A = arith.constant 0 : i32
        %dma_start3A_58 = tpu.memref_slice %arg14[%add3A, %dma_start3A] : memref<50000x32xf32, #tpu.memory_space<vmem_shared>> -> memref<125x32xf32, #tpu.memory_space<vmem_shared>>
        %dma_start3A_59 = arith.constant 0 : i32
        %dma_start3A_60 = tpu.memref_slice %arg14[%add3A, %dma_start3A_59] : memref<50000x32xf32, #tpu.memory_space<vmem_shared>> -> memref<125x32xf32, #tpu.memory_space<vmem_shared>>
        tpu.enqueue_dma source(%arg11 : memref<125x32xf32, #tpu.memory_space<vmem>>) target(%dma_start3A_60 : memref<125x32xf32, #tpu.memory_space<vmem_shared>>) target_semaphore(%run_scoped3A : memref<!tpu.dma_semaphore, #tpu.memory_space<semaphore_mem>>)
        %dma_wait3A = arith.constant 0 : i32
        %dma_wait3A_61 = tpu.memref_slice %arg14[%add3A, %dma_wait3A] : memref<50000x32xf32, #tpu.memory_space<vmem_shared>> -> memref<125x32xf32, #tpu.memory_space<vmem_shared>>
        %dma_wait3A_62 = arith.constant 0 : i32
        %dma_wait3A_63 = tpu.memref_slice %arg14[%add3A, %dma_wait3A_62] : memref<50000x32xf32, #tpu.memory_space<vmem_shared>> -> memref<125x32xf32, #tpu.memory_space<vmem_shared>>
        tpu.wait_dma2 semaphore(%run_scoped3A : memref<!tpu.dma_semaphore, #tpu.memory_space<semaphore_mem>>) src(%arg11 : memref<125x32xf32, #tpu.memory_space<vmem>>) dst(%dma_wait3A_63 : memref<125x32xf32, #tpu.memory_space<vmem_shared>>)
        tpu.yield
      }) : () -> ()
      %scan3A_57 = arith.constant 0 : i32
      scf.yield %scan3A_57 : i32
    }
    %scan3A_34 = arith.constant 25 : i32
    %barrier3A_35 = arith.constant 0 : index
    tpu.barrier barrier_id(%barrier3A_35)
    %scan3A_36 = arith.constant 0 : i32
    %scan3A_37 = arith.constant 0 : i32
    %scan3A_38 = arith.constant 14 : i32
    %scan3A_39 = arith.addi %scan3A_37, %scan3A_38 : i32
    %scan3A_40 = arith.constant 1 : i32
    %scan3A_41 = scf.for %scan3A_52 = %scan3A_37 to %scan3A_39 step %scan3A_40 iter_args(%scan3A_53 = %scan3A_36) -> (i32)  : i32 {
      "tpu.region"() ({
        %run_scoped3A = tpu.sem_alloc : memref<!tpu.dma_semaphore, #tpu.memory_space<semaphore_mem>>
        %dma_start3A = arith.constant 0 : i32
        %dma_start3A_63 = arith.constant 0 : i32
        %dma_start3A_64 = tpu.memref_slice %arg3[%arg1, %scan3A_52, %dma_start3A, %dma_start3A_63] : memref<16x14x56x128xi32, #tpu.memory_space<hbm>> -> memref<1x1x56x128xi32, #tpu.memory_space<hbm>>
        %dma_start3A_65 = tpu.memref_squeeze %dma_start3A_64 : memref<1x1x56x128xi32, #tpu.memory_space<hbm>> -> memref<56x128xi32, #tpu.memory_space<hbm>>
        %dma_start3A_66 = arith.constant 0 : i32
        %dma_start3A_67 = arith.constant 0 : i32
        %dma_start3A_68 = tpu.memref_slice %arg3[%arg1, %scan3A_52, %dma_start3A_66, %dma_start3A_67] : memref<16x14x56x128xi32, #tpu.memory_space<hbm>> -> memref<1x1x56x128xi32, #tpu.memory_space<hbm>>
        %dma_start3A_69 = tpu.memref_squeeze %dma_start3A_68 : memref<1x1x56x128xi32, #tpu.memory_space<hbm>> -> memref<56x128xi32, #tpu.memory_space<hbm>>
        tpu.enqueue_dma source(%dma_start3A_69 : memref<56x128xi32, #tpu.memory_space<hbm>>) target(%arg7 : memref<56x128xi32, #tpu.memory_space<vmem>>) target_semaphore(%run_scoped3A : memref<!tpu.dma_semaphore, #tpu.memory_space<semaphore_mem>>)
        %dma_wait3A = arith.constant 0 : i32
        %dma_wait3A_70 = arith.constant 0 : i32
        %dma_wait3A_71 = tpu.memref_slice %arg3[%arg1, %scan3A_52, %dma_wait3A, %dma_wait3A_70] : memref<16x14x56x128xi32, #tpu.memory_space<hbm>> -> memref<1x1x56x128xi32, #tpu.memory_space<hbm>>
        %dma_wait3A_72 = tpu.memref_squeeze %dma_wait3A_71 : memref<1x1x56x128xi32, #tpu.memory_space<hbm>> -> memref<56x128xi32, #tpu.memory_space<hbm>>
        %dma_wait3A_73 = arith.constant 0 : i32
        %dma_wait3A_74 = arith.constant 0 : i32
        %dma_wait3A_75 = tpu.memref_slice %arg3[%arg1, %scan3A_52, %dma_wait3A_73, %dma_wait3A_74] : memref<16x14x56x128xi32, #tpu.memory_space<hbm>> -> memref<1x1x56x128xi32, #tpu.memory_space<hbm>>
        %dma_wait3A_76 = tpu.memref_squeeze %dma_wait3A_75 : memref<1x1x56x128xi32, #tpu.memory_space<hbm>> -> memref<56x128xi32, #tpu.memory_space<hbm>>
        tpu.wait_dma2 semaphore(%run_scoped3A : memref<!tpu.dma_semaphore, #tpu.memory_space<semaphore_mem>>) src(%dma_wait3A_76 : memref<56x128xi32, #tpu.memory_space<hbm>>) dst(%arg7 : memref<56x128xi32, #tpu.memory_space<vmem>>)
        tpu.yield
      }) : () -> ()
      %mul3A = arith.constant 3584 : i32
      %mul3A_54 = arith.muli %scan3A_52, %mul3A : i32
      "tpu.region"() ({
        %run_scoped3A = tpu.sem_alloc : memref<!tpu.dma_semaphore, #tpu.memory_space<semaphore_mem>>
        %dma_start3A = tpu.memref_slice %arg4[%arg1, %mul3A_54] : memref<16x50176xf32, #tpu.memory_space<hbm>> -> memref<1x3584xf32, #tpu.memory_space<hbm>>
        %dma_start3A_63 = tpu.memref_squeeze %dma_start3A : memref<1x3584xf32, #tpu.memory_space<hbm>> -> memref<3584xf32, #tpu.memory_space<hbm>>
        %dma_start3A_64 = tpu.memref_slice %arg4[%arg1, %mul3A_54] : memref<16x50176xf32, #tpu.memory_space<hbm>> -> memref<1x3584xf32, #tpu.memory_space<hbm>>
        %dma_start3A_65 = tpu.memref_squeeze %dma_start3A_64 : memref<1x3584xf32, #tpu.memory_space<hbm>> -> memref<3584xf32, #tpu.memory_space<hbm>>
        tpu.enqueue_dma source(%dma_start3A_65 : memref<3584xf32, #tpu.memory_space<hbm>>) target(%arg8 : memref<3584xf32, #tpu.memory_space<vmem>>) target_semaphore(%run_scoped3A : memref<!tpu.dma_semaphore, #tpu.memory_space<semaphore_mem>>)
        %dma_wait3A = tpu.memref_slice %arg4[%arg1, %mul3A_54] : memref<16x50176xf32, #tpu.memory_space<hbm>> -> memref<1x3584xf32, #tpu.memory_space<hbm>>
        %dma_wait3A_66 = tpu.memref_squeeze %dma_wait3A : memref<1x3584xf32, #tpu.memory_space<hbm>> -> memref<3584xf32, #tpu.memory_space<hbm>>
        %dma_wait3A_67 = tpu.memref_slice %arg4[%arg1, %mul3A_54] : memref<16x50176xf32, #tpu.memory_space<hbm>> -> memref<1x3584xf32, #tpu.memory_space<hbm>>
        %dma_wait3A_68 = tpu.memref_squeeze %dma_wait3A_67 : memref<1x3584xf32, #tpu.memory_space<hbm>> -> memref<3584xf32, #tpu.memory_space<hbm>>
        tpu.wait_dma2 semaphore(%run_scoped3A : memref<!tpu.dma_semaphore, #tpu.memory_space<semaphore_mem>>) src(%dma_wait3A_68 : memref<3584xf32, #tpu.memory_space<hbm>>) dst(%arg8 : memref<3584xf32, #tpu.memory_space<vmem>>)
        tpu.yield
      }) : () -> ()
      %scan3A_55 = arith.constant 0 : i32
      %scan3A_56 = arith.constant 0 : i32
      %scan3A_57 = arith.constant 14 : i32
      %scan3A_58 = arith.addi %scan3A_56, %scan3A_57 : i32
      %scan3A_59 = arith.constant 1 : i32
      %scan3A_60 = scf.for %scan3A_63 = %scan3A_56 to %scan3A_58 step %scan3A_59 iter_args(%scan3A_64 = %scan3A_55) -> (i32)  : i32 {
        %mul3A_65 = arith.constant 2 : i32
        %mul3A_66 = arith.muli %scan3A_63, %mul3A_65 : i32
        %dma_start3A = arith.constant 0 : i32
        %dma_start3A_67 = tpu.memref_slice %arg7[%mul3A_66, %dma_start3A] : memref<56x128xi32, #tpu.memory_space<vmem>> -> memref<1x128xi32, #tpu.memory_space<vmem>>
        %dma_start3A_68 = tpu.memref_squeeze %dma_start3A_67 : memref<1x128xi32, #tpu.memory_space<vmem>> -> memref<128xi32, #tpu.memory_space<vmem>>
        %dma_start3A_69 = arith.constant 0 : i32
        %dma_start3A_70 = arith.constant 0 : i32
        %dma_start3A_71 = tpu.memref_slice %arg5[%arg0, %dma_start3A_69, %dma_start3A_70] : memref<2x50000x32xf32, #tpu.memory_space<hbm>> -> memref<1x50000x32xf32, #tpu.memory_space<hbm>>
        %dma_start3A_72 = tpu.memref_squeeze %dma_start3A_71 : memref<1x50000x32xf32, #tpu.memory_space<hbm>> -> memref<50000x32xf32, #tpu.memory_space<hbm>>
        %dma_start3A_73 = arith.constant 0 : i32
        %dma_start3A_74 = arith.constant 0 : i32
        %dma_start3A_75 = tpu.memref_slice %dma_start3A_72[%dma_start3A_73, %dma_start3A_74] : memref<50000x32xf32, #tpu.memory_space<hbm>> -> memref<50000x32xf32, #tpu.memory_space<hbm>>
        tpu.enqueue_indirect_dma source(%dma_start3A_75 : memref<50000x32xf32, #tpu.memory_space<hbm>>) target(%arg9 : memref<128x32xf32, #tpu.memory_space<vmem>>) offsets(%dma_start3A_68 : memref<128xi32, #tpu.memory_space<vmem>>) semaphore(%arg16 : memref<!tpu.dma_semaphore, #tpu.memory_space<semaphore_mem>>)
        %add3A = arith.constant 1 : i32
        %add3A_76 = arith.addi %mul3A_66, %add3A : i32
        %dma_start3A_77 = arith.constant 0 : i32
        %dma_start3A_78 = tpu.memref_slice %arg7[%add3A_76, %dma_start3A_77] : memref<56x128xi32, #tpu.memory_space<vmem>> -> memref<1x128xi32, #tpu.memory_space<vmem>>
        %dma_start3A_79 = tpu.memref_squeeze %dma_start3A_78 : memref<1x128xi32, #tpu.memory_space<vmem>> -> memref<128xi32, #tpu.memory_space<vmem>>
        %dma_start3A_80 = arith.constant 0 : i32
        %dma_start3A_81 = arith.constant 0 : i32
        %dma_start3A_82 = tpu.memref_slice %arg5[%arg0, %dma_start3A_80, %dma_start3A_81] : memref<2x50000x32xf32, #tpu.memory_space<hbm>> -> memref<1x50000x32xf32, #tpu.memory_space<hbm>>
        %dma_start3A_83 = tpu.memref_squeeze %dma_start3A_82 : memref<1x50000x32xf32, #tpu.memory_space<hbm>> -> memref<50000x32xf32, #tpu.memory_space<hbm>>
        %dma_start3A_84 = arith.constant 0 : i32
        %dma_start3A_85 = arith.constant 0 : i32
        %dma_start3A_86 = tpu.memref_slice %dma_start3A_83[%dma_start3A_84, %dma_start3A_85] : memref<50000x32xf32, #tpu.memory_space<hbm>> -> memref<50000x32xf32, #tpu.memory_space<hbm>>
        tpu.enqueue_indirect_dma source(%dma_start3A_86 : memref<50000x32xf32, #tpu.memory_space<hbm>>) target(%arg10 : memref<128x32xf32, #tpu.memory_space<vmem>>) offsets(%dma_start3A_79 : memref<128xi32, #tpu.memory_space<vmem>>) semaphore(%arg17 : memref<!tpu.dma_semaphore, #tpu.memory_space<semaphore_mem>>)
        %dma_wait3A = arith.constant 0 : i32
        %dma_wait3A_87 = tpu.memref_slice %arg7[%mul3A_66, %dma_wait3A] : memref<56x128xi32, #tpu.memory_space<vmem>> -> memref<1x128xi32, #tpu.memory_space<vmem>>
        %dma_wait3A_88 = tpu.memref_squeeze %dma_wait3A_87 : memref<1x128xi32, #tpu.memory_space<vmem>> -> memref<128xi32, #tpu.memory_space<vmem>>
        %dma_wait3A_89 = arith.constant 0 : i32
        %dma_wait3A_90 = arith.constant 0 : i32
        %dma_wait3A_91 = tpu.memref_slice %arg5[%arg0, %dma_wait3A_89, %dma_wait3A_90] : memref<2x50000x32xf32, #tpu.memory_space<hbm>> -> memref<1x50000x32xf32, #tpu.memory_space<hbm>>
        %dma_wait3A_92 = tpu.memref_squeeze %dma_wait3A_91 : memref<1x50000x32xf32, #tpu.memory_space<hbm>> -> memref<50000x32xf32, #tpu.memory_space<hbm>>
        %dma_wait3A_93 = arith.constant 0 : i32
        %dma_wait3A_94 = arith.constant 0 : i32
        %dma_wait3A_95 = tpu.memref_slice %dma_wait3A_92[%dma_wait3A_93, %dma_wait3A_94] : memref<50000x32xf32, #tpu.memory_space<hbm>> -> memref<50000x32xf32, #tpu.memory_space<hbm>>
        tpu.wait_indirect_dma semaphore(%arg16 : memref<!tpu.dma_semaphore, #tpu.memory_space<semaphore_mem>>) src(%dma_wait3A_95 : memref<50000x32xf32, #tpu.memory_space<hbm>>) dst(%arg9 : memref<128x32xf32, #tpu.memory_space<vmem>>)
        %scan3A_96 = arith.constant 0 : i32
        %scan3A_97 = arith.constant 0 : i32
        %scan3A_98 = arith.constant 8 : i32
        %scan3A_99 = arith.addi %scan3A_97, %scan3A_98 : i32
        %scan3A_100 = arith.constant 1 : i32
        %scan3A_101 = scf.for %scan3A_153 = %scan3A_97 to %scan3A_99 step %scan3A_100 iter_args(%scan3A_154 = %scan3A_96) -> (i32)  : i32 {
          %mul3A_155 = arith.constant 128 : i32
          %mul3A_156 = arith.muli %mul3A_66, %mul3A_155 : i32
          %mul3A_157 = arith.constant 16 : i32
          %mul3A_158 = arith.muli %scan3A_153, %mul3A_157 : i32
          %add3A_159 = arith.addi %mul3A_156, %mul3A_158 : i32
          %get3A = arith.index_cast %add3A_159 : i32 to index
          %get3A_160 = tpu.vector_load %arg8[%get3A] {strides = array<i32>} : memref<3584xf32, #tpu.memory_space<vmem>>, vector<16xf32>,
          %get3A_161 = vector.shape_cast %get3A_160 : vector<16xf32> to vector<16xf32>
          %broadcast_in_dim3A = arith.constant 0 : i32
          %broadcast_in_dim3A_162 = vector.broadcast %broadcast_in_dim3A : i32 to vector<16x1xi32>
          %gather3A = vector.shape_cast %broadcast_in_dim3A_162 : vector<16x1xi32> to vector<16xi32>
          %gather3A_163 = tpu.dynamic_gather %get3A_161[%gather3A] in [0] : vector<16xf32>, vector<16xi32> -> vector<16xf32>
          %mul3A_164 = arith.constant 16 : i32
          %mul3A_165 = arith.muli %scan3A_153, %mul3A_164 : i32
          %add3A_166 = arith.constant 0 : i32
          %add3A_167 = arith.addi %mul3A_165, %add3A_166 : i32
          %get3A_168 = arith.index_cast %add3A_167 : i32 to index
          %get3A_169 = arith.constant 0 : index
          %get3A_170 = tpu.vector_load %arg9[%get3A_168, %get3A_169] {strides = array<i32>} : memref<128x32xf32, #tpu.memory_space<vmem>>, vector<1x16xf32>,
          %get3A_171 = vector.shape_cast %get3A_170 : vector<1x16xf32> to vector<16xf32>
          %mul3A_172 = arith.mulf %get3A_171, %gather3A_163 : vector<16xf32>
          %swap3A = arith.index_cast %add3A_167 : i32 to index
          %swap3A_173 = arith.constant 0 : index
          %swap3A_174 = tpu.vector_load %arg9[%swap3A, %swap3A_173] {strides = array<i32>} : memref<128x32xf32, #tpu.memory_space<vmem>>, vector<1x16xf32>,
          %swap3A_175 = vector.shape_cast %swap3A_174 : vector<1x16xf32> to vector<16xf32>
          %swap3A_176 = vector.shape_cast %mul3A_172 : vector<16xf32> to vector<1x16xf32>
          tpu.vector_store %arg9[%swap3A, %swap3A_173], %swap3A_176 {strides = array<i32>} : memref<128x32xf32, #tpu.memory_space<vmem>>, vector<1x16xf32>,
          %get3A_177 = arith.index_cast %add3A_167 : i32 to index
          %get3A_178 = arith.constant 16 : index
          %get3A_179 = tpu.vector_load %arg9[%get3A_177, %get3A_178] {strides = array<i32>} : memref<128x32xf32, #tpu.memory_space<vmem>>, vector<1x16xf32>,
          %get3A_180 = vector.shape_cast %get3A_179 : vector<1x16xf32> to vector<16xf32>
          %mul3A_181 = arith.mulf %get3A_180, %gather3A_163 : vector<16xf32>
          %swap3A_182 = arith.index_cast %add3A_167 : i32 to index
          %swap3A_183 = arith.constant 16 : index
          %swap3A_184 = tpu.vector_load %arg9[%swap3A_182, %swap3A_183] {strides = array<i32>} : memref<128x32xf32, #tpu.memory_space<vmem>>, vector<1x16xf32>,
          %swap3A_185 = vector.shape_cast %swap3A_184 : vector<1x16xf32> to vector<16xf32>
          %swap3A_186 = vector.shape_cast %mul3A_181 : vector<16xf32> to vector<1x16xf32>
          tpu.vector_store %arg9[%swap3A_182, %swap3A_183], %swap3A_186 {strides = array<i32>} : memref<128x32xf32, #tpu.memory_space<vmem>>, vector<1x16xf32>,
          %broadcast_in_dim3A_187 = arith.constant 1 : i32
          %broadcast_in_dim3A_188 = vector.broadcast %broadcast_in_dim3A_187 : i32 to vector<16x1xi32>
          %gather3A_189 = vector.shape_cast %broadcast_in_dim3A_188 : vector<16x1xi32> to vector<16xi32>
          %gather3A_190 = tpu.dynamic_gather %get3A_161[%gather3A_189] in [0] : vector<16xf32>, vector<16xi32> -> vector<16xf32>
          %mul3A_191 = arith.constant 16 : i32
          %mul3A_192 = arith.muli %scan3A_153, %mul3A_191 : i32
          %add3A_193 = arith.constant 1 : i32
          %add3A_194 = arith.addi %mul3A_192, %add3A_193 : i32
          %get3A_195 = arith.index_cast %add3A_194 : i32 to index
          %get3A_196 = arith.constant 0 : index
          %get3A_197 = tpu.vector_load %arg9[%get3A_195, %get3A_196] {strides = array<i32>} : memref<128x32xf32, #tpu.memory_space<vmem>>, vector<1x16xf32>,
          %get3A_198 = vector.shape_cast %get3A_197 : vector<1x16xf32> to vector<16xf32>
          %mul3A_199 = arith.mulf %get3A_198, %gather3A_190 : vector<16xf32>
          %swap3A_200 = arith.index_cast %add3A_194 : i32 to index
          %swap3A_201 = arith.constant 0 : index
          %swap3A_202 = tpu.vector_load %arg9[%swap3A_200, %swap3A_201] {strides = array<i32>} : memref<128x32xf32, #tpu.memory_space<vmem>>, vector<1x16xf32>,
          %swap3A_203 = vector.shape_cast %swap3A_202 : vector<1x16xf32> to vector<16xf32>
          %swap3A_204 = vector.shape_cast %mul3A_199 : vector<16xf32> to vector<1x16xf32>
          tpu.vector_store %arg9[%swap3A_200, %swap3A_201], %swap3A_204 {strides = array<i32>} : memref<128x32xf32, #tpu.memory_space<vmem>>, vector<1x16xf32>,
          %get3A_205 = arith.index_cast %add3A_194 : i32 to index
          %get3A_206 = arith.constant 16 : index
          %get3A_207 = tpu.vector_load %arg9[%get3A_205, %get3A_206] {strides = array<i32>} : memref<128x32xf32, #tpu.memory_space<vmem>>, vector<1x16xf32>,
          %get3A_208 = vector.shape_cast %get3A_207 : vector<1x16xf32> to vector<16xf32>
          %mul3A_209 = arith.mulf %get3A_208, %gather3A_190 : vector<16xf32>
          %swap3A_210 = arith.index_cast %add3A_194 : i32 to index
          %swap3A_211 = arith.constant 16 : index
          %swap3A_212 = tpu.vector_load %arg9[%swap3A_210, %swap3A_211] {strides = array<i32>} : memref<128x32xf32, #tpu.memory_space<vmem>>, vector<1x16xf32>,
          %swap3A_213 = vector.shape_cast %swap3A_212 : vector<1x16xf32> to vector<16xf32>
          %swap3A_214 = vector.shape_cast %mul3A_209 : vector<16xf32> to vector<1x16xf32>
          tpu.vector_store %arg9[%swap3A_210, %swap3A_211], %swap3A_214 {strides = array<i32>} : memref<128x32xf32, #tpu.memory_space<vmem>>, vector<1x16xf32>,
          %broadcast_in_dim3A_215 = arith.constant 2 : i32
          %broadcast_in_dim3A_216 = vector.broadcast %broadcast_in_dim3A_215 : i32 to vector<16x1xi32>
          %gather3A_217 = vector.shape_cast %broadcast_in_dim3A_216 : vector<16x1xi32> to vector<16xi32>
          %gather3A_218 = tpu.dynamic_gather %get3A_161[%gather3A_217] in [0] : vector<16xf32>, vector<16xi32> -> vector<16xf32>
          %mul3A_219 = arith.constant 16 : i32
          %mul3A_220 = arith.muli %scan3A_153, %mul3A_219 : i32
          %add3A_221 = arith.constant 2 : i32
          %add3A_222 = arith.addi %mul3A_220, %add3A_221 : i32
          %get3A_223 = arith.index_cast %add3A_222 : i32 to index
          %get3A_224 = arith.constant 0 : index
          %get3A_225 = tpu.vector_load %arg9[%get3A_223, %get3A_224] {strides = array<i32>} : memref<128x32xf32, #tpu.memory_space<vmem>>, vector<1x16xf32>,
          %get3A_226 = vector.shape_cast %get3A_225 : vector<1x16xf32> to vector<16xf32>
          %mul3A_227 = arith.mulf %get3A_226, %gather3A_218 : vector<16xf32>
          %swap3A_228 = arith.index_cast %add3A_222 : i32 to index
          %swap3A_229 = arith.constant 0 : index
          %swap3A_230 = tpu.vector_load %arg9[%swap3A_228, %swap3A_229] {strides = array<i32>} : memref<128x32xf32, #tpu.memory_space<vmem>>, vector<1x16xf32>,
          %swap3A_231 = vector.shape_cast %swap3A_230 : vector<1x16xf32> to vector<16xf32>
          %swap3A_232 = vector.shape_cast %mul3A_227 : vector<16xf32> to vector<1x16xf32>
          tpu.vector_store %arg9[%swap3A_228, %swap3A_229], %swap3A_232 {strides = array<i32>} : memref<128x32xf32, #tpu.memory_space<vmem>>, vector<1x16xf32>,
          %get3A_233 = arith.index_cast %add3A_222 : i32 to index
          %get3A_234 = arith.constant 16 : index
          %get3A_235 = tpu.vector_load %arg9[%get3A_233, %get3A_234] {strides = array<i32>} : memref<128x32xf32, #tpu.memory_space<vmem>>, vector<1x16xf32>,
          %get3A_236 = vector.shape_cast %get3A_235 : vector<1x16xf32> to vector<16xf32>
          %mul3A_237 = arith.mulf %get3A_236, %gather3A_218 : vector<16xf32>
          %swap3A_238 = arith.index_cast %add3A_222 : i32 to index
          %swap3A_239 = arith.constant 16 : index
          %swap3A_240 = tpu.vector_load %arg9[%swap3A_238, %swap3A_239] {strides = array<i32>} : memref<128x32xf32, #tpu.memory_space<vmem>>, vector<1x16xf32>,
          %swap3A_241 = vector.shape_cast %swap3A_240 : vector<1x16xf32> to vector<16xf32>
          %swap3A_242 = vector.shape_cast %mul3A_237 : vector<16xf32> to vector<1x16xf32>
          tpu.vector_store %arg9[%swap3A_238, %swap3A_239], %swap3A_242 {strides = array<i32>} : memref<128x32xf32, #tpu.memory_space<vmem>>, vector<1x16xf32>,
          %broadcast_in_dim3A_243 = arith.constant 3 : i32
          %broadcast_in_dim3A_244 = vector.broadcast %broadcast_in_dim3A_243 : i32 to vector<16x1xi32>
          %gather3A_245 = vector.shape_cast %broadcast_in_dim3A_244 : vector<16x1xi32> to vector<16xi32>
          %gather3A_246 = tpu.dynamic_gather %get3A_161[%gather3A_245] in [0] : vector<16xf32>, vector<16xi32> -> vector<16xf32>
          %mul3A_247 = arith.constant 16 : i32
          %mul3A_248 = arith.muli %scan3A_153, %mul3A_247 : i32
          %add3A_249 = arith.constant 3 : i32
          %add3A_250 = arith.addi %mul3A_248, %add3A_249 : i32
          %get3A_251 = arith.index_cast %add3A_250 : i32 to index
          %get3A_252 = arith.constant 0 : index
          %get3A_253 = tpu.vector_load %arg9[%get3A_251, %get3A_252] {strides = array<i32>} : memref<128x32xf32, #tpu.memory_space<vmem>>, vector<1x16xf32>,
          %get3A_254 = vector.shape_cast %get3A_253 : vector<1x16xf32> to vector<16xf32>
          %mul3A_255 = arith.mulf %get3A_254, %gather3A_246 : vector<16xf32>
          %swap3A_256 = arith.index_cast %add3A_250 : i32 to index
          %swap3A_257 = arith.constant 0 : index
          %swap3A_258 = tpu.vector_load %arg9[%swap3A_256, %swap3A_257] {strides = array<i32>} : memref<128x32xf32, #tpu.memory_space<vmem>>, vector<1x16xf32>,
          %swap3A_259 = vector.shape_cast %swap3A_258 : vector<1x16xf32> to vector<16xf32>
          %swap3A_260 = vector.shape_cast %mul3A_255 : vector<16xf32> to vector<1x16xf32>
          tpu.vector_store %arg9[%swap3A_256, %swap3A_257], %swap3A_260 {strides = array<i32>} : memref<128x32xf32, #tpu.memory_space<vmem>>, vector<1x16xf32>,
          %get3A_261 = arith.index_cast %add3A_250 : i32 to index
          %get3A_262 = arith.constant 16 : index
          %get3A_263 = tpu.vector_load %arg9[%get3A_261, %get3A_262] {strides = array<i32>} : memref<128x32xf32, #tpu.memory_space<vmem>>, vector<1x16xf32>,
          %get3A_264 = vector.shape_cast %get3A_263 : vector<1x16xf32> to vector<16xf32>
          %mul3A_265 = arith.mulf %get3A_264, %gather3A_246 : vector<16xf32>
          %swap3A_266 = arith.index_cast %add3A_250 : i32 to index
          %swap3A_267 = arith.constant 16 : index
          %swap3A_268 = tpu.vector_load %arg9[%swap3A_266, %swap3A_267] {strides = array<i32>} : memref<128x32xf32, #tpu.memory_space<vmem>>, vector<1x16xf32>,
          %swap3A_269 = vector.shape_cast %swap3A_268 : vector<1x16xf32> to vector<16xf32>
          %swap3A_270 = vector.shape_cast %mul3A_265 : vector<16xf32> to vector<1x16xf32>
          tpu.vector_store %arg9[%swap3A_266, %swap3A_267], %swap3A_270 {strides = array<i32>} : memref<128x32xf32, #tpu.memory_space<vmem>>, vector<1x16xf32>,
          %broadcast_in_dim3A_271 = arith.constant 4 : i32
          %broadcast_in_dim3A_272 = vector.broadcast %broadcast_in_dim3A_271 : i32 to vector<16x1xi32>
          %gather3A_273 = vector.shape_cast %broadcast_in_dim3A_272 : vector<16x1xi32> to vector<16xi32>
          %gather3A_274 = tpu.dynamic_gather %get3A_161[%gather3A_273] in [0] : vector<16xf32>, vector<16xi32> -> vector<16xf32>
          %mul3A_275 = arith.constant 16 : i32
          %mul3A_276 = arith.muli %scan3A_153, %mul3A_275 : i32
          %add3A_277 = arith.constant 4 : i32
          %add3A_278 = arith.addi %mul3A_276, %add3A_277 : i32
          %get3A_279 = arith.index_cast %add3A_278 : i32 to index
          %get3A_280 = arith.constant 0 : index
          %get3A_281 = tpu.vector_load %arg9[%get3A_279, %get3A_280] {strides = array<i32>} : memref<128x32xf32, #tpu.memory_space<vmem>>, vector<1x16xf32>,
          %get3A_282 = vector.shape_cast %get3A_281 : vector<1x16xf32> to vector<16xf32>
          %mul3A_283 = arith.mulf %get3A_282, %gather3A_274 : vector<16xf32>
          %swap3A_284 = arith.index_cast %add3A_278 : i32 to index
          %swap3A_285 = arith.constant 0 : index
          %swap3A_286 = tpu.vector_load %arg9[%swap3A_284, %swap3A_285] {strides = array<i32>} : memref<128x32xf32, #tpu.memory_space<vmem>>, vector<1x16xf32>,
          %swap3A_287 = vector.shape_cast %swap3A_286 : vector<1x16xf32> to vector<16xf32>
          %swap3A_288 = vector.shape_cast %mul3A_283 : vector<16xf32> to vector<1x16xf32>
          tpu.vector_store %arg9[%swap3A_284, %swap3A_285], %swap3A_288 {strides = array<i32>} : memref<128x32xf32, #tpu.memory_space<vmem>>, vector<1x16xf32>,
          %get3A_289 = arith.index_cast %add3A_278 : i32 to index
          %get3A_290 = arith.constant 16 : index
          %get3A_291 = tpu.vector_load %arg9[%get3A_289, %get3A_290] {strides = array<i32>} : memref<128x32xf32, #tpu.memory_space<vmem>>, vector<1x16xf32>,
          %get3A_292 = vector.shape_cast %get3A_291 : vector<1x16xf32> to vector<16xf32>
          %mul3A_293 = arith.mulf %get3A_292, %gather3A_274 : vector<16xf32>
          %swap3A_294 = arith.index_cast %add3A_278 : i32 to index
          %swap3A_295 = arith.constant 16 : index
          %swap3A_296 = tpu.vector_load %arg9[%swap3A_294, %swap3A_295] {strides = array<i32>} : memref<128x32xf32, #tpu.memory_space<vmem>>, vector<1x16xf32>,
          %swap3A_297 = vector.shape_cast %swap3A_296 : vector<1x16xf32> to vector<16xf32>
          %swap3A_298 = vector.shape_cast %mul3A_293 : vector<16xf32> to vector<1x16xf32>
          tpu.vector_store %arg9[%swap3A_294, %swap3A_295], %swap3A_298 {strides = array<i32>} : memref<128x32xf32, #tpu.memory_space<vmem>>, vector<1x16xf32>,
          %broadcast_in_dim3A_299 = arith.constant 5 : i32
          %broadcast_in_dim3A_300 = vector.broadcast %broadcast_in_dim3A_299 : i32 to vector<16x1xi32>
          %gather3A_301 = vector.shape_cast %broadcast_in_dim3A_300 : vector<16x1xi32> to vector<16xi32>
          %gather3A_302 = tpu.dynamic_gather %get3A_161[%gather3A_301] in [0] : vector<16xf32>, vector<16xi32> -> vector<16xf32>
          %mul3A_303 = arith.constant 16 : i32
          %mul3A_304 = arith.muli %scan3A_153, %mul3A_303 : i32
          %add3A_305 = arith.constant 5 : i32
          %add3A_306 = arith.addi %mul3A_304, %add3A_305 : i32
          %get3A_307 = arith.index_cast %add3A_306 : i32 to index
          %get3A_308 = arith.constant 0 : index
          %get3A_309 = tpu.vector_load %arg9[%get3A_307, %get3A_308] {strides = array<i32>} : memref<128x32xf32, #tpu.memory_space<vmem>>, vector<1x16xf32>,
          %get3A_310 = vector.shape_cast %get3A_309 : vector<1x16xf32> to vector<16xf32>
          %mul3A_311 = arith.mulf %get3A_310, %gather3A_302 : vector<16xf32>
          %swap3A_312 = arith.index_cast %add3A_306 : i32 to index
          %swap3A_313 = arith.constant 0 : index
          %swap3A_314 = tpu.vector_load %arg9[%swap3A_312, %swap3A_313] {strides = array<i32>} : memref<128x32xf32, #tpu.memory_space<vmem>>, vector<1x16xf32>,
          %swap3A_315 = vector.shape_cast %swap3A_314 : vector<1x16xf32> to vector<16xf32>
          %swap3A_316 = vector.shape_cast %mul3A_311 : vector<16xf32> to vector<1x16xf32>
          tpu.vector_store %arg9[%swap3A_312, %swap3A_313], %swap3A_316 {strides = array<i32>} : memref<128x32xf32, #tpu.memory_space<vmem>>, vector<1x16xf32>,
          %get3A_317 = arith.index_cast %add3A_306 : i32 to index
          %get3A_318 = arith.constant 16 : index
          %get3A_319 = tpu.vector_load %arg9[%get3A_317, %get3A_318] {strides = array<i32>} : memref<128x32xf32, #tpu.memory_space<vmem>>, vector<1x16xf32>,
          %get3A_320 = vector.shape_cast %get3A_319 : vector<1x16xf32> to vector<16xf32>
          %mul3A_321 = arith.mulf %get3A_320, %gather3A_302 : vector<16xf32>
          %swap3A_322 = arith.index_cast %add3A_306 : i32 to index
          %swap3A_323 = arith.constant 16 : index
          %swap3A_324 = tpu.vector_load %arg9[%swap3A_322, %swap3A_323] {strides = array<i32>} : memref<128x32xf32, #tpu.memory_space<vmem>>, vector<1x16xf32>,
          %swap3A_325 = vector.shape_cast %swap3A_324 : vector<1x16xf32> to vector<16xf32>
          %swap3A_326 = vector.shape_cast %mul3A_321 : vector<16xf32> to vector<1x16xf32>
          tpu.vector_store %arg9[%swap3A_322, %swap3A_323], %swap3A_326 {strides = array<i32>} : memref<128x32xf32, #tpu.memory_space<vmem>>, vector<1x16xf32>,
          %broadcast_in_dim3A_327 = arith.constant 6 : i32
          %broadcast_in_dim3A_328 = vector.broadcast %broadcast_in_dim3A_327 : i32 to vector<16x1xi32>
          %gather3A_329 = vector.shape_cast %broadcast_in_dim3A_328 : vector<16x1xi32> to vector<16xi32>
          %gather3A_330 = tpu.dynamic_gather %get3A_161[%gather3A_329] in [0] : vector<16xf32>, vector<16xi32> -> vector<16xf32>
          %mul3A_331 = arith.constant 16 : i32
          %mul3A_332 = arith.muli %scan3A_153, %mul3A_331 : i32
          %add3A_333 = arith.constant 6 : i32
          %add3A_334 = arith.addi %mul3A_332, %add3A_333 : i32
          %get3A_335 = arith.index_cast %add3A_334 : i32 to index
          %get3A_336 = arith.constant 0 : index
          %get3A_337 = tpu.vector_load %arg9[%get3A_335, %get3A_336] {strides = array<i32>} : memref<128x32xf32, #tpu.memory_space<vmem>>, vector<1x16xf32>,
          %get3A_338 = vector.shape_cast %get3A_337 : vector<1x16xf32> to vector<16xf32>
          %mul3A_339 = arith.mulf %get3A_338, %gather3A_330 : vector<16xf32>
          %swap3A_340 = arith.index_cast %add3A_334 : i32 to index
          %swap3A_341 = arith.constant 0 : index
          %swap3A_342 = tpu.vector_load %arg9[%swap3A_340, %swap3A_341] {strides = array<i32>} : memref<128x32xf32, #tpu.memory_space<vmem>>, vector<1x16xf32>,
          %swap3A_343 = vector.shape_cast %swap3A_342 : vector<1x16xf32> to vector<16xf32>
          %swap3A_344 = vector.shape_cast %mul3A_339 : vector<16xf32> to vector<1x16xf32>
          tpu.vector_store %arg9[%swap3A_340, %swap3A_341], %swap3A_344 {strides = array<i32>} : memref<128x32xf32, #tpu.memory_space<vmem>>, vector<1x16xf32>,
          %get3A_345 = arith.index_cast %add3A_334 : i32 to index
          %get3A_346 = arith.constant 16 : index
          %get3A_347 = tpu.vector_load %arg9[%get3A_345, %get3A_346] {strides = array<i32>} : memref<128x32xf32, #tpu.memory_space<vmem>>, vector<1x16xf32>,
          %get3A_348 = vector.shape_cast %get3A_347 : vector<1x16xf32> to vector<16xf32>
          %mul3A_349 = arith.mulf %get3A_348, %gather3A_330 : vector<16xf32>
          %swap3A_350 = arith.index_cast %add3A_334 : i32 to index
          %swap3A_351 = arith.constant 16 : index
          %swap3A_352 = tpu.vector_load %arg9[%swap3A_350, %swap3A_351] {strides = array<i32>} : memref<128x32xf32, #tpu.memory_space<vmem>>, vector<1x16xf32>,
          %swap3A_353 = vector.shape_cast %swap3A_352 : vector<1x16xf32> to vector<16xf32>
          %swap3A_354 = vector.shape_cast %mul3A_349 : vector<16xf32> to vector<1x16xf32>
          tpu.vector_store %arg9[%swap3A_350, %swap3A_351], %swap3A_354 {strides = array<i32>} : memref<128x32xf32, #tpu.memory_space<vmem>>, vector<1x16xf32>,
          %broadcast_in_dim3A_355 = arith.constant 7 : i32
          %broadcast_in_dim3A_356 = vector.broadcast %broadcast_in_dim3A_355 : i32 to vector<16x1xi32>
          %gather3A_357 = vector.shape_cast %broadcast_in_dim3A_356 : vector<16x1xi32> to vector<16xi32>
          %gather3A_358 = tpu.dynamic_gather %get3A_161[%gather3A_357] in [0] : vector<16xf32>, vector<16xi32> -> vector<16xf32>
          %mul3A_359 = arith.constant 16 : i32
          %mul3A_360 = arith.muli %scan3A_153, %mul3A_359 : i32
          %add3A_361 = arith.constant 7 : i32
          %add3A_362 = arith.addi %mul3A_360, %add3A_361 : i32
          %get3A_363 = arith.index_cast %add3A_362 : i32 to index
          %get3A_364 = arith.constant 0 : index
          %get3A_365 = tpu.vector_load %arg9[%get3A_363, %get3A_364] {strides = array<i32>} : memref<128x32xf32, #tpu.memory_space<vmem>>, vector<1x16xf32>,
          %get3A_366 = vector.shape_cast %get3A_365 : vector<1x16xf32> to vector<16xf32>
          %mul3A_367 = arith.mulf %get3A_366, %gather3A_358 : vector<16xf32>
          %swap3A_368 = arith.index_cast %add3A_362 : i32 to index
          %swap3A_369 = arith.constant 0 : index
          %swap3A_370 = tpu.vector_load %arg9[%swap3A_368, %swap3A_369] {strides = array<i32>} : memref<128x32xf32, #tpu.memory_space<vmem>>, vector<1x16xf32>,
          %swap3A_371 = vector.shape_cast %swap3A_370 : vector<1x16xf32> to vector<16xf32>
          %swap3A_372 = vector.shape_cast %mul3A_367 : vector<16xf32> to vector<1x16xf32>
          tpu.vector_store %arg9[%swap3A_368, %swap3A_369], %swap3A_372 {strides = array<i32>} : memref<128x32xf32, #tpu.memory_space<vmem>>, vector<1x16xf32>,
          %get3A_373 = arith.index_cast %add3A_362 : i32 to index
          %get3A_374 = arith.constant 16 : index
          %get3A_375 = tpu.vector_load %arg9[%get3A_373, %get3A_374] {strides = array<i32>} : memref<128x32xf32, #tpu.memory_space<vmem>>, vector<1x16xf32>,
          %get3A_376 = vector.shape_cast %get3A_375 : vector<1x16xf32> to vector<16xf32>
          %mul3A_377 = arith.mulf %get3A_376, %gather3A_358 : vector<16xf32>
          %swap3A_378 = arith.index_cast %add3A_362 : i32 to index
          %swap3A_379 = arith.constant 16 : index
          %swap3A_380 = tpu.vector_load %arg9[%swap3A_378, %swap3A_379] {strides = array<i32>} : memref<128x32xf32, #tpu.memory_space<vmem>>, vector<1x16xf32>,
          %swap3A_381 = vector.shape_cast %swap3A_380 : vector<1x16xf32> to vector<16xf32>
          %swap3A_382 = vector.shape_cast %mul3A_377 : vector<16xf32> to vector<1x16xf32>
          tpu.vector_store %arg9[%swap3A_378, %swap3A_379], %swap3A_382 {strides = array<i32>} : memref<128x32xf32, #tpu.memory_space<vmem>>, vector<1x16xf32>,
          %broadcast_in_dim3A_383 = arith.constant 8 : i32
          %broadcast_in_dim3A_384 = vector.broadcast %broadcast_in_dim3A_383 : i32 to vector<16x1xi32>
          %gather3A_385 = vector.shape_cast %broadcast_in_dim3A_384 : vector<16x1xi32> to vector<16xi32>
          %gather3A_386 = tpu.dynamic_gather %get3A_161[%gather3A_385] in [0] : vector<16xf32>, vector<16xi32> -> vector<16xf32>
          %mul3A_387 = arith.constant 16 : i32
          %mul3A_388 = arith.muli %scan3A_153, %mul3A_387 : i32
          %add3A_389 = arith.constant 8 : i32
          %add3A_390 = arith.addi %mul3A_388, %add3A_389 : i32
          %get3A_391 = arith.index_cast %add3A_390 : i32 to index
          %get3A_392 = arith.constant 0 : index
          %get3A_393 = tpu.vector_load %arg9[%get3A_391, %get3A_392] {strides = array<i32>} : memref<128x32xf32, #tpu.memory_space<vmem>>, vector<1x16xf32>,
          %get3A_394 = vector.shape_cast %get3A_393 : vector<1x16xf32> to vector<16xf32>
          %mul3A_395 = arith.mulf %get3A_394, %gather3A_386 : vector<16xf32>
          %swap3A_396 = arith.index_cast %add3A_390 : i32 to index
          %swap3A_397 = arith.constant 0 : index
          %swap3A_398 = tpu.vector_load %arg9[%swap3A_396, %swap3A_397] {strides = array<i32>} : memref<128x32xf32, #tpu.memory_space<vmem>>, vector<1x16xf32>,
          %swap3A_399 = vector.shape_cast %swap3A_398 : vector<1x16xf32> to vector<16xf32>
          %swap3A_400 = vector.shape_cast %mul3A_395 : vector<16xf32> to vector<1x16xf32>
          tpu.vector_store %arg9[%swap3A_396, %swap3A_397], %swap3A_400 {strides = array<i32>} : memref<128x32xf32, #tpu.memory_space<vmem>>, vector<1x16xf32>,
          %get3A_401 = arith.index_cast %add3A_390 : i32 to index
          %get3A_402 = arith.constant 16 : index
          %get3A_403 = tpu.vector_load %arg9[%get3A_401, %get3A_402] {strides = array<i32>} : memref<128x32xf32, #tpu.memory_space<vmem>>, vector<1x16xf32>,
          %get3A_404 = vector.shape_cast %get3A_403 : vector<1x16xf32> to vector<16xf32>
          %mul3A_405 = arith.mulf %get3A_404, %gather3A_386 : vector<16xf32>
          %swap3A_406 = arith.index_cast %add3A_390 : i32 to index
          %swap3A_407 = arith.constant 16 : index
          %swap3A_408 = tpu.vector_load %arg9[%swap3A_406, %swap3A_407] {strides = array<i32>} : memref<128x32xf32, #tpu.memory_space<vmem>>, vector<1x16xf32>,
          %swap3A_409 = vector.shape_cast %swap3A_408 : vector<1x16xf32> to vector<16xf32>
          %swap3A_410 = vector.shape_cast %mul3A_405 : vector<16xf32> to vector<1x16xf32>
          tpu.vector_store %arg9[%swap3A_406, %swap3A_407], %swap3A_410 {strides = array<i32>} : memref<128x32xf32, #tpu.memory_space<vmem>>, vector<1x16xf32>,
          %broadcast_in_dim3A_411 = arith.constant 9 : i32
          %broadcast_in_dim3A_412 = vector.broadcast %broadcast_in_dim3A_411 : i32 to vector<16x1xi32>
          %gather3A_413 = vector.shape_cast %broadcast_in_dim3A_412 : vector<16x1xi32> to vector<16xi32>
          %gather3A_414 = tpu.dynamic_gather %get3A_161[%gather3A_413] in [0] : vector<16xf32>, vector<16xi32> -> vector<16xf32>
          %mul3A_415 = arith.constant 16 : i32
          %mul3A_416 = arith.muli %scan3A_153, %mul3A_415 : i32
          %add3A_417 = arith.constant 9 : i32
          %add3A_418 = arith.addi %mul3A_416, %add3A_417 : i32
          %get3A_419 = arith.index_cast %add3A_418 : i32 to index
          %get3A_420 = arith.constant 0 : index
          %get3A_421 = tpu.vector_load %arg9[%get3A_419, %get3A_420] {strides = array<i32>} : memref<128x32xf32, #tpu.memory_space<vmem>>, vector<1x16xf32>,
          %get3A_422 = vector.shape_cast %get3A_421 : vector<1x16xf32> to vector<16xf32>
          %mul3A_423 = arith.mulf %get3A_422, %gather3A_414 : vector<16xf32>
          %swap3A_424 = arith.index_cast %add3A_418 : i32 to index
          %swap3A_425 = arith.constant 0 : index
          %swap3A_426 = tpu.vector_load %arg9[%swap3A_424, %swap3A_425] {strides = array<i32>} : memref<128x32xf32, #tpu.memory_space<vmem>>, vector<1x16xf32>,
          %swap3A_427 = vector.shape_cast %swap3A_426 : vector<1x16xf32> to vector<16xf32>
          %swap3A_428 = vector.shape_cast %mul3A_423 : vector<16xf32> to vector<1x16xf32>
          tpu.vector_store %arg9[%swap3A_424, %swap3A_425], %swap3A_428 {strides = array<i32>} : memref<128x32xf32, #tpu.memory_space<vmem>>, vector<1x16xf32>,
          %get3A_429 = arith.index_cast %add3A_418 : i32 to index
          %get3A_430 = arith.constant 16 : index
          %get3A_431 = tpu.vector_load %arg9[%get3A_429, %get3A_430] {strides = array<i32>} : memref<128x32xf32, #tpu.memory_space<vmem>>, vector<1x16xf32>,
          %get3A_432 = vector.shape_cast %get3A_431 : vector<1x16xf32> to vector<16xf32>
          %mul3A_433 = arith.mulf %get3A_432, %gather3A_414 : vector<16xf32>
          %swap3A_434 = arith.index_cast %add3A_418 : i32 to index
          %swap3A_435 = arith.constant 16 : index
          %swap3A_436 = tpu.vector_load %arg9[%swap3A_434, %swap3A_435] {strides = array<i32>} : memref<128x32xf32, #tpu.memory_space<vmem>>, vector<1x16xf32>,
          %swap3A_437 = vector.shape_cast %swap3A_436 : vector<1x16xf32> to vector<16xf32>
          %swap3A_438 = vector.shape_cast %mul3A_433 : vector<16xf32> to vector<1x16xf32>
          tpu.vector_store %arg9[%swap3A_434, %swap3A_435], %swap3A_438 {strides = array<i32>} : memref<128x32xf32, #tpu.memory_space<vmem>>, vector<1x16xf32>,
          %broadcast_in_dim3A_439 = arith.constant 10 : i32
          %broadcast_in_dim3A_440 = vector.broadcast %broadcast_in_dim3A_439 : i32 to vector<16x1xi32>
          %gather3A_441 = vector.shape_cast %broadcast_in_dim3A_440 : vector<16x1xi32> to vector<16xi32>
          %gather3A_442 = tpu.dynamic_gather %get3A_161[%gather3A_441] in [0] : vector<16xf32>, vector<16xi32> -> vector<16xf32>
          %mul3A_443 = arith.constant 16 : i32
          %mul3A_444 = arith.muli %scan3A_153, %mul3A_443 : i32
          %add3A_445 = arith.constant 10 : i32
          %add3A_446 = arith.addi %mul3A_444, %add3A_445 : i32
          %get3A_447 = arith.index_cast %add3A_446 : i32 to index
          %get3A_448 = arith.constant 0 : index
          %get3A_449 = tpu.vector_load %arg9[%get3A_447, %get3A_448] {strides = array<i32>} : memref<128x32xf32, #tpu.memory_space<vmem>>, vector<1x16xf32>,
          %get3A_450 = vector.shape_cast %get3A_449 : vector<1x16xf32> to vector<16xf32>
          %mul3A_451 = arith.mulf %get3A_450, %gather3A_442 : vector<16xf32>
          %swap3A_452 = arith.index_cast %add3A_446 : i32 to index
          %swap3A_453 = arith.constant 0 : index
          %swap3A_454 = tpu.vector_load %arg9[%swap3A_452, %swap3A_453] {strides = array<i32>} : memref<128x32xf32, #tpu.memory_space<vmem>>, vector<1x16xf32>,
          %swap3A_455 = vector.shape_cast %swap3A_454 : vector<1x16xf32> to vector<16xf32>
          %swap3A_456 = vector.shape_cast %mul3A_451 : vector<16xf32> to vector<1x16xf32>
          tpu.vector_store %arg9[%swap3A_452, %swap3A_453], %swap3A_456 {strides = array<i32>} : memref<128x32xf32, #tpu.memory_space<vmem>>, vector<1x16xf32>,
          %get3A_457 = arith.index_cast %add3A_446 : i32 to index
          %get3A_458 = arith.constant 16 : index
          %get3A_459 = tpu.vector_load %arg9[%get3A_457, %get3A_458] {strides = array<i32>} : memref<128x32xf32, #tpu.memory_space<vmem>>, vector<1x16xf32>,
          %get3A_460 = vector.shape_cast %get3A_459 : vector<1x16xf32> to vector<16xf32>
          %mul3A_461 = arith.mulf %get3A_460, %gather3A_442 : vector<16xf32>
          %swap3A_462 = arith.index_cast %add3A_446 : i32 to index
          %swap3A_463 = arith.constant 16 : index
          %swap3A_464 = tpu.vector_load %arg9[%swap3A_462, %swap3A_463] {strides = array<i32>} : memref<128x32xf32, #tpu.memory_space<vmem>>, vector<1x16xf32>,
          %swap3A_465 = vector.shape_cast %swap3A_464 : vector<1x16xf32> to vector<16xf32>
          %swap3A_466 = vector.shape_cast %mul3A_461 : vector<16xf32> to vector<1x16xf32>
          tpu.vector_store %arg9[%swap3A_462, %swap3A_463], %swap3A_466 {strides = array<i32>} : memref<128x32xf32, #tpu.memory_space<vmem>>, vector<1x16xf32>,
          %broadcast_in_dim3A_467 = arith.constant 11 : i32
          %broadcast_in_dim3A_468 = vector.broadcast %broadcast_in_dim3A_467 : i32 to vector<16x1xi32>
          %gather3A_469 = vector.shape_cast %broadcast_in_dim3A_468 : vector<16x1xi32> to vector<16xi32>
          %gather3A_470 = tpu.dynamic_gather %get3A_161[%gather3A_469] in [0] : vector<16xf32>, vector<16xi32> -> vector<16xf32>
          %mul3A_471 = arith.constant 16 : i32
          %mul3A_472 = arith.muli %scan3A_153, %mul3A_471 : i32
          %add3A_473 = arith.constant 11 : i32
          %add3A_474 = arith.addi %mul3A_472, %add3A_473 : i32
          %get3A_475 = arith.index_cast %add3A_474 : i32 to index
          %get3A_476 = arith.constant 0 : index
          %get3A_477 = tpu.vector_load %arg9[%get3A_475, %get3A_476] {strides = array<i32>} : memref<128x32xf32, #tpu.memory_space<vmem>>, vector<1x16xf32>,
          %get3A_478 = vector.shape_cast %get3A_477 : vector<1x16xf32> to vector<16xf32>
          %mul3A_479 = arith.mulf %get3A_478, %gather3A_470 : vector<16xf32>
          %swap3A_480 = arith.index_cast %add3A_474 : i32 to index
          %swap3A_481 = arith.constant 0 : index
          %swap3A_482 = tpu.vector_load %arg9[%swap3A_480, %swap3A_481] {strides = array<i32>} : memref<128x32xf32, #tpu.memory_space<vmem>>, vector<1x16xf32>,
          %swap3A_483 = vector.shape_cast %swap3A_482 : vector<1x16xf32> to vector<16xf32>
          %swap3A_484 = vector.shape_cast %mul3A_479 : vector<16xf32> to vector<1x16xf32>
          tpu.vector_store %arg9[%swap3A_480, %swap3A_481], %swap3A_484 {strides = array<i32>} : memref<128x32xf32, #tpu.memory_space<vmem>>, vector<1x16xf32>,
          %get3A_485 = arith.index_cast %add3A_474 : i32 to index
          %get3A_486 = arith.constant 16 : index
          %get3A_487 = tpu.vector_load %arg9[%get3A_485, %get3A_486] {strides = array<i32>} : memref<128x32xf32, #tpu.memory_space<vmem>>, vector<1x16xf32>,
          %get3A_488 = vector.shape_cast %get3A_487 : vector<1x16xf32> to vector<16xf32>
          %mul3A_489 = arith.mulf %get3A_488, %gather3A_470 : vector<16xf32>
          %swap3A_490 = arith.index_cast %add3A_474 : i32 to index
          %swap3A_491 = arith.constant 16 : index
          %swap3A_492 = tpu.vector_load %arg9[%swap3A_490, %swap3A_491] {strides = array<i32>} : memref<128x32xf32, #tpu.memory_space<vmem>>, vector<1x16xf32>,
          %swap3A_493 = vector.shape_cast %swap3A_492 : vector<1x16xf32> to vector<16xf32>
          %swap3A_494 = vector.shape_cast %mul3A_489 : vector<16xf32> to vector<1x16xf32>
          tpu.vector_store %arg9[%swap3A_490, %swap3A_491], %swap3A_494 {strides = array<i32>} : memref<128x32xf32, #tpu.memory_space<vmem>>, vector<1x16xf32>,
          %broadcast_in_dim3A_495 = arith.constant 12 : i32
          %broadcast_in_dim3A_496 = vector.broadcast %broadcast_in_dim3A_495 : i32 to vector<16x1xi32>
          %gather3A_497 = vector.shape_cast %broadcast_in_dim3A_496 : vector<16x1xi32> to vector<16xi32>
          %gather3A_498 = tpu.dynamic_gather %get3A_161[%gather3A_497] in [0] : vector<16xf32>, vector<16xi32> -> vector<16xf32>
          %mul3A_499 = arith.constant 16 : i32
          %mul3A_500 = arith.muli %scan3A_153, %mul3A_499 : i32
          %add3A_501 = arith.constant 12 : i32
          %add3A_502 = arith.addi %mul3A_500, %add3A_501 : i32
          %get3A_503 = arith.index_cast %add3A_502 : i32 to index
          %get3A_504 = arith.constant 0 : index
          %get3A_505 = tpu.vector_load %arg9[%get3A_503, %get3A_504] {strides = array<i32>} : memref<128x32xf32, #tpu.memory_space<vmem>>, vector<1x16xf32>,
          %get3A_506 = vector.shape_cast %get3A_505 : vector<1x16xf32> to vector<16xf32>
          %mul3A_507 = arith.mulf %get3A_506, %gather3A_498 : vector<16xf32>
          %swap3A_508 = arith.index_cast %add3A_502 : i32 to index
          %swap3A_509 = arith.constant 0 : index
          %swap3A_510 = tpu.vector_load %arg9[%swap3A_508, %swap3A_509] {strides = array<i32>} : memref<128x32xf32, #tpu.memory_space<vmem>>, vector<1x16xf32>,
          %swap3A_511 = vector.shape_cast %swap3A_510 : vector<1x16xf32> to vector<16xf32>
          %swap3A_512 = vector.shape_cast %mul3A_507 : vector<16xf32> to vector<1x16xf32>
          tpu.vector_store %arg9[%swap3A_508, %swap3A_509], %swap3A_512 {strides = array<i32>} : memref<128x32xf32, #tpu.memory_space<vmem>>, vector<1x16xf32>,
          %get3A_513 = arith.index_cast %add3A_502 : i32 to index
          %get3A_514 = arith.constant 16 : index
          %get3A_515 = tpu.vector_load %arg9[%get3A_513, %get3A_514] {strides = array<i32>} : memref<128x32xf32, #tpu.memory_space<vmem>>, vector<1x16xf32>,
          %get3A_516 = vector.shape_cast %get3A_515 : vector<1x16xf32> to vector<16xf32>
          %mul3A_517 = arith.mulf %get3A_516, %gather3A_498 : vector<16xf32>
          %swap3A_518 = arith.index_cast %add3A_502 : i32 to index
          %swap3A_519 = arith.constant 16 : index
          %swap3A_520 = tpu.vector_load %arg9[%swap3A_518, %swap3A_519] {strides = array<i32>} : memref<128x32xf32, #tpu.memory_space<vmem>>, vector<1x16xf32>,
          %swap3A_521 = vector.shape_cast %swap3A_520 : vector<1x16xf32> to vector<16xf32>
          %swap3A_522 = vector.shape_cast %mul3A_517 : vector<16xf32> to vector<1x16xf32>
          tpu.vector_store %arg9[%swap3A_518, %swap3A_519], %swap3A_522 {strides = array<i32>} : memref<128x32xf32, #tpu.memory_space<vmem>>, vector<1x16xf32>,
          %broadcast_in_dim3A_523 = arith.constant 13 : i32
          %broadcast_in_dim3A_524 = vector.broadcast %broadcast_in_dim3A_523 : i32 to vector<16x1xi32>
          %gather3A_525 = vector.shape_cast %broadcast_in_dim3A_524 : vector<16x1xi32> to vector<16xi32>
          %gather3A_526 = tpu.dynamic_gather %get3A_161[%gather3A_525] in [0] : vector<16xf32>, vector<16xi32> -> vector<16xf32>
          %mul3A_527 = arith.constant 16 : i32
          %mul3A_528 = arith.muli %scan3A_153, %mul3A_527 : i32
          %add3A_529 = arith.constant 13 : i32
          %add3A_530 = arith.addi %mul3A_528, %add3A_529 : i32
          %get3A_531 = arith.index_cast %add3A_530 : i32 to index
          %get3A_532 = arith.constant 0 : index
          %get3A_533 = tpu.vector_load %arg9[%get3A_531, %get3A_532] {strides = array<i32>} : memref<128x32xf32, #tpu.memory_space<vmem>>, vector<1x16xf32>,
          %get3A_534 = vector.shape_cast %get3A_533 : vector<1x16xf32> to vector<16xf32>
          %mul3A_535 = arith.mulf %get3A_534, %gather3A_526 : vector<16xf32>
          %swap3A_536 = arith.index_cast %add3A_530 : i32 to index
          %swap3A_537 = arith.constant 0 : index
          %swap3A_538 = tpu.vector_load %arg9[%swap3A_536, %swap3A_537] {strides = array<i32>} : memref<128x32xf32, #tpu.memory_space<vmem>>, vector<1x16xf32>,
          %swap3A_539 = vector.shape_cast %swap3A_538 : vector<1x16xf32> to vector<16xf32>
          %swap3A_540 = vector.shape_cast %mul3A_535 : vector<16xf32> to vector<1x16xf32>
          tpu.vector_store %arg9[%swap3A_536, %swap3A_537], %swap3A_540 {strides = array<i32>} : memref<128x32xf32, #tpu.memory_space<vmem>>, vector<1x16xf32>,
          %get3A_541 = arith.index_cast %add3A_530 : i32 to index
          %get3A_542 = arith.constant 16 : index
          %get3A_543 = tpu.vector_load %arg9[%get3A_541, %get3A_542] {strides = array<i32>} : memref<128x32xf32, #tpu.memory_space<vmem>>, vector<1x16xf32>,
          %get3A_544 = vector.shape_cast %get3A_543 : vector<1x16xf32> to vector<16xf32>
          %mul3A_545 = arith.mulf %get3A_544, %gather3A_526 : vector<16xf32>
          %swap3A_546 = arith.index_cast %add3A_530 : i32 to index
          %swap3A_547 = arith.constant 16 : index
          %swap3A_548 = tpu.vector_load %arg9[%swap3A_546, %swap3A_547] {strides = array<i32>} : memref<128x32xf32, #tpu.memory_space<vmem>>, vector<1x16xf32>,
          %swap3A_549 = vector.shape_cast %swap3A_548 : vector<1x16xf32> to vector<16xf32>
          %swap3A_550 = vector.shape_cast %mul3A_545 : vector<16xf32> to vector<1x16xf32>
          tpu.vector_store %arg9[%swap3A_546, %swap3A_547], %swap3A_550 {strides = array<i32>} : memref<128x32xf32, #tpu.memory_space<vmem>>, vector<1x16xf32>,
          %broadcast_in_dim3A_551 = arith.constant 14 : i32
          %broadcast_in_dim3A_552 = vector.broadcast %broadcast_in_dim3A_551 : i32 to vector<16x1xi32>
          %gather3A_553 = vector.shape_cast %broadcast_in_dim3A_552 : vector<16x1xi32> to vector<16xi32>
          %gather3A_554 = tpu.dynamic_gather %get3A_161[%gather3A_553] in [0] : vector<16xf32>, vector<16xi32> -> vector<16xf32>
          %mul3A_555 = arith.constant 16 : i32
          %mul3A_556 = arith.muli %scan3A_153, %mul3A_555 : i32
          %add3A_557 = arith.constant 14 : i32
          %add3A_558 = arith.addi %mul3A_556, %add3A_557 : i32
          %get3A_559 = arith.index_cast %add3A_558 : i32 to index
          %get3A_560 = arith.constant 0 : index
          %get3A_561 = tpu.vector_load %arg9[%get3A_559, %get3A_560] {strides = array<i32>} : memref<128x32xf32, #tpu.memory_space<vmem>>, vector<1x16xf32>,
          %get3A_562 = vector.shape_cast %get3A_561 : vector<1x16xf32> to vector<16xf32>
          %mul3A_563 = arith.mulf %get3A_562, %gather3A_554 : vector<16xf32>
          %swap3A_564 = arith.index_cast %add3A_558 : i32 to index
          %swap3A_565 = arith.constant 0 : index
          %swap3A_566 = tpu.vector_load %arg9[%swap3A_564, %swap3A_565] {strides = array<i32>} : memref<128x32xf32, #tpu.memory_space<vmem>>, vector<1x16xf32>,
          %swap3A_567 = vector.shape_cast %swap3A_566 : vector<1x16xf32> to vector<16xf32>
          %swap3A_568 = vector.shape_cast %mul3A_563 : vector<16xf32> to vector<1x16xf32>
          tpu.vector_store %arg9[%swap3A_564, %swap3A_565], %swap3A_568 {strides = array<i32>} : memref<128x32xf32, #tpu.memory_space<vmem>>, vector<1x16xf32>,
          %get3A_569 = arith.index_cast %add3A_558 : i32 to index
          %get3A_570 = arith.constant 16 : index
          %get3A_571 = tpu.vector_load %arg9[%get3A_569, %get3A_570] {strides = array<i32>} : memref<128x32xf32, #tpu.memory_space<vmem>>, vector<1x16xf32>,
          %get3A_572 = vector.shape_cast %get3A_571 : vector<1x16xf32> to vector<16xf32>
          %mul3A_573 = arith.mulf %get3A_572, %gather3A_554 : vector<16xf32>
          %swap3A_574 = arith.index_cast %add3A_558 : i32 to index
          %swap3A_575 = arith.constant 16 : index
          %swap3A_576 = tpu.vector_load %arg9[%swap3A_574, %swap3A_575] {strides = array<i32>} : memref<128x32xf32, #tpu.memory_space<vmem>>, vector<1x16xf32>,
          %swap3A_577 = vector.shape_cast %swap3A_576 : vector<1x16xf32> to vector<16xf32>
          %swap3A_578 = vector.shape_cast %mul3A_573 : vector<16xf32> to vector<1x16xf32>
          tpu.vector_store %arg9[%swap3A_574, %swap3A_575], %swap3A_578 {strides = array<i32>} : memref<128x32xf32, #tpu.memory_space<vmem>>, vector<1x16xf32>,
          %broadcast_in_dim3A_579 = arith.constant 15 : i32
          %broadcast_in_dim3A_580 = vector.broadcast %broadcast_in_dim3A_579 : i32 to vector<16x1xi32>
          %gather3A_581 = vector.shape_cast %broadcast_in_dim3A_580 : vector<16x1xi32> to vector<16xi32>
          %gather3A_582 = tpu.dynamic_gather %get3A_161[%gather3A_581] in [0] : vector<16xf32>, vector<16xi32> -> vector<16xf32>
          %mul3A_583 = arith.constant 16 : i32
          %mul3A_584 = arith.muli %scan3A_153, %mul3A_583 : i32
          %add3A_585 = arith.constant 15 : i32
          %add3A_586 = arith.addi %mul3A_584, %add3A_585 : i32
          %get3A_587 = arith.index_cast %add3A_586 : i32 to index
          %get3A_588 = arith.constant 0 : index
          %get3A_589 = tpu.vector_load %arg9[%get3A_587, %get3A_588] {strides = array<i32>} : memref<128x32xf32, #tpu.memory_space<vmem>>, vector<1x16xf32>,
          %get3A_590 = vector.shape_cast %get3A_589 : vector<1x16xf32> to vector<16xf32>
          %mul3A_591 = arith.mulf %get3A_590, %gather3A_582 : vector<16xf32>
          %swap3A_592 = arith.index_cast %add3A_586 : i32 to index
          %swap3A_593 = arith.constant 0 : index
          %swap3A_594 = tpu.vector_load %arg9[%swap3A_592, %swap3A_593] {strides = array<i32>} : memref<128x32xf32, #tpu.memory_space<vmem>>, vector<1x16xf32>,
          %swap3A_595 = vector.shape_cast %swap3A_594 : vector<1x16xf32> to vector<16xf32>
          %swap3A_596 = vector.shape_cast %mul3A_591 : vector<16xf32> to vector<1x16xf32>
          tpu.vector_store %arg9[%swap3A_592, %swap3A_593], %swap3A_596 {strides = array<i32>} : memref<128x32xf32, #tpu.memory_space<vmem>>, vector<1x16xf32>,
          %get3A_597 = arith.index_cast %add3A_586 : i32 to index
          %get3A_598 = arith.constant 16 : index
          %get3A_599 = tpu.vector_load %arg9[%get3A_597, %get3A_598] {strides = array<i32>} : memref<128x32xf32, #tpu.memory_space<vmem>>, vector<1x16xf32>,
          %get3A_600 = vector.shape_cast %get3A_599 : vector<1x16xf32> to vector<16xf32>
          %mul3A_601 = arith.mulf %get3A_600, %gather3A_582 : vector<16xf32>
          %swap3A_602 = arith.index_cast %add3A_586 : i32 to index
          %swap3A_603 = arith.constant 16 : index
          %swap3A_604 = tpu.vector_load %arg9[%swap3A_602, %swap3A_603] {strides = array<i32>} : memref<128x32xf32, #tpu.memory_space<vmem>>, vector<1x16xf32>,
          %swap3A_605 = vector.shape_cast %swap3A_604 : vector<1x16xf32> to vector<16xf32>
          %swap3A_606 = vector.shape_cast %mul3A_601 : vector<16xf32> to vector<1x16xf32>
          tpu.vector_store %arg9[%swap3A_602, %swap3A_603], %swap3A_606 {strides = array<i32>} : memref<128x32xf32, #tpu.memory_space<vmem>>, vector<1x16xf32>,
          %scan3A_607 = arith.constant 0 : i32
          scf.yield %scan3A_607 : i32
        }
        %scan3A_102 = arith.constant 8 : i32
        %add3A_103 = arith.constant 28 : i32
        %add3A_104 = arith.addi %add3A_103, %mul3A_66 : i32
        %dma_start3A_105 = arith.constant 0 : i32
        %dma_start3A_106 = tpu.memref_slice %arg7[%add3A_104, %dma_start3A_105] : memref<56x128xi32, #tpu.memory_space<vmem>> -> memref<1x128xi32, #tpu.memory_space<vmem>>
        %dma_start3A_107 = tpu.memref_squeeze %dma_start3A_106 : memref<1x128xi32, #tpu.memory_space<vmem>> -> memref<128xi32, #tpu.memory_space<vmem>>
        %dma_start3A_108 = arith.constant 0 : i32
        %dma_start3A_109 = arith.constant 0 : i32
        %dma_start3A_110 = tpu.memref_slice %arg14[%dma_start3A_108, %dma_start3A_109] : memref<50000x32xf32, #tpu.memory_space<vmem_shared>> -> memref<50000x32xf32, #tpu.memory_space<vmem_shared>>
        tpu.enqueue_indirect_dma source(%arg9 : memref<128x32xf32, #tpu.memory_space<vmem>>) target(%dma_start3A_110 : memref<50000x32xf32, #tpu.memory_space<vmem_shared>>) offsets(%dma_start3A_107 : memref<128xi32, #tpu.memory_space<vmem>>) semaphore(%arg18 : memref<!tpu.dma_semaphore, #tpu.memory_space<semaphore_mem>>) {add = true}
        %dma_wait3A_111 = arith.constant 0 : i32
        %dma_wait3A_112 = tpu.memref_slice %arg7[%add3A_76, %dma_wait3A_111] : memref<56x128xi32, #tpu.memory_space<vmem>> -> memref<1x128xi32, #tpu.memory_space<vmem>>
        %dma_wait3A_113 = tpu.memref_squeeze %dma_wait3A_112 : memref<1x128xi32, #tpu.memory_space<vmem>> -> memref<128xi32, #tpu.memory_space<vmem>>
        %dma_wait3A_114 = arith.constant 0 : i32
        %dma_wait3A_115 = arith.constant 0 : i32
        %dma_wait3A_116 = tpu.memref_slice %arg5[%arg0, %dma_wait3A_114, %dma_wait3A_115] : memref<2x50000x32xf32, #tpu.memory_space<hbm>> -> memref<1x50000x32xf32, #tpu.memory_space<hbm>>
        %dma_wait3A_117 = tpu.memref_squeeze %dma_wait3A_116 : memref<1x50000x32xf32, #tpu.memory_space<hbm>> -> memref<50000x32xf32, #tpu.memory_space<hbm>>
        %dma_wait3A_118 = arith.constant 0 : i32
        %dma_wait3A_119 = arith.constant 0 : i32
        %dma_wait3A_120 = tpu.memref_slice %dma_wait3A_117[%dma_wait3A_118, %dma_wait3A_119] : memref<50000x32xf32, #tpu.memory_space<hbm>> -> memref<50000x32xf32, #tpu.memory_space<hbm>>
        tpu.wait_indirect_dma semaphore(%arg17 : memref<!tpu.dma_semaphore, #tpu.memory_space<semaphore_mem>>) src(%dma_wait3A_120 : memref<50000x32xf32, #tpu.memory_space<hbm>>) dst(%arg10 : memref<128x32xf32, #tpu.memory_space<vmem>>)
        %add3A_121 = arith.constant 1 : i32
        %add3A_122 = arith.addi %mul3A_66, %add3A_121 : i32
        %scan3A_123 = arith.constant 0 : i32
        %scan3A_124 = arith.constant 0 : i32
        %scan3A_125 = arith.constant 8 : i32
        %scan3A_126 = arith.addi %scan3A_124, %scan3A_125 : i32
        %scan3A_127 = arith.constant 1 : i32
        %scan3A_128 = scf.for %scan3A_153 = %scan3A_124 to %scan3A_126 step %scan3A_127 iter_args(%scan3A_154 = %scan3A_123) -> (i32)  : i32 {
          %mul3A_155 = arith.constant 128 : i32
          %mul3A_156 = arith.muli %add3A_122, %mul3A_155 : i32
          %mul3A_157 = arith.constant 16 : i32
          %mul3A_158 = arith.muli %scan3A_153, %mul3A_157 : i32
          %add3A_159 = arith.addi %mul3A_156, %mul3A_158 : i32
          %get3A = arith.index_cast %add3A_159 : i32 to index
          %get3A_160 = tpu.vector_load %arg8[%get3A] {strides = array<i32>} : memref<3584xf32, #tpu.memory_space<vmem>>, vector<16xf32>,
          %get3A_161 = vector.shape_cast %get3A_160 : vector<16xf32> to vector<16xf32>
          %broadcast_in_dim3A = arith.constant 0 : i32
          %broadcast_in_dim3A_162 = vector.broadcast %broadcast_in_dim3A : i32 to vector<16x1xi32>
          %gather3A = vector.shape_cast %broadcast_in_dim3A_162 : vector<16x1xi32> to vector<16xi32>
          %gather3A_163 = tpu.dynamic_gather %get3A_161[%gather3A] in [0] : vector<16xf32>, vector<16xi32> -> vector<16xf32>
          %mul3A_164 = arith.constant 16 : i32
          %mul3A_165 = arith.muli %scan3A_153, %mul3A_164 : i32
          %add3A_166 = arith.constant 0 : i32
          %add3A_167 = arith.addi %mul3A_165, %add3A_166 : i32
          %get3A_168 = arith.index_cast %add3A_167 : i32 to index
          %get3A_169 = arith.constant 0 : index
          %get3A_170 = tpu.vector_load %arg10[%get3A_168, %get3A_169] {strides = array<i32>} : memref<128x32xf32, #tpu.memory_space<vmem>>, vector<1x16xf32>,
          %get3A_171 = vector.shape_cast %get3A_170 : vector<1x16xf32> to vector<16xf32>
          %mul3A_172 = arith.mulf %get3A_171, %gather3A_163 : vector<16xf32>
          %swap3A = arith.index_cast %add3A_167 : i32 to index
          %swap3A_173 = arith.constant 0 : index
          %swap3A_174 = tpu.vector_load %arg10[%swap3A, %swap3A_173] {strides = array<i32>} : memref<128x32xf32, #tpu.memory_space<vmem>>, vector<1x16xf32>,
          %swap3A_175 = vector.shape_cast %swap3A_174 : vector<1x16xf32> to vector<16xf32>
          %swap3A_176 = vector.shape_cast %mul3A_172 : vector<16xf32> to vector<1x16xf32>
          tpu.vector_store %arg10[%swap3A, %swap3A_173], %swap3A_176 {strides = array<i32>} : memref<128x32xf32, #tpu.memory_space<vmem>>, vector<1x16xf32>,
          %get3A_177 = arith.index_cast %add3A_167 : i32 to index
          %get3A_178 = arith.constant 16 : index
          %get3A_179 = tpu.vector_load %arg10[%get3A_177, %get3A_178] {strides = array<i32>} : memref<128x32xf32, #tpu.memory_space<vmem>>, vector<1x16xf32>,
          %get3A_180 = vector.shape_cast %get3A_179 : vector<1x16xf32> to vector<16xf32>
          %mul3A_181 = arith.mulf %get3A_180, %gather3A_163 : vector<16xf32>
          %swap3A_182 = arith.index_cast %add3A_167 : i32 to index
          %swap3A_183 = arith.constant 16 : index
          %swap3A_184 = tpu.vector_load %arg10[%swap3A_182, %swap3A_183] {strides = array<i32>} : memref<128x32xf32, #tpu.memory_space<vmem>>, vector<1x16xf32>,
          %swap3A_185 = vector.shape_cast %swap3A_184 : vector<1x16xf32> to vector<16xf32>
          %swap3A_186 = vector.shape_cast %mul3A_181 : vector<16xf32> to vector<1x16xf32>
          tpu.vector_store %arg10[%swap3A_182, %swap3A_183], %swap3A_186 {strides = array<i32>} : memref<128x32xf32, #tpu.memory_space<vmem>>, vector<1x16xf32>,
          %broadcast_in_dim3A_187 = arith.constant 1 : i32
          %broadcast_in_dim3A_188 = vector.broadcast %broadcast_in_dim3A_187 : i32 to vector<16x1xi32>
          %gather3A_189 = vector.shape_cast %broadcast_in_dim3A_188 : vector<16x1xi32> to vector<16xi32>
          %gather3A_190 = tpu.dynamic_gather %get3A_161[%gather3A_189] in [0] : vector<16xf32>, vector<16xi32> -> vector<16xf32>
          %mul3A_191 = arith.constant 16 : i32
          %mul3A_192 = arith.muli %scan3A_153, %mul3A_191 : i32
          %add3A_193 = arith.constant 1 : i32
          %add3A_194 = arith.addi %mul3A_192, %add3A_193 : i32
          %get3A_195 = arith.index_cast %add3A_194 : i32 to index
          %get3A_196 = arith.constant 0 : index
          %get3A_197 = tpu.vector_load %arg10[%get3A_195, %get3A_196] {strides = array<i32>} : memref<128x32xf32, #tpu.memory_space<vmem>>, vector<1x16xf32>,
          %get3A_198 = vector.shape_cast %get3A_197 : vector<1x16xf32> to vector<16xf32>
          %mul3A_199 = arith.mulf %get3A_198, %gather3A_190 : vector<16xf32>
          %swap3A_200 = arith.index_cast %add3A_194 : i32 to index
          %swap3A_201 = arith.constant 0 : index
          %swap3A_202 = tpu.vector_load %arg10[%swap3A_200, %swap3A_201] {strides = array<i32>} : memref<128x32xf32, #tpu.memory_space<vmem>>, vector<1x16xf32>,
          %swap3A_203 = vector.shape_cast %swap3A_202 : vector<1x16xf32> to vector<16xf32>
          %swap3A_204 = vector.shape_cast %mul3A_199 : vector<16xf32> to vector<1x16xf32>
          tpu.vector_store %arg10[%swap3A_200, %swap3A_201], %swap3A_204 {strides = array<i32>} : memref<128x32xf32, #tpu.memory_space<vmem>>, vector<1x16xf32>,
          %get3A_205 = arith.index_cast %add3A_194 : i32 to index
          %get3A_206 = arith.constant 16 : index
          %get3A_207 = tpu.vector_load %arg10[%get3A_205, %get3A_206] {strides = array<i32>} : memref<128x32xf32, #tpu.memory_space<vmem>>, vector<1x16xf32>,
          %get3A_208 = vector.shape_cast %get3A_207 : vector<1x16xf32> to vector<16xf32>
          %mul3A_209 = arith.mulf %get3A_208, %gather3A_190 : vector<16xf32>
          %swap3A_210 = arith.index_cast %add3A_194 : i32 to index
          %swap3A_211 = arith.constant 16 : index
          %swap3A_212 = tpu.vector_load %arg10[%swap3A_210, %swap3A_211] {strides = array<i32>} : memref<128x32xf32, #tpu.memory_space<vmem>>, vector<1x16xf32>,
          %swap3A_213 = vector.shape_cast %swap3A_212 : vector<1x16xf32> to vector<16xf32>
          %swap3A_214 = vector.shape_cast %mul3A_209 : vector<16xf32> to vector<1x16xf32>
          tpu.vector_store %arg10[%swap3A_210, %swap3A_211], %swap3A_214 {strides = array<i32>} : memref<128x32xf32, #tpu.memory_space<vmem>>, vector<1x16xf32>,
          %broadcast_in_dim3A_215 = arith.constant 2 : i32
          %broadcast_in_dim3A_216 = vector.broadcast %broadcast_in_dim3A_215 : i32 to vector<16x1xi32>
          %gather3A_217 = vector.shape_cast %broadcast_in_dim3A_216 : vector<16x1xi32> to vector<16xi32>
          %gather3A_218 = tpu.dynamic_gather %get3A_161[%gather3A_217] in [0] : vector<16xf32>, vector<16xi32> -> vector<16xf32>
          %mul3A_219 = arith.constant 16 : i32
          %mul3A_220 = arith.muli %scan3A_153, %mul3A_219 : i32
          %add3A_221 = arith.constant 2 : i32
          %add3A_222 = arith.addi %mul3A_220, %add3A_221 : i32
          %get3A_223 = arith.index_cast %add3A_222 : i32 to index
          %get3A_224 = arith.constant 0 : index
          %get3A_225 = tpu.vector_load %arg10[%get3A_223, %get3A_224] {strides = array<i32>} : memref<128x32xf32, #tpu.memory_space<vmem>>, vector<1x16xf32>,
          %get3A_226 = vector.shape_cast %get3A_225 : vector<1x16xf32> to vector<16xf32>
          %mul3A_227 = arith.mulf %get3A_226, %gather3A_218 : vector<16xf32>
          %swap3A_228 = arith.index_cast %add3A_222 : i32 to index
          %swap3A_229 = arith.constant 0 : index
          %swap3A_230 = tpu.vector_load %arg10[%swap3A_228, %swap3A_229] {strides = array<i32>} : memref<128x32xf32, #tpu.memory_space<vmem>>, vector<1x16xf32>,
          %swap3A_231 = vector.shape_cast %swap3A_230 : vector<1x16xf32> to vector<16xf32>
          %swap3A_232 = vector.shape_cast %mul3A_227 : vector<16xf32> to vector<1x16xf32>
          tpu.vector_store %arg10[%swap3A_228, %swap3A_229], %swap3A_232 {strides = array<i32>} : memref<128x32xf32, #tpu.memory_space<vmem>>, vector<1x16xf32>,
          %get3A_233 = arith.index_cast %add3A_222 : i32 to index
          %get3A_234 = arith.constant 16 : index
          %get3A_235 = tpu.vector_load %arg10[%get3A_233, %get3A_234] {strides = array<i32>} : memref<128x32xf32, #tpu.memory_space<vmem>>, vector<1x16xf32>,
          %get3A_236 = vector.shape_cast %get3A_235 : vector<1x16xf32> to vector<16xf32>
          %mul3A_237 = arith.mulf %get3A_236, %gather3A_218 : vector<16xf32>
          %swap3A_238 = arith.index_cast %add3A_222 : i32 to index
          %swap3A_239 = arith.constant 16 : index
          %swap3A_240 = tpu.vector_load %arg10[%swap3A_238, %swap3A_239] {strides = array<i32>} : memref<128x32xf32, #tpu.memory_space<vmem>>, vector<1x16xf32>,
          %swap3A_241 = vector.shape_cast %swap3A_240 : vector<1x16xf32> to vector<16xf32>
          %swap3A_242 = vector.shape_cast %mul3A_237 : vector<16xf32> to vector<1x16xf32>
          tpu.vector_store %arg10[%swap3A_238, %swap3A_239], %swap3A_242 {strides = array<i32>} : memref<128x32xf32, #tpu.memory_space<vmem>>, vector<1x16xf32>,
          %broadcast_in_dim3A_243 = arith.constant 3 : i32
          %broadcast_in_dim3A_244 = vector.broadcast %broadcast_in_dim3A_243 : i32 to vector<16x1xi32>
          %gather3A_245 = vector.shape_cast %broadcast_in_dim3A_244 : vector<16x1xi32> to vector<16xi32>
          %gather3A_246 = tpu.dynamic_gather %get3A_161[%gather3A_245] in [0] : vector<16xf32>, vector<16xi32> -> vector<16xf32>
          %mul3A_247 = arith.constant 16 : i32
          %mul3A_248 = arith.muli %scan3A_153, %mul3A_247 : i32
          %add3A_249 = arith.constant 3 : i32
          %add3A_250 = arith.addi %mul3A_248, %add3A_249 : i32
          %get3A_251 = arith.index_cast %add3A_250 : i32 to index
          %get3A_252 = arith.constant 0 : index
          %get3A_253 = tpu.vector_load %arg10[%get3A_251, %get3A_252] {strides = array<i32>} : memref<128x32xf32, #tpu.memory_space<vmem>>, vector<1x16xf32>,
          %get3A_254 = vector.shape_cast %get3A_253 : vector<1x16xf32> to vector<16xf32>
          %mul3A_255 = arith.mulf %get3A_254, %gather3A_246 : vector<16xf32>
          %swap3A_256 = arith.index_cast %add3A_250 : i32 to index
          %swap3A_257 = arith.constant 0 : index
          %swap3A_258 = tpu.vector_load %arg10[%swap3A_256, %swap3A_257] {strides = array<i32>} : memref<128x32xf32, #tpu.memory_space<vmem>>, vector<1x16xf32>,
          %swap3A_259 = vector.shape_cast %swap3A_258 : vector<1x16xf32> to vector<16xf32>
          %swap3A_260 = vector.shape_cast %mul3A_255 : vector<16xf32> to vector<1x16xf32>
          tpu.vector_store %arg10[%swap3A_256, %swap3A_257], %swap3A_260 {strides = array<i32>} : memref<128x32xf32, #tpu.memory_space<vmem>>, vector<1x16xf32>,
          %get3A_261 = arith.index_cast %add3A_250 : i32 to index
          %get3A_262 = arith.constant 16 : index
          %get3A_263 = tpu.vector_load %arg10[%get3A_261, %get3A_262] {strides = array<i32>} : memref<128x32xf32, #tpu.memory_space<vmem>>, vector<1x16xf32>,
          %get3A_264 = vector.shape_cast %get3A_263 : vector<1x16xf32> to vector<16xf32>
          %mul3A_265 = arith.mulf %get3A_264, %gather3A_246 : vector<16xf32>
          %swap3A_266 = arith.index_cast %add3A_250 : i32 to index
          %swap3A_267 = arith.constant 16 : index
          %swap3A_268 = tpu.vector_load %arg10[%swap3A_266, %swap3A_267] {strides = array<i32>} : memref<128x32xf32, #tpu.memory_space<vmem>>, vector<1x16xf32>,
          %swap3A_269 = vector.shape_cast %swap3A_268 : vector<1x16xf32> to vector<16xf32>
          %swap3A_270 = vector.shape_cast %mul3A_265 : vector<16xf32> to vector<1x16xf32>
          tpu.vector_store %arg10[%swap3A_266, %swap3A_267], %swap3A_270 {strides = array<i32>} : memref<128x32xf32, #tpu.memory_space<vmem>>, vector<1x16xf32>,
          %broadcast_in_dim3A_271 = arith.constant 4 : i32
          %broadcast_in_dim3A_272 = vector.broadcast %broadcast_in_dim3A_271 : i32 to vector<16x1xi32>
          %gather3A_273 = vector.shape_cast %broadcast_in_dim3A_272 : vector<16x1xi32> to vector<16xi32>
          %gather3A_274 = tpu.dynamic_gather %get3A_161[%gather3A_273] in [0] : vector<16xf32>, vector<16xi32> -> vector<16xf32>
          %mul3A_275 = arith.constant 16 : i32
          %mul3A_276 = arith.muli %scan3A_153, %mul3A_275 : i32
          %add3A_277 = arith.constant 4 : i32
          %add3A_278 = arith.addi %mul3A_276, %add3A_277 : i32
          %get3A_279 = arith.index_cast %add3A_278 : i32 to index
          %get3A_280 = arith.constant 0 : index
          %get3A_281 = tpu.vector_load %arg10[%get3A_279, %get3A_280] {strides = array<i32>} : memref<128x32xf32, #tpu.memory_space<vmem>>, vector<1x16xf32>,
          %get3A_282 = vector.shape_cast %get3A_281 : vector<1x16xf32> to vector<16xf32>
          %mul3A_283 = arith.mulf %get3A_282, %gather3A_274 : vector<16xf32>
          %swap3A_284 = arith.index_cast %add3A_278 : i32 to index
          %swap3A_285 = arith.constant 0 : index
          %swap3A_286 = tpu.vector_load %arg10[%swap3A_284, %swap3A_285] {strides = array<i32>} : memref<128x32xf32, #tpu.memory_space<vmem>>, vector<1x16xf32>,
          %swap3A_287 = vector.shape_cast %swap3A_286 : vector<1x16xf32> to vector<16xf32>
          %swap3A_288 = vector.shape_cast %mul3A_283 : vector<16xf32> to vector<1x16xf32>
          tpu.vector_store %arg10[%swap3A_284, %swap3A_285], %swap3A_288 {strides = array<i32>} : memref<128x32xf32, #tpu.memory_space<vmem>>, vector<1x16xf32>,
          %get3A_289 = arith.index_cast %add3A_278 : i32 to index
          %get3A_290 = arith.constant 16 : index
          %get3A_291 = tpu.vector_load %arg10[%get3A_289, %get3A_290] {strides = array<i32>} : memref<128x32xf32, #tpu.memory_space<vmem>>, vector<1x16xf32>,
          %get3A_292 = vector.shape_cast %get3A_291 : vector<1x16xf32> to vector<16xf32>
          %mul3A_293 = arith.mulf %get3A_292, %gather3A_274 : vector<16xf32>
          %swap3A_294 = arith.index_cast %add3A_278 : i32 to index
          %swap3A_295 = arith.constant 16 : index
          %swap3A_296 = tpu.vector_load %arg10[%swap3A_294, %swap3A_295] {strides = array<i32>} : memref<128x32xf32, #tpu.memory_space<vmem>>, vector<1x16xf32>,
          %swap3A_297 = vector.shape_cast %swap3A_296 : vector<1x16xf32> to vector<16xf32>
          %swap3A_298 = vector.shape_cast %mul3A_293 : vector<16xf32> to vector<1x16xf32>
          tpu.vector_store %arg10[%swap3A_294, %swap3A_295], %swap3A_298 {strides = array<i32>} : memref<128x32xf32, #tpu.memory_space<vmem>>, vector<1x16xf32>,
          %broadcast_in_dim3A_299 = arith.constant 5 : i32
          %broadcast_in_dim3A_300 = vector.broadcast %broadcast_in_dim3A_299 : i32 to vector<16x1xi32>
          %gather3A_301 = vector.shape_cast %broadcast_in_dim3A_300 : vector<16x1xi32> to vector<16xi32>
          %gather3A_302 = tpu.dynamic_gather %get3A_161[%gather3A_301] in [0] : vector<16xf32>, vector<16xi32> -> vector<16xf32>
          %mul3A_303 = arith.constant 16 : i32
          %mul3A_304 = arith.muli %scan3A_153, %mul3A_303 : i32
          %add3A_305 = arith.constant 5 : i32
          %add3A_306 = arith.addi %mul3A_304, %add3A_305 : i32
          %get3A_307 = arith.index_cast %add3A_306 : i32 to index
          %get3A_308 = arith.constant 0 : index
          %get3A_309 = tpu.vector_load %arg10[%get3A_307, %get3A_308] {strides = array<i32>} : memref<128x32xf32, #tpu.memory_space<vmem>>, vector<1x16xf32>,
          %get3A_310 = vector.shape_cast %get3A_309 : vector<1x16xf32> to vector<16xf32>
          %mul3A_311 = arith.mulf %get3A_310, %gather3A_302 : vector<16xf32>
          %swap3A_312 = arith.index_cast %add3A_306 : i32 to index
          %swap3A_313 = arith.constant 0 : index
          %swap3A_314 = tpu.vector_load %arg10[%swap3A_312, %swap3A_313] {strides = array<i32>} : memref<128x32xf32, #tpu.memory_space<vmem>>, vector<1x16xf32>,
          %swap3A_315 = vector.shape_cast %swap3A_314 : vector<1x16xf32> to vector<16xf32>
          %swap3A_316 = vector.shape_cast %mul3A_311 : vector<16xf32> to vector<1x16xf32>
          tpu.vector_store %arg10[%swap3A_312, %swap3A_313], %swap3A_316 {strides = array<i32>} : memref<128x32xf32, #tpu.memory_space<vmem>>, vector<1x16xf32>,
          %get3A_317 = arith.index_cast %add3A_306 : i32 to index
          %get3A_318 = arith.constant 16 : index
          %get3A_319 = tpu.vector_load %arg10[%get3A_317, %get3A_318] {strides = array<i32>} : memref<128x32xf32, #tpu.memory_space<vmem>>, vector<1x16xf32>,
          %get3A_320 = vector.shape_cast %get3A_319 : vector<1x16xf32> to vector<16xf32>
          %mul3A_321 = arith.mulf %get3A_320, %gather3A_302 : vector<16xf32>
          %swap3A_322 = arith.index_cast %add3A_306 : i32 to index
          %swap3A_323 = arith.constant 16 : index
          %swap3A_324 = tpu.vector_load %arg10[%swap3A_322, %swap3A_323] {strides = array<i32>} : memref<128x32xf32, #tpu.memory_space<vmem>>, vector<1x16xf32>,
          %swap3A_325 = vector.shape_cast %swap3A_324 : vector<1x16xf32> to vector<16xf32>
          %swap3A_326 = vector.shape_cast %mul3A_321 : vector<16xf32> to vector<1x16xf32>
          tpu.vector_store %arg10[%swap3A_322, %swap3A_323], %swap3A_326 {strides = array<i32>} : memref<128x32xf32, #tpu.memory_space<vmem>>, vector<1x16xf32>,
          %broadcast_in_dim3A_327 = arith.constant 6 : i32
          %broadcast_in_dim3A_328 = vector.broadcast %broadcast_in_dim3A_327 : i32 to vector<16x1xi32>
          %gather3A_329 = vector.shape_cast %broadcast_in_dim3A_328 : vector<16x1xi32> to vector<16xi32>
          %gather3A_330 = tpu.dynamic_gather %get3A_161[%gather3A_329] in [0] : vector<16xf32>, vector<16xi32> -> vector<16xf32>
          %mul3A_331 = arith.constant 16 : i32
          %mul3A_332 = arith.muli %scan3A_153, %mul3A_331 : i32
          %add3A_333 = arith.constant 6 : i32
          %add3A_334 = arith.addi %mul3A_332, %add3A_333 : i32
          %get3A_335 = arith.index_cast %add3A_334 : i32 to index
          %get3A_336 = arith.constant 0 : index
          %get3A_337 = tpu.vector_load %arg10[%get3A_335, %get3A_336] {strides = array<i32>} : memref<128x32xf32, #tpu.memory_space<vmem>>, vector<1x16xf32>,
          %get3A_338 = vector.shape_cast %get3A_337 : vector<1x16xf32> to vector<16xf32>
          %mul3A_339 = arith.mulf %get3A_338, %gather3A_330 : vector<16xf32>
          %swap3A_340 = arith.index_cast %add3A_334 : i32 to index
          %swap3A_341 = arith.constant 0 : index
          %swap3A_342 = tpu.vector_load %arg10[%swap3A_340, %swap3A_341] {strides = array<i32>} : memref<128x32xf32, #tpu.memory_space<vmem>>, vector<1x16xf32>,
          %swap3A_343 = vector.shape_cast %swap3A_342 : vector<1x16xf32> to vector<16xf32>
          %swap3A_344 = vector.shape_cast %mul3A_339 : vector<16xf32> to vector<1x16xf32>
          tpu.vector_store %arg10[%swap3A_340, %swap3A_341], %swap3A_344 {strides = array<i32>} : memref<128x32xf32, #tpu.memory_space<vmem>>, vector<1x16xf32>,
          %get3A_345 = arith.index_cast %add3A_334 : i32 to index
          %get3A_346 = arith.constant 16 : index
          %get3A_347 = tpu.vector_load %arg10[%get3A_345, %get3A_346] {strides = array<i32>} : memref<128x32xf32, #tpu.memory_space<vmem>>, vector<1x16xf32>,
          %get3A_348 = vector.shape_cast %get3A_347 : vector<1x16xf32> to vector<16xf32>
          %mul3A_349 = arith.mulf %get3A_348, %gather3A_330 : vector<16xf32>
          %swap3A_350 = arith.index_cast %add3A_334 : i32 to index
          %swap3A_351 = arith.constant 16 : index
          %swap3A_352 = tpu.vector_load %arg10[%swap3A_350, %swap3A_351] {strides = array<i32>} : memref<128x32xf32, #tpu.memory_space<vmem>>, vector<1x16xf32>,
          %swap3A_353 = vector.shape_cast %swap3A_352 : vector<1x16xf32> to vector<16xf32>
          %swap3A_354 = vector.shape_cast %mul3A_349 : vector<16xf32> to vector<1x16xf32>
          tpu.vector_store %arg10[%swap3A_350, %swap3A_351], %swap3A_354 {strides = array<i32>} : memref<128x32xf32, #tpu.memory_space<vmem>>, vector<1x16xf32>,
          %broadcast_in_dim3A_355 = arith.constant 7 : i32
          %broadcast_in_dim3A_356 = vector.broadcast %broadcast_in_dim3A_355 : i32 to vector<16x1xi32>
          %gather3A_357 = vector.shape_cast %broadcast_in_dim3A_356 : vector<16x1xi32> to vector<16xi32>
          %gather3A_358 = tpu.dynamic_gather %get3A_161[%gather3A_357] in [0] : vector<16xf32>, vector<16xi32> -> vector<16xf32>
          %mul3A_359 = arith.constant 16 : i32
          %mul3A_360 = arith.muli %scan3A_153, %mul3A_359 : i32
          %add3A_361 = arith.constant 7 : i32
          %add3A_362 = arith.addi %mul3A_360, %add3A_361 : i32
          %get3A_363 = arith.index_cast %add3A_362 : i32 to index
          %get3A_364 = arith.constant 0 : index
          %get3A_365 = tpu.vector_load %arg10[%get3A_363, %get3A_364] {strides = array<i32>} : memref<128x32xf32, #tpu.memory_space<vmem>>, vector<1x16xf32>,
          %get3A_366 = vector.shape_cast %get3A_365 : vector<1x16xf32> to vector<16xf32>
          %mul3A_367 = arith.mulf %get3A_366, %gather3A_358 : vector<16xf32>
          %swap3A_368 = arith.index_cast %add3A_362 : i32 to index
          %swap3A_369 = arith.constant 0 : index
          %swap3A_370 = tpu.vector_load %arg10[%swap3A_368, %swap3A_369] {strides = array<i32>} : memref<128x32xf32, #tpu.memory_space<vmem>>, vector<1x16xf32>,
          %swap3A_371 = vector.shape_cast %swap3A_370 : vector<1x16xf32> to vector<16xf32>
          %swap3A_372 = vector.shape_cast %mul3A_367 : vector<16xf32> to vector<1x16xf32>
          tpu.vector_store %arg10[%swap3A_368, %swap3A_369], %swap3A_372 {strides = array<i32>} : memref<128x32xf32, #tpu.memory_space<vmem>>, vector<1x16xf32>,
          %get3A_373 = arith.index_cast %add3A_362 : i32 to index
          %get3A_374 = arith.constant 16 : index
          %get3A_375 = tpu.vector_load %arg10[%get3A_373, %get3A_374] {strides = array<i32>} : memref<128x32xf32, #tpu.memory_space<vmem>>, vector<1x16xf32>,
          %get3A_376 = vector.shape_cast %get3A_375 : vector<1x16xf32> to vector<16xf32>
          %mul3A_377 = arith.mulf %get3A_376, %gather3A_358 : vector<16xf32>
          %swap3A_378 = arith.index_cast %add3A_362 : i32 to index
          %swap3A_379 = arith.constant 16 : index
          %swap3A_380 = tpu.vector_load %arg10[%swap3A_378, %swap3A_379] {strides = array<i32>} : memref<128x32xf32, #tpu.memory_space<vmem>>, vector<1x16xf32>,
          %swap3A_381 = vector.shape_cast %swap3A_380 : vector<1x16xf32> to vector<16xf32>
          %swap3A_382 = vector.shape_cast %mul3A_377 : vector<16xf32> to vector<1x16xf32>
          tpu.vector_store %arg10[%swap3A_378, %swap3A_379], %swap3A_382 {strides = array<i32>} : memref<128x32xf32, #tpu.memory_space<vmem>>, vector<1x16xf32>,
          %broadcast_in_dim3A_383 = arith.constant 8 : i32
          %broadcast_in_dim3A_384 = vector.broadcast %broadcast_in_dim3A_383 : i32 to vector<16x1xi32>
          %gather3A_385 = vector.shape_cast %broadcast_in_dim3A_384 : vector<16x1xi32> to vector<16xi32>
          %gather3A_386 = tpu.dynamic_gather %get3A_161[%gather3A_385] in [0] : vector<16xf32>, vector<16xi32> -> vector<16xf32>
          %mul3A_387 = arith.constant 16 : i32
          %mul3A_388 = arith.muli %scan3A_153, %mul3A_387 : i32
          %add3A_389 = arith.constant 8 : i32
          %add3A_390 = arith.addi %mul3A_388, %add3A_389 : i32
          %get3A_391 = arith.index_cast %add3A_390 : i32 to index
          %get3A_392 = arith.constant 0 : index
          %get3A_393 = tpu.vector_load %arg10[%get3A_391, %get3A_392] {strides = array<i32>} : memref<128x32xf32, #tpu.memory_space<vmem>>, vector<1x16xf32>,
          %get3A_394 = vector.shape_cast %get3A_393 : vector<1x16xf32> to vector<16xf32>
          %mul3A_395 = arith.mulf %get3A_394, %gather3A_386 : vector<16xf32>
          %swap3A_396 = arith.index_cast %add3A_390 : i32 to index
          %swap3A_397 = arith.constant 0 : index
          %swap3A_398 = tpu.vector_load %arg10[%swap3A_396, %swap3A_397] {strides = array<i32>} : memref<128x32xf32, #tpu.memory_space<vmem>>, vector<1x16xf32>,
          %swap3A_399 = vector.shape_cast %swap3A_398 : vector<1x16xf32> to vector<16xf32>
          %swap3A_400 = vector.shape_cast %mul3A_395 : vector<16xf32> to vector<1x16xf32>
          tpu.vector_store %arg10[%swap3A_396, %swap3A_397], %swap3A_400 {strides = array<i32>} : memref<128x32xf32, #tpu.memory_space<vmem>>, vector<1x16xf32>,
          %get3A_401 = arith.index_cast %add3A_390 : i32 to index
          %get3A_402 = arith.constant 16 : index
          %get3A_403 = tpu.vector_load %arg10[%get3A_401, %get3A_402] {strides = array<i32>} : memref<128x32xf32, #tpu.memory_space<vmem>>, vector<1x16xf32>,
          %get3A_404 = vector.shape_cast %get3A_403 : vector<1x16xf32> to vector<16xf32>
          %mul3A_405 = arith.mulf %get3A_404, %gather3A_386 : vector<16xf32>
          %swap3A_406 = arith.index_cast %add3A_390 : i32 to index
          %swap3A_407 = arith.constant 16 : index
          %swap3A_408 = tpu.vector_load %arg10[%swap3A_406, %swap3A_407] {strides = array<i32>} : memref<128x32xf32, #tpu.memory_space<vmem>>, vector<1x16xf32>,
          %swap3A_409 = vector.shape_cast %swap3A_408 : vector<1x16xf32> to vector<16xf32>
          %swap3A_410 = vector.shape_cast %mul3A_405 : vector<16xf32> to vector<1x16xf32>
          tpu.vector_store %arg10[%swap3A_406, %swap3A_407], %swap3A_410 {strides = array<i32>} : memref<128x32xf32, #tpu.memory_space<vmem>>, vector<1x16xf32>,
          %broadcast_in_dim3A_411 = arith.constant 9 : i32
          %broadcast_in_dim3A_412 = vector.broadcast %broadcast_in_dim3A_411 : i32 to vector<16x1xi32>
          %gather3A_413 = vector.shape_cast %broadcast_in_dim3A_412 : vector<16x1xi32> to vector<16xi32>
          %gather3A_414 = tpu.dynamic_gather %get3A_161[%gather3A_413] in [0] : vector<16xf32>, vector<16xi32> -> vector<16xf32>
          %mul3A_415 = arith.constant 16 : i32
          %mul3A_416 = arith.muli %scan3A_153, %mul3A_415 : i32
          %add3A_417 = arith.constant 9 : i32
          %add3A_418 = arith.addi %mul3A_416, %add3A_417 : i32
          %get3A_419 = arith.index_cast %add3A_418 : i32 to index
          %get3A_420 = arith.constant 0 : index
          %get3A_421 = tpu.vector_load %arg10[%get3A_419, %get3A_420] {strides = array<i32>} : memref<128x32xf32, #tpu.memory_space<vmem>>, vector<1x16xf32>,
          %get3A_422 = vector.shape_cast %get3A_421 : vector<1x16xf32> to vector<16xf32>
          %mul3A_423 = arith.mulf %get3A_422, %gather3A_414 : vector<16xf32>
          %swap3A_424 = arith.index_cast %add3A_418 : i32 to index
          %swap3A_425 = arith.constant 0 : index
          %swap3A_426 = tpu.vector_load %arg10[%swap3A_424, %swap3A_425] {strides = array<i32>} : memref<128x32xf32, #tpu.memory_space<vmem>>, vector<1x16xf32>,
          %swap3A_427 = vector.shape_cast %swap3A_426 : vector<1x16xf32> to vector<16xf32>
          %swap3A_428 = vector.shape_cast %mul3A_423 : vector<16xf32> to vector<1x16xf32>
          tpu.vector_store %arg10[%swap3A_424, %swap3A_425], %swap3A_428 {strides = array<i32>} : memref<128x32xf32, #tpu.memory_space<vmem>>, vector<1x16xf32>,
          %get3A_429 = arith.index_cast %add3A_418 : i32 to index
          %get3A_430 = arith.constant 16 : index
          %get3A_431 = tpu.vector_load %arg10[%get3A_429, %get3A_430] {strides = array<i32>} : memref<128x32xf32, #tpu.memory_space<vmem>>, vector<1x16xf32>,
          %get3A_432 = vector.shape_cast %get3A_431 : vector<1x16xf32> to vector<16xf32>
          %mul3A_433 = arith.mulf %get3A_432, %gather3A_414 : vector<16xf32>
          %swap3A_434 = arith.index_cast %add3A_418 : i32 to index
          %swap3A_435 = arith.constant 16 : index
          %swap3A_436 = tpu.vector_load %arg10[%swap3A_434, %swap3A_435] {strides = array<i32>} : memref<128x32xf32, #tpu.memory_space<vmem>>, vector<1x16xf32>,
          %swap3A_437 = vector.shape_cast %swap3A_436 : vector<1x16xf32> to vector<16xf32>
          %swap3A_438 = vector.shape_cast %mul3A_433 : vector<16xf32> to vector<1x16xf32>
          tpu.vector_store %arg10[%swap3A_434, %swap3A_435], %swap3A_438 {strides = array<i32>} : memref<128x32xf32, #tpu.memory_space<vmem>>, vector<1x16xf32>,
          %broadcast_in_dim3A_439 = arith.constant 10 : i32
          %broadcast_in_dim3A_440 = vector.broadcast %broadcast_in_dim3A_439 : i32 to vector<16x1xi32>
          %gather3A_441 = vector.shape_cast %broadcast_in_dim3A_440 : vector<16x1xi32> to vector<16xi32>
          %gather3A_442 = tpu.dynamic_gather %get3A_161[%gather3A_441] in [0] : vector<16xf32>, vector<16xi32> -> vector<16xf32>
          %mul3A_443 = arith.constant 16 : i32
          %mul3A_444 = arith.muli %scan3A_153, %mul3A_443 : i32
          %add3A_445 = arith.constant 10 : i32
          %add3A_446 = arith.addi %mul3A_444, %add3A_445 : i32
          %get3A_447 = arith.index_cast %add3A_446 : i32 to index
          %get3A_448 = arith.constant 0 : index
          %get3A_449 = tpu.vector_load %arg10[%get3A_447, %get3A_448] {strides = array<i32>} : memref<128x32xf32, #tpu.memory_space<vmem>>, vector<1x16xf32>,
          %get3A_450 = vector.shape_cast %get3A_449 : vector<1x16xf32> to vector<16xf32>
          %mul3A_451 = arith.mulf %get3A_450, %gather3A_442 : vector<16xf32>
          %swap3A_452 = arith.index_cast %add3A_446 : i32 to index
          %swap3A_453 = arith.constant 0 : index
          %swap3A_454 = tpu.vector_load %arg10[%swap3A_452, %swap3A_453] {strides = array<i32>} : memref<128x32xf32, #tpu.memory_space<vmem>>, vector<1x16xf32>,
          %swap3A_455 = vector.shape_cast %swap3A_454 : vector<1x16xf32> to vector<16xf32>
          %swap3A_456 = vector.shape_cast %mul3A_451 : vector<16xf32> to vector<1x16xf32>
          tpu.vector_store %arg10[%swap3A_452, %swap3A_453], %swap3A_456 {strides = array<i32>} : memref<128x32xf32, #tpu.memory_space<vmem>>, vector<1x16xf32>,
          %get3A_457 = arith.index_cast %add3A_446 : i32 to index
          %get3A_458 = arith.constant 16 : index
          %get3A_459 = tpu.vector_load %arg10[%get3A_457, %get3A_458] {strides = array<i32>} : memref<128x32xf32, #tpu.memory_space<vmem>>, vector<1x16xf32>,
          %get3A_460 = vector.shape_cast %get3A_459 : vector<1x16xf32> to vector<16xf32>
          %mul3A_461 = arith.mulf %get3A_460, %gather3A_442 : vector<16xf32>
          %swap3A_462 = arith.index_cast %add3A_446 : i32 to index
          %swap3A_463 = arith.constant 16 : index
          %swap3A_464 = tpu.vector_load %arg10[%swap3A_462, %swap3A_463] {strides = array<i32>} : memref<128x32xf32, #tpu.memory_space<vmem>>, vector<1x16xf32>,
          %swap3A_465 = vector.shape_cast %swap3A_464 : vector<1x16xf32> to vector<16xf32>
          %swap3A_466 = vector.shape_cast %mul3A_461 : vector<16xf32> to vector<1x16xf32>
          tpu.vector_store %arg10[%swap3A_462, %swap3A_463], %swap3A_466 {strides = array<i32>} : memref<128x32xf32, #tpu.memory_space<vmem>>, vector<1x16xf32>,
          %broadcast_in_dim3A_467 = arith.constant 11 : i32
          %broadcast_in_dim3A_468 = vector.broadcast %broadcast_in_dim3A_467 : i32 to vector<16x1xi32>
          %gather3A_469 = vector.shape_cast %broadcast_in_dim3A_468 : vector<16x1xi32> to vector<16xi32>
          %gather3A_470 = tpu.dynamic_gather %get3A_161[%gather3A_469] in [0] : vector<16xf32>, vector<16xi32> -> vector<16xf32>
          %mul3A_471 = arith.constant 16 : i32
          %mul3A_472 = arith.muli %scan3A_153, %mul3A_471 : i32
          %add3A_473 = arith.constant 11 : i32
          %add3A_474 = arith.addi %mul3A_472, %add3A_473 : i32
          %get3A_475 = arith.index_cast %add3A_474 : i32 to index
          %get3A_476 = arith.constant 0 : index
          %get3A_477 = tpu.vector_load %arg10[%get3A_475, %get3A_476] {strides = array<i32>} : memref<128x32xf32, #tpu.memory_space<vmem>>, vector<1x16xf32>,
          %get3A_478 = vector.shape_cast %get3A_477 : vector<1x16xf32> to vector<16xf32>
          %mul3A_479 = arith.mulf %get3A_478, %gather3A_470 : vector<16xf32>
          %swap3A_480 = arith.index_cast %add3A_474 : i32 to index
          %swap3A_481 = arith.constant 0 : index
          %swap3A_482 = tpu.vector_load %arg10[%swap3A_480, %swap3A_481] {strides = array<i32>} : memref<128x32xf32, #tpu.memory_space<vmem>>, vector<1x16xf32>,
          %swap3A_483 = vector.shape_cast %swap3A_482 : vector<1x16xf32> to vector<16xf32>
          %swap3A_484 = vector.shape_cast %mul3A_479 : vector<16xf32> to vector<1x16xf32>
          tpu.vector_store %arg10[%swap3A_480, %swap3A_481], %swap3A_484 {strides = array<i32>} : memref<128x32xf32, #tpu.memory_space<vmem>>, vector<1x16xf32>,
          %get3A_485 = arith.index_cast %add3A_474 : i32 to index
          %get3A_486 = arith.constant 16 : index
          %get3A_487 = tpu.vector_load %arg10[%get3A_485, %get3A_486] {strides = array<i32>} : memref<128x32xf32, #tpu.memory_space<vmem>>, vector<1x16xf32>,
          %get3A_488 = vector.shape_cast %get3A_487 : vector<1x16xf32> to vector<16xf32>
          %mul3A_489 = arith.mulf %get3A_488, %gather3A_470 : vector<16xf32>
          %swap3A_490 = arith.index_cast %add3A_474 : i32 to index
          %swap3A_491 = arith.constant 16 : index
          %swap3A_492 = tpu.vector_load %arg10[%swap3A_490, %swap3A_491] {strides = array<i32>} : memref<128x32xf32, #tpu.memory_space<vmem>>, vector<1x16xf32>,
          %swap3A_493 = vector.shape_cast %swap3A_492 : vector<1x16xf32> to vector<16xf32>
          %swap3A_494 = vector.shape_cast %mul3A_489 : vector<16xf32> to vector<1x16xf32>
          tpu.vector_store %arg10[%swap3A_490, %swap3A_491], %swap3A_494 {strides = array<i32>} : memref<128x32xf32, #tpu.memory_space<vmem>>, vector<1x16xf32>,
          %broadcast_in_dim3A_495 = arith.constant 12 : i32
          %broadcast_in_dim3A_496 = vector.broadcast %broadcast_in_dim3A_495 : i32 to vector<16x1xi32>
          %gather3A_497 = vector.shape_cast %broadcast_in_dim3A_496 : vector<16x1xi32> to vector<16xi32>
          %gather3A_498 = tpu.dynamic_gather %get3A_161[%gather3A_497] in [0] : vector<16xf32>, vector<16xi32> -> vector<16xf32>
          %mul3A_499 = arith.constant 16 : i32
          %mul3A_500 = arith.muli %scan3A_153, %mul3A_499 : i32
          %add3A_501 = arith.constant 12 : i32
          %add3A_502 = arith.addi %mul3A_500, %add3A_501 : i32
          %get3A_503 = arith.index_cast %add3A_502 : i32 to index
          %get3A_504 = arith.constant 0 : index
          %get3A_505 = tpu.vector_load %arg10[%get3A_503, %get3A_504] {strides = array<i32>} : memref<128x32xf32, #tpu.memory_space<vmem>>, vector<1x16xf32>,
          %get3A_506 = vector.shape_cast %get3A_505 : vector<1x16xf32> to vector<16xf32>
          %mul3A_507 = arith.mulf %get3A_506, %gather3A_498 : vector<16xf32>
          %swap3A_508 = arith.index_cast %add3A_502 : i32 to index
          %swap3A_509 = arith.constant 0 : index
          %swap3A_510 = tpu.vector_load %arg10[%swap3A_508, %swap3A_509] {strides = array<i32>} : memref<128x32xf32, #tpu.memory_space<vmem>>, vector<1x16xf32>,
          %swap3A_511 = vector.shape_cast %swap3A_510 : vector<1x16xf32> to vector<16xf32>
          %swap3A_512 = vector.shape_cast %mul3A_507 : vector<16xf32> to vector<1x16xf32>
          tpu.vector_store %arg10[%swap3A_508, %swap3A_509], %swap3A_512 {strides = array<i32>} : memref<128x32xf32, #tpu.memory_space<vmem>>, vector<1x16xf32>,
          %get3A_513 = arith.index_cast %add3A_502 : i32 to index
          %get3A_514 = arith.constant 16 : index
          %get3A_515 = tpu.vector_load %arg10[%get3A_513, %get3A_514] {strides = array<i32>} : memref<128x32xf32, #tpu.memory_space<vmem>>, vector<1x16xf32>,
          %get3A_516 = vector.shape_cast %get3A_515 : vector<1x16xf32> to vector<16xf32>
          %mul3A_517 = arith.mulf %get3A_516, %gather3A_498 : vector<16xf32>
          %swap3A_518 = arith.index_cast %add3A_502 : i32 to index
          %swap3A_519 = arith.constant 16 : index
          %swap3A_520 = tpu.vector_load %arg10[%swap3A_518, %swap3A_519] {strides = array<i32>} : memref<128x32xf32, #tpu.memory_space<vmem>>, vector<1x16xf32>,
          %swap3A_521 = vector.shape_cast %swap3A_520 : vector<1x16xf32> to vector<16xf32>
          %swap3A_522 = vector.shape_cast %mul3A_517 : vector<16xf32> to vector<1x16xf32>
          tpu.vector_store %arg10[%swap3A_518, %swap3A_519], %swap3A_522 {strides = array<i32>} : memref<128x32xf32, #tpu.memory_space<vmem>>, vector<1x16xf32>,
          %broadcast_in_dim3A_523 = arith.constant 13 : i32
          %broadcast_in_dim3A_524 = vector.broadcast %broadcast_in_dim3A_523 : i32 to vector<16x1xi32>
          %gather3A_525 = vector.shape_cast %broadcast_in_dim3A_524 : vector<16x1xi32> to vector<16xi32>
          %gather3A_526 = tpu.dynamic_gather %get3A_161[%gather3A_525] in [0] : vector<16xf32>, vector<16xi32> -> vector<16xf32>
          %mul3A_527 = arith.constant 16 : i32
          %mul3A_528 = arith.muli %scan3A_153, %mul3A_527 : i32
          %add3A_529 = arith.constant 13 : i32
          %add3A_530 = arith.addi %mul3A_528, %add3A_529 : i32
          %get3A_531 = arith.index_cast %add3A_530 : i32 to index
          %get3A_532 = arith.constant 0 : index
          %get3A_533 = tpu.vector_load %arg10[%get3A_531, %get3A_532] {strides = array<i32>} : memref<128x32xf32, #tpu.memory_space<vmem>>, vector<1x16xf32>,
          %get3A_534 = vector.shape_cast %get3A_533 : vector<1x16xf32> to vector<16xf32>
          %mul3A_535 = arith.mulf %get3A_534, %gather3A_526 : vector<16xf32>
          %swap3A_536 = arith.index_cast %add3A_530 : i32 to index
          %swap3A_537 = arith.constant 0 : index
          %swap3A_538 = tpu.vector_load %arg10[%swap3A_536, %swap3A_537] {strides = array<i32>} : memref<128x32xf32, #tpu.memory_space<vmem>>, vector<1x16xf32>,
          %swap3A_539 = vector.shape_cast %swap3A_538 : vector<1x16xf32> to vector<16xf32>
          %swap3A_540 = vector.shape_cast %mul3A_535 : vector<16xf32> to vector<1x16xf32>
          tpu.vector_store %arg10[%swap3A_536, %swap3A_537], %swap3A_540 {strides = array<i32>} : memref<128x32xf32, #tpu.memory_space<vmem>>, vector<1x16xf32>,
          %get3A_541 = arith.index_cast %add3A_530 : i32 to index
          %get3A_542 = arith.constant 16 : index
          %get3A_543 = tpu.vector_load %arg10[%get3A_541, %get3A_542] {strides = array<i32>} : memref<128x32xf32, #tpu.memory_space<vmem>>, vector<1x16xf32>,
          %get3A_544 = vector.shape_cast %get3A_543 : vector<1x16xf32> to vector<16xf32>
          %mul3A_545 = arith.mulf %get3A_544, %gather3A_526 : vector<16xf32>
          %swap3A_546 = arith.index_cast %add3A_530 : i32 to index
          %swap3A_547 = arith.constant 16 : index
          %swap3A_548 = tpu.vector_load %arg10[%swap3A_546, %swap3A_547] {strides = array<i32>} : memref<128x32xf32, #tpu.memory_space<vmem>>, vector<1x16xf32>,
          %swap3A_549 = vector.shape_cast %swap3A_548 : vector<1x16xf32> to vector<16xf32>
          %swap3A_550 = vector.shape_cast %mul3A_545 : vector<16xf32> to vector<1x16xf32>
          tpu.vector_store %arg10[%swap3A_546, %swap3A_547], %swap3A_550 {strides = array<i32>} : memref<128x32xf32, #tpu.memory_space<vmem>>, vector<1x16xf32>,
          %broadcast_in_dim3A_551 = arith.constant 14 : i32
          %broadcast_in_dim3A_552 = vector.broadcast %broadcast_in_dim3A_551 : i32 to vector<16x1xi32>
          %gather3A_553 = vector.shape_cast %broadcast_in_dim3A_552 : vector<16x1xi32> to vector<16xi32>
          %gather3A_554 = tpu.dynamic_gather %get3A_161[%gather3A_553] in [0] : vector<16xf32>, vector<16xi32> -> vector<16xf32>
          %mul3A_555 = arith.constant 16 : i32
          %mul3A_556 = arith.muli %scan3A_153, %mul3A_555 : i32
          %add3A_557 = arith.constant 14 : i32
          %add3A_558 = arith.addi %mul3A_556, %add3A_557 : i32
          %get3A_559 = arith.index_cast %add3A_558 : i32 to index
          %get3A_560 = arith.constant 0 : index
          %get3A_561 = tpu.vector_load %arg10[%get3A_559, %get3A_560] {strides = array<i32>} : memref<128x32xf32, #tpu.memory_space<vmem>>, vector<1x16xf32>,
          %get3A_562 = vector.shape_cast %get3A_561 : vector<1x16xf32> to vector<16xf32>
          %mul3A_563 = arith.mulf %get3A_562, %gather3A_554 : vector<16xf32>
          %swap3A_564 = arith.index_cast %add3A_558 : i32 to index
          %swap3A_565 = arith.constant 0 : index
          %swap3A_566 = tpu.vector_load %arg10[%swap3A_564, %swap3A_565] {strides = array<i32>} : memref<128x32xf32, #tpu.memory_space<vmem>>, vector<1x16xf32>,
          %swap3A_567 = vector.shape_cast %swap3A_566 : vector<1x16xf32> to vector<16xf32>
          %swap3A_568 = vector.shape_cast %mul3A_563 : vector<16xf32> to vector<1x16xf32>
          tpu.vector_store %arg10[%swap3A_564, %swap3A_565], %swap3A_568 {strides = array<i32>} : memref<128x32xf32, #tpu.memory_space<vmem>>, vector<1x16xf32>,
          %get3A_569 = arith.index_cast %add3A_558 : i32 to index
          %get3A_570 = arith.constant 16 : index
          %get3A_571 = tpu.vector_load %arg10[%get3A_569, %get3A_570] {strides = array<i32>} : memref<128x32xf32, #tpu.memory_space<vmem>>, vector<1x16xf32>,
          %get3A_572 = vector.shape_cast %get3A_571 : vector<1x16xf32> to vector<16xf32>
          %mul3A_573 = arith.mulf %get3A_572, %gather3A_554 : vector<16xf32>
          %swap3A_574 = arith.index_cast %add3A_558 : i32 to index
          %swap3A_575 = arith.constant 16 : index
          %swap3A_576 = tpu.vector_load %arg10[%swap3A_574, %swap3A_575] {strides = array<i32>} : memref<128x32xf32, #tpu.memory_space<vmem>>, vector<1x16xf32>,
          %swap3A_577 = vector.shape_cast %swap3A_576 : vector<1x16xf32> to vector<16xf32>
          %swap3A_578 = vector.shape_cast %mul3A_573 : vector<16xf32> to vector<1x16xf32>
          tpu.vector_store %arg10[%swap3A_574, %swap3A_575], %swap3A_578 {strides = array<i32>} : memref<128x32xf32, #tpu.memory_space<vmem>>, vector<1x16xf32>,
          %broadcast_in_dim3A_579 = arith.constant 15 : i32
          %broadcast_in_dim3A_580 = vector.broadcast %broadcast_in_dim3A_579 : i32 to vector<16x1xi32>
          %gather3A_581 = vector.shape_cast %broadcast_in_dim3A_580 : vector<16x1xi32> to vector<16xi32>
          %gather3A_582 = tpu.dynamic_gather %get3A_161[%gather3A_581] in [0] : vector<16xf32>, vector<16xi32> -> vector<16xf32>
          %mul3A_583 = arith.constant 16 : i32
          %mul3A_584 = arith.muli %scan3A_153, %mul3A_583 : i32
          %add3A_585 = arith.constant 15 : i32
          %add3A_586 = arith.addi %mul3A_584, %add3A_585 : i32
          %get3A_587 = arith.index_cast %add3A_586 : i32 to index
          %get3A_588 = arith.constant 0 : index
          %get3A_589 = tpu.vector_load %arg10[%get3A_587, %get3A_588] {strides = array<i32>} : memref<128x32xf32, #tpu.memory_space<vmem>>, vector<1x16xf32>,
          %get3A_590 = vector.shape_cast %get3A_589 : vector<1x16xf32> to vector<16xf32>
          %mul3A_591 = arith.mulf %get3A_590, %gather3A_582 : vector<16xf32>
          %swap3A_592 = arith.index_cast %add3A_586 : i32 to index
          %swap3A_593 = arith.constant 0 : index
          %swap3A_594 = tpu.vector_load %arg10[%swap3A_592, %swap3A_593] {strides = array<i32>} : memref<128x32xf32, #tpu.memory_space<vmem>>, vector<1x16xf32>,
          %swap3A_595 = vector.shape_cast %swap3A_594 : vector<1x16xf32> to vector<16xf32>
          %swap3A_596 = vector.shape_cast %mul3A_591 : vector<16xf32> to vector<1x16xf32>
          tpu.vector_store %arg10[%swap3A_592, %swap3A_593], %swap3A_596 {strides = array<i32>} : memref<128x32xf32, #tpu.memory_space<vmem>>, vector<1x16xf32>,
          %get3A_597 = arith.index_cast %add3A_586 : i32 to index
          %get3A_598 = arith.constant 16 : index
          %get3A_599 = tpu.vector_load %arg10[%get3A_597, %get3A_598] {strides = array<i32>} : memref<128x32xf32, #tpu.memory_space<vmem>>, vector<1x16xf32>,
          %get3A_600 = vector.shape_cast %get3A_599 : vector<1x16xf32> to vector<16xf32>
          %mul3A_601 = arith.mulf %get3A_600, %gather3A_582 : vector<16xf32>
          %swap3A_602 = arith.index_cast %add3A_586 : i32 to index
          %swap3A_603 = arith.constant 16 : index
          %swap3A_604 = tpu.vector_load %arg10[%swap3A_602, %swap3A_603] {strides = array<i32>} : memref<128x32xf32, #tpu.memory_space<vmem>>, vector<1x16xf32>,
          %swap3A_605 = vector.shape_cast %swap3A_604 : vector<1x16xf32> to vector<16xf32>
          %swap3A_606 = vector.shape_cast %mul3A_601 : vector<16xf32> to vector<1x16xf32>
          tpu.vector_store %arg10[%swap3A_602, %swap3A_603], %swap3A_606 {strides = array<i32>} : memref<128x32xf32, #tpu.memory_space<vmem>>, vector<1x16xf32>,
          %scan3A_607 = arith.constant 0 : i32
          scf.yield %scan3A_607 : i32
        }
        %scan3A_129 = arith.constant 8 : i32
        %add3A_130 = arith.constant 28 : i32
        %add3A_131 = arith.addi %add3A_130, %mul3A_66 : i32
        %add3A_132 = arith.constant 1 : i32
        %add3A_133 = arith.addi %add3A_131, %add3A_132 : i32
        %dma_start3A_134 = arith.constant 0 : i32
        %dma_start3A_135 = tpu.memref_slice %arg7[%add3A_133, %dma_start3A_134] : memref<56x128xi32, #tpu.memory_space<vmem>> -> memref<1x128xi32, #tpu.memory_space<vmem>>
        %dma_start3A_136 = tpu.memref_squeeze %dma_start3A_135 : memref<1x128xi32, #tpu.memory_space<vmem>> -> memref<128xi32, #tpu.memory_space<vmem>>
        %dma_start3A_137 = arith.constant 0 : i32
        %dma_start3A_138 = arith.constant 0 : i32
        %dma_start3A_139 = tpu.memref_slice %arg14[%dma_start3A_137, %dma_start3A_138] : memref<50000x32xf32, #tpu.memory_space<vmem_shared>> -> memref<50000x32xf32, #tpu.memory_space<vmem_shared>>
        tpu.enqueue_indirect_dma source(%arg10 : memref<128x32xf32, #tpu.memory_space<vmem>>) target(%dma_start3A_139 : memref<50000x32xf32, #tpu.memory_space<vmem_shared>>) offsets(%dma_start3A_136 : memref<128xi32, #tpu.memory_space<vmem>>) semaphore(%arg19 : memref<!tpu.dma_semaphore, #tpu.memory_space<semaphore_mem>>) {add = true}
        %dma_wait3A_140 = arith.constant 0 : i32
        %dma_wait3A_141 = tpu.memref_slice %arg7[%add3A_104, %dma_wait3A_140] : memref<56x128xi32, #tpu.memory_space<vmem>> -> memref<1x128xi32, #tpu.memory_space<vmem>>
        %dma_wait3A_142 = tpu.memref_squeeze %dma_wait3A_141 : memref<1x128xi32, #tpu.memory_space<vmem>> -> memref<128xi32, #tpu.memory_space<vmem>>
        %dma_wait3A_143 = arith.constant 0 : i32
        %dma_wait3A_144 = arith.constant 0 : i32
        %dma_wait3A_145 = tpu.memref_slice %arg14[%dma_wait3A_143, %dma_wait3A_144] : memref<50000x32xf32, #tpu.memory_space<vmem_shared>> -> memref<50000x32xf32, #tpu.memory_space<vmem_shared>>
        tpu.wait_indirect_dma semaphore(%arg18 : memref<!tpu.dma_semaphore, #tpu.memory_space<semaphore_mem>>) src(%arg9 : memref<128x32xf32, #tpu.memory_space<vmem>>) dst(%dma_wait3A_145 : memref<50000x32xf32, #tpu.memory_space<vmem_shared>>)
        %dma_wait3A_146 = arith.constant 0 : i32
        %dma_wait3A_147 = tpu.memref_slice %arg7[%add3A_133, %dma_wait3A_146] : memref<56x128xi32, #tpu.memory_space<vmem>> -> memref<1x128xi32, #tpu.memory_space<vmem>>
        %dma_wait3A_148 = tpu.memref_squeeze %dma_wait3A_147 : memref<1x128xi32, #tpu.memory_space<vmem>> -> memref<128xi32, #tpu.memory_space<vmem>>
        %dma_wait3A_149 = arith.constant 0 : i32
        %dma_wait3A_150 = arith.constant 0 : i32
        %dma_wait3A_151 = tpu.memref_slice %arg14[%dma_wait3A_149, %dma_wait3A_150] : memref<50000x32xf32, #tpu.memory_space<vmem_shared>> -> memref<50000x32xf32, #tpu.memory_space<vmem_shared>>
        tpu.wait_indirect_dma semaphore(%arg19 : memref<!tpu.dma_semaphore, #tpu.memory_space<semaphore_mem>>) src(%arg10 : memref<128x32xf32, #tpu.memory_space<vmem>>) dst(%dma_wait3A_151 : memref<50000x32xf32, #tpu.memory_space<vmem_shared>>)
        %scan3A_152 = arith.constant 0 : i32
        scf.yield %scan3A_152 : i32
      }
      %scan3A_61 = arith.constant 14 : i32
      %scan3A_62 = arith.constant 0 : i32
      scf.yield %scan3A_62 : i32
    }
    %scan3A_42 = arith.constant 14 : i32
    %barrier3A_43 = arith.constant 0 : index
    tpu.barrier barrier_id(%barrier3A_43)
    %scan3A_44 = arith.constant 0.333333343 : f32
    %scan3A_45 = arith.constant 0 : i32
    %scan3A_46 = arith.constant 0 : i32
    %scan3A_47 = arith.constant 25 : i32
    %scan3A_48 = arith.addi %scan3A_46, %scan3A_47 : i32
    %scan3A_49 = arith.constant 1 : i32
    %scan3A_50 = scf.for %scan3A_52 = %scan3A_46 to %scan3A_48 step %scan3A_49 iter_args(%scan3A_53 = %scan3A_45) -> (i32)  : i32 {
      %mul3A = arith.constant 3125 : i32
      %mul3A_54 = arith.muli %arg1, %mul3A : i32
      %mul3A_55 = arith.constant 125 : i32
      %mul3A_56 = arith.muli %scan3A_52, %mul3A_55 : i32
      %add3A = arith.addi %mul3A_54, %mul3A_56 : i32
      "tpu.region"() ({
        %run_scoped3A = tpu.sem_alloc : memref<!tpu.dma_semaphore, #tpu.memory_space<semaphore_mem>>
        %dma_start3A = arith.constant 0 : i32
        %dma_start3A_65 = arith.constant 0 : i32
        %dma_start3A_66 = tpu.memref_slice %arg2[%arg0, %dma_start3A, %dma_start3A_65] : memref<2x50000x32xf32, #tpu.memory_space<hbm>> -> memref<1x50000x32xf32, #tpu.memory_space<hbm>>
        %dma_start3A_67 = tpu.memref_squeeze %dma_start3A_66 : memref<1x50000x32xf32, #tpu.memory_space<hbm>> -> memref<50000x32xf32, #tpu.memory_space<hbm>>
        %dma_start3A_68 = arith.constant 0 : i32
        %dma_start3A_69 = tpu.memref_slice %dma_start3A_67[%add3A, %dma_start3A_68] : memref<50000x32xf32, #tpu.memory_space<hbm>> -> memref<125x32xf32, #tpu.memory_space<hbm>>
        %dma_start3A_70 = arith.constant 0 : i32
        %dma_start3A_71 = arith.constant 0 : i32
        %dma_start3A_72 = tpu.memref_slice %arg2[%arg0, %dma_start3A_70, %dma_start3A_71] : memref<2x50000x32xf32, #tpu.memory_space<hbm>> -> memref<1x50000x32xf32, #tpu.memory_space<hbm>>
        %dma_start3A_73 = tpu.memref_squeeze %dma_start3A_72 : memref<1x50000x32xf32, #tpu.memory_space<hbm>> -> memref<50000x32xf32, #tpu.memory_space<hbm>>
        %dma_start3A_74 = arith.constant 0 : i32
        %dma_start3A_75 = tpu.memref_slice %dma_start3A_73[%add3A, %dma_start3A_74] : memref<50000x32xf32, #tpu.memory_space<hbm>> -> memref<125x32xf32, #tpu.memory_space<hbm>>
        tpu.enqueue_dma source(%dma_start3A_75 : memref<125x32xf32, #tpu.memory_space<hbm>>) target(%arg12 : memref<125x32xf32, #tpu.memory_space<vmem>>) target_semaphore(%run_scoped3A : memref<!tpu.dma_semaphore, #tpu.memory_space<semaphore_mem>>)
        %dma_wait3A = arith.constant 0 : i32
        %dma_wait3A_76 = arith.constant 0 : i32
        %dma_wait3A_77 = tpu.memref_slice %arg2[%arg0, %dma_wait3A, %dma_wait3A_76] : memref<2x50000x32xf32, #tpu.memory_space<hbm>> -> memref<1x50000x32xf32, #tpu.memory_space<hbm>>
        %dma_wait3A_78 = tpu.memref_squeeze %dma_wait3A_77 : memref<1x50000x32xf32, #tpu.memory_space<hbm>> -> memref<50000x32xf32, #tpu.memory_space<hbm>>
        %dma_wait3A_79 = arith.constant 0 : i32
        %dma_wait3A_80 = tpu.memref_slice %dma_wait3A_78[%add3A, %dma_wait3A_79] : memref<50000x32xf32, #tpu.memory_space<hbm>> -> memref<125x32xf32, #tpu.memory_space<hbm>>
        %dma_wait3A_81 = arith.constant 0 : i32
        %dma_wait3A_82 = arith.constant 0 : i32
        %dma_wait3A_83 = tpu.memref_slice %arg2[%arg0, %dma_wait3A_81, %dma_wait3A_82] : memref<2x50000x32xf32, #tpu.memory_space<hbm>> -> memref<1x50000x32xf32, #tpu.memory_space<hbm>>
        %dma_wait3A_84 = tpu.memref_squeeze %dma_wait3A_83 : memref<1x50000x32xf32, #tpu.memory_space<hbm>> -> memref<50000x32xf32, #tpu.memory_space<hbm>>
        %dma_wait3A_85 = arith.constant 0 : i32
        %dma_wait3A_86 = tpu.memref_slice %dma_wait3A_84[%add3A, %dma_wait3A_85] : memref<50000x32xf32, #tpu.memory_space<hbm>> -> memref<125x32xf32, #tpu.memory_space<hbm>>
        tpu.wait_dma2 semaphore(%run_scoped3A : memref<!tpu.dma_semaphore, #tpu.memory_space<semaphore_mem>>) src(%dma_wait3A_86 : memref<125x32xf32, #tpu.memory_space<hbm>>) dst(%arg12 : memref<125x32xf32, #tpu.memory_space<vmem>>)
        tpu.yield
      }) : () -> ()
      "tpu.region"() ({
        %run_scoped3A = tpu.sem_alloc : memref<!tpu.dma_semaphore, #tpu.memory_space<semaphore_mem>>
        %dma_start3A = arith.constant 0 : i32
        %dma_start3A_65 = arith.constant 0 : i32
        %dma_start3A_66 = tpu.memref_slice %arg5[%arg0, %dma_start3A, %dma_start3A_65] : memref<2x50000x32xf32, #tpu.memory_space<hbm>> -> memref<1x50000x32xf32, #tpu.memory_space<hbm>>
        %dma_start3A_67 = tpu.memref_squeeze %dma_start3A_66 : memref<1x50000x32xf32, #tpu.memory_space<hbm>> -> memref<50000x32xf32, #tpu.memory_space<hbm>>
        %dma_start3A_68 = arith.constant 0 : i32
        %dma_start3A_69 = tpu.memref_slice %dma_start3A_67[%add3A, %dma_start3A_68] : memref<50000x32xf32, #tpu.memory_space<hbm>> -> memref<125x32xf32, #tpu.memory_space<hbm>>
        %dma_start3A_70 = arith.constant 0 : i32
        %dma_start3A_71 = arith.constant 0 : i32
        %dma_start3A_72 = tpu.memref_slice %arg5[%arg0, %dma_start3A_70, %dma_start3A_71] : memref<2x50000x32xf32, #tpu.memory_space<hbm>> -> memref<1x50000x32xf32, #tpu.memory_space<hbm>>
        %dma_start3A_73 = tpu.memref_squeeze %dma_start3A_72 : memref<1x50000x32xf32, #tpu.memory_space<hbm>> -> memref<50000x32xf32, #tpu.memory_space<hbm>>
        %dma_start3A_74 = arith.constant 0 : i32
        %dma_start3A_75 = tpu.memref_slice %dma_start3A_73[%add3A, %dma_start3A_74] : memref<50000x32xf32, #tpu.memory_space<hbm>> -> memref<125x32xf32, #tpu.memory_space<hbm>>
        tpu.enqueue_dma source(%dma_start3A_75 : memref<125x32xf32, #tpu.memory_space<hbm>>) target(%arg13 : memref<125x32xf32, #tpu.memory_space<vmem>>) target_semaphore(%run_scoped3A : memref<!tpu.dma_semaphore, #tpu.memory_space<semaphore_mem>>)
        %dma_wait3A = arith.constant 0 : i32
        %dma_wait3A_76 = arith.constant 0 : i32
        %dma_wait3A_77 = tpu.memref_slice %arg5[%arg0, %dma_wait3A, %dma_wait3A_76] : memref<2x50000x32xf32, #tpu.memory_space<hbm>> -> memref<1x50000x32xf32, #tpu.memory_space<hbm>>
        %dma_wait3A_78 = tpu.memref_squeeze %dma_wait3A_77 : memref<1x50000x32xf32, #tpu.memory_space<hbm>> -> memref<50000x32xf32, #tpu.memory_space<hbm>>
        %dma_wait3A_79 = arith.constant 0 : i32
        %dma_wait3A_80 = tpu.memref_slice %dma_wait3A_78[%add3A, %dma_wait3A_79] : memref<50000x32xf32, #tpu.memory_space<hbm>> -> memref<125x32xf32, #tpu.memory_space<hbm>>
        %dma_wait3A_81 = arith.constant 0 : i32
        %dma_wait3A_82 = arith.constant 0 : i32
        %dma_wait3A_83 = tpu.memref_slice %arg5[%arg0, %dma_wait3A_81, %dma_wait3A_82] : memref<2x50000x32xf32, #tpu.memory_space<hbm>> -> memref<1x50000x32xf32, #tpu.memory_space<hbm>>
        %dma_wait3A_84 = tpu.memref_squeeze %dma_wait3A_83 : memref<1x50000x32xf32, #tpu.memory_space<hbm>> -> memref<50000x32xf32, #tpu.memory_space<hbm>>
        %dma_wait3A_85 = arith.constant 0 : i32
        %dma_wait3A_86 = tpu.memref_slice %dma_wait3A_84[%add3A, %dma_wait3A_85] : memref<50000x32xf32, #tpu.memory_space<hbm>> -> memref<125x32xf32, #tpu.memory_space<hbm>>
        tpu.wait_dma2 semaphore(%run_scoped3A : memref<!tpu.dma_semaphore, #tpu.memory_space<semaphore_mem>>) src(%dma_wait3A_86 : memref<125x32xf32, #tpu.memory_space<hbm>>) dst(%arg13 : memref<125x32xf32, #tpu.memory_space<vmem>>)
        tpu.yield
      }) : () -> ()
      "tpu.region"() ({
        %run_scoped3A = tpu.sem_alloc : memref<!tpu.dma_semaphore, #tpu.memory_space<semaphore_mem>>
        %dma_start3A = arith.constant 0 : i32
        %dma_start3A_65 = tpu.memref_slice %arg14[%add3A, %dma_start3A] : memref<50000x32xf32, #tpu.memory_space<vmem_shared>> -> memref<125x32xf32, #tpu.memory_space<vmem_shared>>
        %dma_start3A_66 = arith.constant 0 : i32
        %dma_start3A_67 = tpu.memref_slice %arg14[%add3A, %dma_start3A_66] : memref<50000x32xf32, #tpu.memory_space<vmem_shared>> -> memref<125x32xf32, #tpu.memory_space<vmem_shared>>
        tpu.enqueue_dma source(%dma_start3A_67 : memref<125x32xf32, #tpu.memory_space<vmem_shared>>) target(%arg11 : memref<125x32xf32, #tpu.memory_space<vmem>>) target_semaphore(%run_scoped3A : memref<!tpu.dma_semaphore, #tpu.memory_space<semaphore_mem>>)
        %dma_wait3A = arith.constant 0 : i32
        %dma_wait3A_68 = tpu.memref_slice %arg14[%add3A, %dma_wait3A] : memref<50000x32xf32, #tpu.memory_space<vmem_shared>> -> memref<125x32xf32, #tpu.memory_space<vmem_shared>>
        %dma_wait3A_69 = arith.constant 0 : i32
        %dma_wait3A_70 = tpu.memref_slice %arg14[%add3A, %dma_wait3A_69] : memref<50000x32xf32, #tpu.memory_space<vmem_shared>> -> memref<125x32xf32, #tpu.memory_space<vmem_shared>>
        tpu.wait_dma2 semaphore(%run_scoped3A : memref<!tpu.dma_semaphore, #tpu.memory_space<semaphore_mem>>) src(%dma_wait3A_70 : memref<125x32xf32, #tpu.memory_space<vmem_shared>>) dst(%arg11 : memref<125x32xf32, #tpu.memory_space<vmem>>)
        tpu.yield
      }) : () -> ()
      %scan3A_57 = arith.constant 0 : i32
      %scan3A_58 = arith.constant 0 : i32
      %scan3A_59 = arith.constant 125 : i32
      %scan3A_60 = arith.addi %scan3A_58, %scan3A_59 : i32
      %scan3A_61 = arith.constant 1 : i32
      %scan3A_62 = scf.for %scan3A_65 = %scan3A_58 to %scan3A_60 step %scan3A_61 iter_args(%scan3A_66 = %scan3A_57) -> (i32)  : i32 {
        %get3A = arith.index_cast %scan3A_65 : i32 to index
        %get3A_67 = arith.constant 0 : index
        %get3A_68 = tpu.vector_load %arg12[%get3A, %get3A_67] {strides = array<i32>} : memref<125x32xf32, #tpu.memory_space<vmem>>, vector<1x16xf32>,
        %get3A_69 = vector.shape_cast %get3A_68 : vector<1x16xf32> to vector<16xf32>
        %get3A_70 = arith.index_cast %scan3A_65 : i32 to index
        %get3A_71 = arith.constant 0 : index
        %get3A_72 = tpu.vector_load %arg13[%get3A_70, %get3A_71] {strides = array<i32>} : memref<125x32xf32, #tpu.memory_space<vmem>>, vector<1x16xf32>,
        %get3A_73 = vector.shape_cast %get3A_72 : vector<1x16xf32> to vector<16xf32>
        %add3A_74 = arith.addf %get3A_69, %get3A_73 : vector<16xf32>
        %get3A_75 = arith.index_cast %scan3A_65 : i32 to index
        %get3A_76 = arith.constant 0 : index
        %get3A_77 = tpu.vector_load %arg11[%get3A_75, %get3A_76] {strides = array<i32>} : memref<125x32xf32, #tpu.memory_space<vmem>>, vector<1x16xf32>,
        %get3A_78 = vector.shape_cast %get3A_77 : vector<1x16xf32> to vector<16xf32>
        %add3A_79 = arith.addf %add3A_74, %get3A_78 : vector<16xf32>
        %mul3A_80 = vector.broadcast %scan3A_44 : f32 to vector<16xf32>
        %mul3A_81 = arith.mulf %add3A_79, %mul3A_80 : vector<16xf32>
        %swap3A = arith.index_cast %scan3A_65 : i32 to index
        %swap3A_82 = arith.constant 0 : index
        %swap3A_83 = tpu.vector_load %arg12[%swap3A, %swap3A_82] {strides = array<i32>} : memref<125x32xf32, #tpu.memory_space<vmem>>, vector<1x16xf32>,
        %swap3A_84 = vector.shape_cast %swap3A_83 : vector<1x16xf32> to vector<16xf32>
        %swap3A_85 = vector.shape_cast %mul3A_81 : vector<16xf32> to vector<1x16xf32>
        tpu.vector_store %arg12[%swap3A, %swap3A_82], %swap3A_85 {strides = array<i32>} : memref<125x32xf32, #tpu.memory_space<vmem>>, vector<1x16xf32>,
        %get3A_86 = arith.index_cast %scan3A_65 : i32 to index
        %get3A_87 = arith.constant 16 : index
        %get3A_88 = tpu.vector_load %arg12[%get3A_86, %get3A_87] {strides = array<i32>} : memref<125x32xf32, #tpu.memory_space<vmem>>, vector<1x16xf32>,
        %get3A_89 = vector.shape_cast %get3A_88 : vector<1x16xf32> to vector<16xf32>
        %get3A_90 = arith.index_cast %scan3A_65 : i32 to index
        %get3A_91 = arith.constant 16 : index
        %get3A_92 = tpu.vector_load %arg13[%get3A_90, %get3A_91] {strides = array<i32>} : memref<125x32xf32, #tpu.memory_space<vmem>>, vector<1x16xf32>,
        %get3A_93 = vector.shape_cast %get3A_92 : vector<1x16xf32> to vector<16xf32>
        %add3A_94 = arith.addf %get3A_89, %get3A_93 : vector<16xf32>
        %get3A_95 = arith.index_cast %scan3A_65 : i32 to index
        %get3A_96 = arith.constant 16 : index
        %get3A_97 = tpu.vector_load %arg11[%get3A_95, %get3A_96] {strides = array<i32>} : memref<125x32xf32, #tpu.memory_space<vmem>>, vector<1x16xf32>,
        %get3A_98 = vector.shape_cast %get3A_97 : vector<1x16xf32> to vector<16xf32>
        %add3A_99 = arith.addf %add3A_94, %get3A_98 : vector<16xf32>
        %mul3A_100 = vector.broadcast %scan3A_44 : f32 to vector<16xf32>
        %mul3A_101 = arith.mulf %add3A_99, %mul3A_100 : vector<16xf32>
        %swap3A_102 = arith.index_cast %scan3A_65 : i32 to index
        %swap3A_103 = arith.constant 16 : index
        %swap3A_104 = tpu.vector_load %arg12[%swap3A_102, %swap3A_103] {strides = array<i32>} : memref<125x32xf32, #tpu.memory_space<vmem>>, vector<1x16xf32>,
        %swap3A_105 = vector.shape_cast %swap3A_104 : vector<1x16xf32> to vector<16xf32>
        %swap3A_106 = vector.shape_cast %mul3A_101 : vector<16xf32> to vector<1x16xf32>
        tpu.vector_store %arg12[%swap3A_102, %swap3A_103], %swap3A_106 {strides = array<i32>} : memref<125x32xf32, #tpu.memory_space<vmem>>, vector<1x16xf32>,
        %scan3A_107 = arith.constant 0 : i32
        scf.yield %scan3A_107 : i32
      }
      %scan3A_63 = arith.constant 125 : i32
      "tpu.region"() ({
        %run_scoped3A = tpu.sem_alloc : memref<!tpu.dma_semaphore, #tpu.memory_space<semaphore_mem>>
        %dma_start3A = arith.constant 0 : i32
        %dma_start3A_65 = arith.constant 0 : i32
        %dma_start3A_66 = tpu.memref_slice %arg6[%arg0, %dma_start3A, %dma_start3A_65] : memref<2x50000x32xf32, #tpu.memory_space<hbm>> -> memref<1x50000x32xf32, #tpu.memory_space<hbm>>
        %dma_start3A_67 = tpu.memref_squeeze %dma_start3A_66 : memref<1x50000x32xf32, #tpu.memory_space<hbm>> -> memref<50000x32xf32, #tpu.memory_space<hbm>>
        %dma_start3A_68 = arith.constant 0 : i32
        %dma_start3A_69 = tpu.memref_slice %dma_start3A_67[%add3A, %dma_start3A_68] : memref<50000x32xf32, #tpu.memory_space<hbm>> -> memref<125x32xf32, #tpu.memory_space<hbm>>
        %dma_start3A_70 = arith.constant 0 : i32
        %dma_start3A_71 = arith.constant 0 : i32
        %dma_start3A_72 = tpu.memref_slice %arg6[%arg0, %dma_start3A_70, %dma_start3A_71] : memref<2x50000x32xf32, #tpu.memory_space<hbm>> -> memref<1x50000x32xf32, #tpu.memory_space<hbm>>
        %dma_start3A_73 = tpu.memref_squeeze %dma_start3A_72 : memref<1x50000x32xf32, #tpu.memory_space<hbm>> -> memref<50000x32xf32, #tpu.memory_space<hbm>>
        %dma_start3A_74 = arith.constant 0 : i32
        %dma_start3A_75 = tpu.memref_slice %dma_start3A_73[%add3A, %dma_start3A_74] : memref<50000x32xf32, #tpu.memory_space<hbm>> -> memref<125x32xf32, #tpu.memory_space<hbm>>
        tpu.enqueue_dma source(%arg12 : memref<125x32xf32, #tpu.memory_space<vmem>>) target(%dma_start3A_75 : memref<125x32xf32, #tpu.memory_space<hbm>>) target_semaphore(%run_scoped3A : memref<!tpu.dma_semaphore, #tpu.memory_space<semaphore_mem>>)
        %dma_wait3A = arith.constant 0 : i32
        %dma_wait3A_76 = arith.constant 0 : i32
        %dma_wait3A_77 = tpu.memref_slice %arg6[%arg0, %dma_wait3A, %dma_wait3A_76] : memref<2x50000x32xf32, #tpu.memory_space<hbm>> -> memref<1x50000x32xf32, #tpu.memory_space<hbm>>
        %dma_wait3A_78 = tpu.memref_squeeze %dma_wait3A_77 : memref<1x50000x32xf32, #tpu.memory_space<hbm>> -> memref<50000x32xf32, #tpu.memory_space<hbm>>
        %dma_wait3A_79 = arith.constant 0 : i32
        %dma_wait3A_80 = tpu.memref_slice %dma_wait3A_78[%add3A, %dma_wait3A_79] : memref<50000x32xf32, #tpu.memory_space<hbm>> -> memref<125x32xf32, #tpu.memory_space<hbm>>
        %dma_wait3A_81 = arith.constant 0 : i32
        %dma_wait3A_82 = arith.constant 0 : i32
        %dma_wait3A_83 = tpu.memref_slice %arg6[%arg0, %dma_wait3A_81, %dma_wait3A_82] : memref<2x50000x32xf32, #tpu.memory_space<hbm>> -> memref<1x50000x32xf32, #tpu.memory_space<hbm>>
        %dma_wait3A_84 = tpu.memref_squeeze %dma_wait3A_83 : memref<1x50000x32xf32, #tpu.memory_space<hbm>> -> memref<50000x32xf32, #tpu.memory_space<hbm>>
        %dma_wait3A_85 = arith.constant 0 : i32
        %dma_wait3A_86 = tpu.memref_slice %dma_wait3A_84[%add3A, %dma_wait3A_85] : memref<50000x32xf32, #tpu.memory_space<hbm>> -> memref<125x32xf32, #tpu.memory_space<hbm>>
        tpu.wait_dma2 semaphore(%run_scoped3A : memref<!tpu.dma_semaphore, #tpu.memory_space<semaphore_mem>>) src(%arg12 : memref<125x32xf32, #tpu.memory_space<vmem>>) dst(%dma_wait3A_86 : memref<125x32xf32, #tpu.memory_space<hbm>>)
        tpu.yield
      }) : () -> ()
      %scan3A_64 = arith.constant 0 : i32
      scf.yield %scan3A_64 : i32
    }
    %scan3A_51 = arith.constant 25 : i32
    return
  }
}

</mosaic_0001>

<sc_bundles>
// kernel: _run.3.cloned.1.call-start
scs
__scs_entry_jumppad:
0x0: {  	(pc) =	sbr.rel $0x88, $3  }
0x1: {  	(tag) =	ssettag $0x0;
	lr =	simm.s32 $0x1  }
0x2: {  	[smem:$0x3F9E] =	sst lr;
	_ =	strace $0xD0000000  }
0x3: {  	_ = 	snop  }
0x4: {  	_ = 	snop  }
0x5: {  	_ = 	snop  }
0x6: {  	_ = 	snop  }
0x7: {  	_ = 	snop  }
__scs_overlays_trampoline_lowered:
0x8: {  	[smem:$0x3FAD] =	sst s0  }
0x9: {  	[smem:$0x3FAE] =	sst s1  }
0xa: {  	[smem:$0x3FAF] =	sst s2  }
0xb: {  	[smem:$0x3FB0] =	sst s3  }
0xc: {  	[smem:$0x3FB1] =	sst s4  }
0xd: {  	[smem:$0x3FB2] =	sst s5  }
0xe: {  	[smem:$0x3FB3] =	sst s6  }
0xf: {  	[smem:$0x3FB4] =	sst s7  }
0x10: {  	[smem:$0x3FB5] =	sst s8  }
0x11: {  	[smem:$0x3FB6] =	sst s9;
	s0 =	simm.s32 @!p0 $0x0  }
0x12: {  	s1 =	sld [smem:$0x3F9C];
	s0 =	simm.s32 @p0 $0x1  }
0x13: {  	[smem:$0x3FB7] =	sst s0;
	s0 =	simm.s32 @!p1 $0x0  }
0x14: {  	s2 =	sld [smem:$0x3F9B];
	s0 =	simm.s32 @p1 $0x1  }
0x15: {  	[smem:$0x3FB8] =	sst s0;
	s0 =	simm.s32 @!p2 $0x0  }
0x16: {  	s3 =	sld [smem:$0x3FDB];
	s0 =	simm.s32 @p2 $0x1  }
0x17: {  	s4 =	simm.s32 $0x1BF5;
	[smem:$0x3FBA] =	sst s0  }
0x18: {  	s0 =	sld [smem:$0x3F9D];
	_ =	swait.ge [sflag:s4], $0x0  }
0x19: {  	s7 =	sld [smem:$0x3F9E]  }
0x1a: {  	s8 =	sadd.s32 $0xFFFFE003, lr  }
0x1b: {  	s9 =	sadd.s32 $0xFFFFFEF7, lr;
	s5 =	simm.s32 $0xFFFFFFFF;
	p2 =	slt.u32 s8, $0xFFFFF086  }
0x1c: {  	p1 =	slt.u32 s9, $0xF7A;
	s5 =	simm.s32 @!p2 $0x0  }
0x1d: {  	s5 =	simm.s32 @p1 $0x1;
	p0 =	seq.s32 s7, s2  }
0x1e: {  	s7 =	smul.u32 @!p0 $0xF7A, s2;
	p2 =	seq.s32 @!p0 s5, $0x0  }
0x1f: {  	s9 =	smul.u32 $0xF7A, s1;
	s8 =	simm.s32 @!p0 $0x1BF5;
	p2 =	por !p2, p0  }
0x20: {  	[sflag:s8] =	ssyncset.s32 @!p0 $0xFFFFF086;
	s6 =	sadd.s32 @!p0 s3, s7;
	s7 =	simm.s32 @!p0 $0x108  }
0x21: {  	s3 =	sadd.s32 s3, s9;
	s6 =	sadd.s32 @!p0 $0x88, s6;
	s7 =	simm.s32 @p2 $0x1082  }
0x22: {  	[simem:s7], [sflag:s8] =	dma.local @!p0 [hbm:s6], $0xF7A  }
0x23: {  	s9 =	sor.u32 $0xD0000000, s2;
	s6 =	simm.s32 $0x108;
	_ =	swait.ge @!p0 [sflag:s8], $0x0  }
0x24: {  	s3 =	sadd.s32 $0x88, s3;
	s6 =	simm.s32 @!p1 $0x1082;
	[sflag:s4] =	ssyncset.s32 $0xFFFFF086  }
0x25: {  	[simem:s6], [sflag:s4] =	dma.local [hbm:s3], $0xF7A  }
0x26: {  	[smem:$0x3F9E] =	sst s1;
	(tag) =	ssettag s2;
	_ =	strace s9  }
0x27: {  	s1 =	sld [smem:$0x3FAE]  }
0x28: {  	s2 =	sld [smem:$0x3FAF]  }
0x29: {  	s4 =	sld [smem:$0x3FB1]  }
0x2a: {  	p0 =	seq.s32 s5, $0x0;
	s5 =	sld [smem:$0x3FB2]  }
0x2b: {  	s6 =	sld [smem:$0x3FB3]  }
0x2c: {  	s7 =	sld [smem:$0x3FB4]  }
0x2d: {  	s3 =	simm.s32 $0x108;
	s8 =	sld [smem:$0x3FB5]  }
0x2e: {  	s3 =	simm.s32 @!p0 $0x1082;
	s9 =	sld [smem:$0x3FB6]  }
0x2f: {  	lr =	sadd.s32 s0, s3;
	s0 =	sld [smem:$0x3FAD]  }
0x30: {  	s3 =	sld [smem:$0x3FB0]  }
0x31: {  	[smem:$0x3FB9] =	sst s10  }
0x32: {  	s10 =	sld [smem:$0x3FB7];
	_ =	sdelay $0x3  }
0x33: {  	p0 =	seq.s32 s10, $0x1;
	s10 =	sld [smem:$0x3FB9];
	_ =	sdelay $0x3  }
0x34: {  	[smem:$0x3FB9] =	sst s10  }
0x35: {  	s10 =	sld [smem:$0x3FB8];
	_ =	sdelay $0x3  }
0x36: {  	p1 =	seq.s32 s10, $0x1;
	s10 =	sld [smem:$0x3FB9];
	_ =	sdelay $0x3  }
0x37: {  	[smem:$0x3FB9] =	sst s10  }
0x38: {  	s10 =	sld [smem:$0x3FBA]  }
0x39: {  	_ = 	snop;
	(pc) =	sbr.ind lr, $3  }
0x3a: {  	_ = 	snop  }
0x3b: {  	_ = 	snop  }
0x3c: {  	p2 =	seq.s32 s10, $0x1;
	s10 =	sld [smem:$0x3FB9]  }
0x3d: {  	_ =	shalt  }
0x3e: {  	_ =	shalt  }
0x3f: {  	_ =	shalt  }
0x40: {  	_ =	shalt  }
0x41: {  	_ =	shalt  }
0x42: {  	_ =	shalt  }
0x43: {  	_ =	shalt  }
0x44: {  	_ =	shalt  }
0x45: {  	_ =	shalt  }
0x46: {  	_ =	shalt  }
0x47: {  	_ =	shalt  }
0x48: {  	_ =	shalt  }
0x49: {  	_ =	shalt  }
0x4a: {  	_ =	shalt  }
0x4b: {  	_ =	shalt  }
0x4c: {  	_ =	shalt  }
0x4d: {  	_ =	shalt  }
0x4e: {  	_ =	shalt  }
0x4f: {  	_ =	shalt  }
0x50: {  	_ =	shalt  }
0x51: {  	_ =	shalt  }
0x52: {  	_ =	shalt  }
0x53: {  	_ =	shalt  }
0x54: {  	_ =	shalt  }
0x55: {  	_ =	shalt  }
0x56: {  	_ =	shalt  }
0x57: {  	_ =	shalt  }
0x58: {  	_ =	shalt  }
0x59: {  	_ =	shalt  }
0x5a: {  	_ =	shalt  }
0x5b: {  	_ =	shalt  }
0x5c: {  	_ =	shalt  }
0x5d: {  	_ =	shalt  }
0x5e: {  	_ =	shalt  }
0x5f: {  	_ =	shalt  }
0x60: {  	_ =	shalt  }
0x61: {  	_ =	shalt  }
0x62: {  	_ =	shalt  }
0x63: {  	_ =	shalt  }
0x64: {  	_ =	shalt  }
0x65: {  	_ =	shalt  }
0x66: {  	_ =	shalt  }
0x67: {  	_ =	shalt  }
0x68: {  	_ =	shalt  }
0x69: {  	_ =	shalt  }
0x6a: {  	_ =	shalt  }
0x6b: {  	_ =	shalt  }
0x6c: {  	_ =	shalt  }
0x6d: {  	_ =	shalt  }
0x6e: {  	_ =	shalt  }
0x6f: {  	_ =	shalt  }
0x70: {  	_ =	shalt  }
0x71: {  	_ =	shalt  }
0x72: {  	_ =	shalt  }
0x73: {  	_ =	shalt  }
0x74: {  	_ =	shalt  }
0x75: {  	_ =	shalt  }
0x76: {  	_ =	shalt  }
0x77: {  	_ =	shalt  }
0x78: {  	_ =	shalt  }
0x79: {  	_ =	shalt  }
0x7a: {  	_ =	shalt  }
0x7b: {  	_ =	shalt  }
0x7c: {  	_ =	shalt  }
0x7d: {  	_ =	shalt  }
0x7e: {  	_ =	shalt  }
0x7f: {  	_ =	shalt  }
0x80: {  	_ =	shalt  }
0x81: {  	_ =	shalt  }
0x82: {  	_ =	shalt  }
0x83: {  	_ =	shalt  }
0x84: {  	_ =	shalt  }
0x85: {  	_ =	shalt  }
0x86: {  	_ =	shalt  }
0x87: {  	_ =	shalt  }
.Lfunc_end0:
.L_simem_size_0:
called_computation_lowered:
.L_overlay_start_0:
0x88: {  	s2 =	sld [smem:$0x3FD9]  }
0x89: {  	s3 =	sld [smem:$0x3FFE];
	_ =	sdelay $0x1  }
0x8a: {  	s1 =	srdreg.scid  }
0x8b: {  	s0 =	sand.u32 $0x1, s1  }
0x8c: {  	s14 =	sshll.u32 s0, $0xA;
	s2 =	sadd.s32 s3, s2  }
0x8d: {  	s2 =	sadd.s32 s2, s14  }
0x8e: {  	[smem:$0x3FC5] =	sst s2  }
0x8f: {  	_ = 	snop  }
0x90: {  	s2 =	sld [smem:$0x3FD0];
	_ =	sdelay $0x2  }
0x91: {  	s4 =	simm.s32 $0xA;
	s5 =	simm.s32 $0x10;
	s15 =	sld [smem:$0x3FC8]  }
0x92: {  	[smem:s5], [sflag:s4] =	dma.local [hbm:s2], $0x1  }
0x93: {  	_ =	swait.eq [sflag:s4], $0x1  }
0x94: {  	[sflag:s4] =	ssyncset.done $0x0  }
0x95: {  	s16 =	sld [smem:$0x10];
	[sflag:s4] =	ssyncadd.s32 $0xFFFFFFFF  }
0x96: {  	s17 =	sld [smem:$0x11];
	(tm) =	ssettm $0x1  }
0x97: {  	s18 =	sld [smem:$0x3FFB];
	_ =	sdelay $0x3  }
0x98: {  	_ =	strace s18  }
0x99: {  	s5 =	sld [smem:$0x3FFC];
	_ =	sdelay $0x3  }
0x9a: {  	_ =	strace s5  }
0x9b: {  	s5 =	sld [smem:$0x3FFD];
	_ =	sdelay $0x3  }
0x9c: {  	_ =	strace s5  }
0x9d: {  	_ =	strace $0x8FFFFFFF  }
0x9e: {  	s19 =	sld [smem:$0x3FDB];
	_ =	sdelay $0x1  }
0x9f: {  	s6 =	simm.s32 $_scs_section_size  }
0xa0: {  	s7 =	simm.s32 $_size__tile_overlayer_lowered;
	s8 =	simm.s32 $_tile_overlayer_lowered  }
0xa1: {  	s22 =	simm.s32 $0x1BFF;
	s21 =	sshll.u32 s8, $0x1;
	s5 =	sadd.s32 s6, s19  }
0xa2: {  	s9 =	simm.s32 $0x0;
	s20 =	sshll.u32 s7, $0x1;
	s7 =	sadd.s32 s21, s5  }
0xa3: {  	[timem:s9], [sflag:s22] =	dma.local [hbm:s7], s20  }
0xa4: {  	_ =	swait.ge [sflag:s22], s20  }
0xa5: {  	s6 =	ssub.s32 $0x0, s20;
	[sflag:s22] =	ssyncset.done $0x0  }
0xa6: {  	[sflag:s22] =	ssyncadd.s32 s6;
	_ =	sdelay $0x1  }
0xa7: {  	s23 =	simm.s32 $0x1B8B  }
0xa8: {  	_ =	swait.ge [sflag:s23], $0x1  }
0xa9: {  	[sflag:s23] =	ssyncset.done $0x0  }
0xaa: {  	s25 =	simm.s32 $0x1B8E;
	s24 =	sld [smem:$0x3FFE];
	[sflag:s23] =	ssyncadd.s32 $0xFFFFFFFF  }
0xab: {  	s26 =	simm.s32 $execute0_lowered;
	[smem:$0x3FD2] =	sst s25  }
0xac: {  	s7 =	sshll.u32 s26, $0x1;
	_ =	strace $0x80000046;
	[dreg:$0x1] =	wrdreg $0xFFFFFFFF  }
0xad: {  	s28 =	simm.s32 $_size_execute0_lowered;
	s5 =	sadd.s32 s5, s7;
	[dreg:$0x0] =	wrdreg $0x0  }
0xae: {  	s7 =	sshll.u32 s28, $0x1;
	[dreg:$0x2] =	wrdreg s5  }
0xaf: {  	[dreg:$0x3] =	wrdreg s7  }
0xb0: {  	[dreg:$0x4] =	wrdreg $0xC0  }
0xb1: {  	_ =	task [dreg:s9], $0x5FFFF  }
0xb2: {  	[dreg:$0x1] =	wrdreg $0xFFFFFFFF  }
0xb3: {  	[dreg:$0x0] =	wrdreg $0x60  }
0xb4: {  	[dreg:$0x2] =	wrdreg s17  }
0xb5: {  	[dreg:$0x3] =	wrdreg s15  }
0xb6: {  	[dreg:$0x4] =	wrdreg s24  }
0xb7: {  	[dreg:$0x5] =	wrdreg s16  }
0xb8: {  	[dreg:$0x6] =	wrdreg $0x78E00  }
0xb9: {  	[dreg:$0x7] =	wrdreg $0x9  }
0xba: {  	_ =	task.clear_ibuf [dreg:s9], $0x8FFFF;
	_ =	strace $0x90000046  }
0xbb: {  	s29 =	simm.s32 $0x9;
	_ =	strace $0x80000048  }
0xbc: {  	_ =	swait.ge [sflag:s29], $0x1  }
0xbd: {  	[sflag:s29] =	ssyncadd.s32 $0xFFFFFFFF  }
0xbe: {  	_ =	strace $0x90000048  }
0xbf: {  	_ =	sfence  }
0xc0: {  	s30 =	sld [smem:$0x0];
	_ =	sdelay $0x2  }
0xc1: {  	s31 =	sshll.u32 s1, $0xD;
	s1 =	sshrl.u32 s1, $0x2  }
0xc2: {  	s3 =	sand.u32 $0x4000, s31;
	s1 =	sadd.s32 s1, s30  }
0xc3: {  	s0 =	sor.u32 s3, s0;
	s1 =	sshll.u32 s1, $0x11  }
0xc4: {  	s0 =	sor.u32 s1, s0  }
0xc5: {  	s0 =	sadd.s32 $0x8F2B, s0  }
0xc6: {  	[sflag:s0] =	ssyncadd.remote.s32 $0x1  }
0xc7: {  	_ =	sfence.sel $0xFFFF  }
0xc8: {  	[dreg:$0x0] =	wrdreg $0xFFFFFFFF;
	(pc) =	sbr.abs _section_cstart, $3  }
0xc9: {  	[dreg:$0x1] =	wrdreg $0xFFFFFFFF  }
0xca: {  	_ =	task.clear_ibuf [dreg:s9], $0x2FFFF;
	_ =	strace $0x9FFFFFFF  }
0xcb: {  	(tm) =	ssettm $0x7FFFFFFF  }
tec
execute0_lowered:
.L_overlay_start_1:
0x0: {  	(tag) =	ssettag $0x1  }
0x1: {  	s0 =	rddreg [dreg:$0x0]  }
0x2: {  	s1 =	rddreg [dreg:$0x1]  }
0x3: {  	s3 =	rddreg [dreg:$0x2]  }
0x4: {  	s4 =	rddreg [dreg:$0x3]  }
0x5: {  	s2 =	rddreg [dreg:$0x4]  }
0x6: {  	s6 =	simm.s32 $0x0;
	s5 =	srdreg.scid;
	s14 =	stileid.u32  }
0x7: {  	s15 =	simm.s32 $0x5;
	s16 =	simm.s32 $0x80;
	s17 =	simm.s32 $0x2A00  }
0x8: {  	s18 =	simm.s32 $0x3A00;
	s19 =	simm.s32 $0x1;
	s20 =	simm.s32 $0x2  }
0x9: {  	s21 =	simm.s32 $0x3;
	s22 =	simm.s32 $0x4;
	s7 =	smul.u32 $0x18800, s14  }
0xa: {  	s24 =	simm.s32 $0x59A0;
	[smem:$0x7FF] =	sst s6;
	s13 =	smul.u32 $0x61A80, s14  }
0xb: {  	s5 =	sand.u32 $0x1, s5;
	s6 =	sadd.s32 $0xA00, s3;
	s31 =	smul.u32 $0x30D4, s14  }
0xc: {  	v0 =	vimm.f32 $0.0e+00;
	v1 =	vimm.s32 $0x0;
	s10 =	smul.u32 $0x30D40, s5;
	_ =	strace $0x80000047;
	s8 =	ssub.s32 $0x2, s5  }
0xd: {  	v2 =	vimm.s32 $0x1;
	v3 =	vimm.s32 $0x2;
	v4 =	vimm.s32 $0x3;
	s5 =	smul.u32 $0xC35, s14;
	s9 =	sshrl.u32 s8, $0x1;
	s30 =	sshrl.u32 s13, $0x2  }
0xe: {  	v5 =	vimm.s32 $0x4;
	v6 =	vimm.s32 $0x5;
	v7 =	vimm.s32 $0x6;
	s3 =	sadd.s32 s10, s3;
	s12 =	ssub.s32 s8, s9;
	s8 =	smul.u32 $0xC400, s14  }
0xf: {  	v8 =	vimm.s32 $0x7;
	v9 =	vimm.s32 $0x8;
	v10 =	vimm.s32 $0x9;
	s9 =	sadd.s32 s0, s10;
	s10 =	sadd.s32 s4, s10;
	s13 =	sadd.s32 s30, s2  }
0x10: {  	v11 =	vimm.s32 $0xA;
	v12 =	vimm.s32 $0xB;
	v13 =	vimm.s32 $0xC;
	s14 =	simm.s32 $0x4A00;
	s11 =	sadd.s32 $0x19200, s3;
	s29 =	smax.u32 s12, $0x1  }
0x11: {  	v14 =	vimm.s32 $0xD;
	v15 =	vimm.s32 $0xE;
	v16 =	vimm.s32 $0xF;
	s23 =	sadd.s32 s10, s31;
	s3 =	simm.s32 $0x0;
	[dreg:$0x6] =	wrdreg s29  }
.LBB2_1:
0x12: {  	[dreg:$0x7] =	wrdreg s3;
	s0 =	simm.s32 $0x0  }
.LBB2_2:
0x13: {  	p0 =	sne.s32 s0, $0x3E00  }
.Ltmp0:
0x14: {  	_ = 	snop;
	(pc) =	sbr.rel @p0 .LBB2_2-.Ltmp0, $4  }
0x15: {  	_ = 	snop  }
0x16: {  	s3 =	sshra.s32 s0, $0x2  }
0x17: {  	[tilespmem:s3+$0x4A00] =	vst v0  }
0x18: {  	s0 =	sadd.s32 $0x80, s0;
	[tilespmem:s3+$0x4A10] =	vst v0  }
0x19: {  	s0 =	sadd.s32 $0x0, s13  }
0x1a: {  	[spmem:s0] =	stream.linear.scatter [tilespmem:s14], [sflag:$0x5], $0xFA0, $0x38;
	[tilespmem:$0x1FF80] =	vst v63  }
0x1b: {  	s0 =	simm.s32 $0x3E80;
	_ =	swait.ge [sflag:s15], $0xFA0  }
.LBB2_4:
0x1c: {  	s3 =	sshra.s32 s0, $0x2;
	[sflag:s15] =	ssyncset.done $0x0;
	p0 =	sne.s32 s0, $0x5DC00  }
.Ltmp1:
0x1d: {  	s3 =	sadd.s32 s3, s13;
	[sflag:s15] =	ssyncadd.s32 $0xFFFFF060;
	(pc) =	sbr.rel @p0 .LBB2_4-.Ltmp1, $3  }
0x1e: {  	[spmem:s3] =	stream.linear.scatter [tilespmem:s14], [sflag:$0x5], $0xFA0, $0x38;
	[tilespmem:$0x1FF80] =	vst v63  }
0x1f: {  	s0 =	sadd.s32 $0x3E80, s0;
	_ =	sdelay $0x1  }
0x20: {  	_ =	swait.ge [sflag:s15], $0xFA0  }
0x21: {  	[sflag:s15] =	ssyncset.done $0x0  }
0x22: {  	[sflag:s15] =	ssyncadd.s32 $0xFFFFF060  }
0x23: {  	s28 =	simm.s32 $0x0;
	s29 =	simm.s32 $0x0;
	[bflag:$0x0] =	sbarrier.arrive $0xFFFF  }
.LBB2_6:
0x24: {  	s0 =	smul.u32 $0x1C00, s29;
	_ =	sdelay $0x1  }
0x25: {  	s0 =	sadd.s32 s7, s0  }
0x26: {  	s0 =	sshrl.u32 s0, $0x3  }
0x27: {  	s3 =	smul.u32 $0xE00, s29;
	s0 =	sadd.s32 s1, s0  }
0x28: {  	[tilespmem:s28], [sflag:$0x5] =	stream.linear.gather [hbm4b:s0+s28], $0x1C00, $0x38;
	[tilespmem:$0x1FF80] =	vst v63  }
0x29: {  	s26 =	sadd.s32 s8, s3;
	_ =	swait.ge [sflag:s15], $0x1C00  }
0x2a: {  	s0 =	sshrl.u32 s26, $0x3;
	[sflag:s15] =	ssyncset.done $0x0  }
0x2b: {  	s30 =	simm.s32 $0x1C00;
	s0 =	sadd.s32 s6, s0;
	[sflag:s15] =	ssyncadd.s32 $0xFFFFE400  }
0x2c: {  	[tilespmem:s30], [sflag:$0x5] =	stream.linear.gather [hbm4b:s0+s28], $0xE00, $0x38;
	[tilespmem:$0x1FF80] =	vst v63  }
0x2d: {  	_ =	swait.ge [sflag:s15], $0xE00  }
0x2e: {  	[sflag:s15] =	ssyncset.done $0x0  }
0x2f: {  	s31 =	simm.s32 $0x1C80;
	s0 =	simm.s32 $0x0;
	[sflag:s15] =	ssyncadd.s32 $0xFFFFF200  }
.LBB2_7:
0x30: {  	s3 =	sshll.u32 s0, $0x8  }
0x31: {  	s4 =	sand.u32 $0x3FFFFF00, s3  }
0x32: {  	[tilespmem:s17], [sflag:$0x1] =	stream.indirect.gather [hbm4b:s9+s16], $0x20, s4, s16, $0xb8;
	[tilespmem:$0x1FF80] =	vst v63  }
0x33: {  	s3 =	sor.u32 $0x80, s3  }
0x34: {  	[tilespmem:s18], [sflag:$0x2] =	stream.indirect.gather [hbm4b:s9+s16], $0x20, s3, s16, $0xb8;
	[tilespmem:$0x1FF80] =	vst v63  }
0x35: {  	_ =	swait.ge [sflag:s19], $0x1000  }
0x36: {  	[sflag:s19] =	ssyncset.done $0x0  }
0x37: {  	s12 =	simm.s32 $0x2B00;
	[sflag:s19] =	ssyncadd.s32 $0xFFFFF000  }
0x38: {  	v23 =	vld [tilespmem:s12+$0xFFFFFFA0]  }
0x39: {  	v20 =	vld [tilespmem:s12+$0xFFFFFFF0]  }
0x3a: {  	v17 =	vld [tilespmem:s12+$0xFFFFFF60]  }
0x3b: {  	v21 =	vmov s30;
	v24 =	vld [tilespmem:s12+$0xFFFFFFD0]  }
0x3c: {  	v25 =	vld [tilespmem:s12+$0x80]  }
0x3d: {  	v28 =	vld [tilespmem:s12+$0xFFFFFF10]  }
0x3e: {  	v32 =	vld [tilespmem:s12+$0xE0]  }
0x3f: {  	s26 =	simm.s32 $0x0;
	v27 =	vld [tilespmem:s12+$0xFFFFFF40]  }
0x40: {  	v18 =	vld.idx.msk [tilespmem:v21+s26+$0x0 ss:$0x1], $0xffff  }
0x41: {  	v19 =	vld [tilespmem:s12+$0xFFFFFF90]  }
0x42: {  	v26 =	vld [tilespmem:s12+$0xFFFFFFC0]  }
0x43: {  	v29 =	vld [tilespmem:s12+$0xFFFFFF00]  }
0x44: {  	v30 =	vld [tilespmem:s12+$0xD0]  }
0x45: {  	v39 =	vld [tilespmem:s12+$0xC0]  }
0x46: {  	v37 =	vld [tilespmem:s12+$0x90];
	v35 =	vperm.xlane v18, v1;
	v22 =	vperm.xlane v18, v16  }
0x47: {  	v38 =	vld [tilespmem:s12+$0xFFFFFF50];
	v36 =	vperm.xlane v18, v3;
	v34 =	vperm.xlane v18, v15  }
0x48: {  	v33 =	vld [tilespmem:s12+$0xB0];
	v31 =	vperm.xlane v18, v13;
	v41 =	vmul.f32 v29, v35  }
0x49: {  	s3 =	simm.s32 $0x2B00;
	s26 =	simm.s32 $0x40;
	v29 =	vperm.xlane v18, v14;
	v40 =	vmul.f32 v27, v36;
	v27 =	vld [tilespmem:s12+$0x60]  }
.LBB2_8:
0x4a: {  	p0 =	sne.s32 s26, $0x1C0  }
0x4b: {  	[tilespmem:s12+$0xFFFFFF00] =	vst v41;
	v41 =	vld [tilespmem:s12+$0xFFFFFFB0];
	v39 =	vmul.f32 v39, v34;
	v32 =	vmul.f32 v32, v22;
	s3 =	sadd.s32 $0x200, s3;
	s25 =	smov.u32 s26;
	s26 =	sadd.s32 $0x40, s26  }
0x4c: {  	[tilespmem:s12+$0xFFFFFF40] =	vst v40;
	v40 =	vperm.xlane v18, v11;
	v37 =	vmul.f32 v37, v31;
	v42 =	vld [tilespmem:s12+$0xA0]  }
0x4d: {  	v28 =	vmul.f32 v28, v35;
	v35 =	vmul.f32 v38, v36;
	v36 =	vld [tilespmem:s12+$0x70];
	[tilespmem:s12+$0xE0] =	vst v32  }
0x4e: {  	v32 =	vperm.xlane v18, v6;
	v38 =	vld [tilespmem:s12+$0xFFFFFFE0];
	v33 =	vmul.f32 v33, v29;
	[tilespmem:s12+$0xC0] =	vst v39  }
0x4f: {  	v30 =	vmul.f32 v30, v34;
	[tilespmem:s12+$0xFFFFFF10] =	vst v28;
	v28 =	vperm.xlane v18, v7;
	v39 =	vld [tilespmem:s12+$0x40]  }
0x50: {  	v43 =	vperm.xlane v18, v12;
	v23 =	vmul.f32 v23, v32;
	v34 =	vld [tilespmem:s12+$0xFFFFFF20];
	[tilespmem:s12+$0x90] =	vst v37  }
0x51: {  	[tilespmem:s12+$0xFFFFFF50] =	vst v35;
	v35 =	vperm.xlane v18, v10;
	v37 =	vld [tilespmem:s12+$0x20];
	v29 =	vmul.f32 v42, v29  }
0x52: {  	v32 =	vmul.f32 v41, v32;
	v41 =	vld [tilespmem:s12+$0x50];
	v36 =	vmul.f32 v36, v43;
	[tilespmem:s12+$0xD0] =	vst v30  }
0x53: {  	v25 =	vmul.f32 v25, v31;
	v30 =	vperm.xlane v18, v8;
	v42 =	vld [tilespmem:s12+$0x30];
	[tilespmem:s12+$0xA0] =	vst v29  }
0x54: {  	v26 =	vmul.f32 v26, v28;
	v29 =	vperm.xlane v18, v4;
	v31 =	vld [tilespmem:s12+$0x0];
	[tilespmem:s12+$0x70] =	vst v36  }
0x55: {  	v27 =	vmul.f32 v27, v43;
	v24 =	vmul.f32 v24, v28;
	v28 =	vld [tilespmem:s12+$0x10];
	[tilespmem:s12+$0x80] =	vst v25  }
0x56: {  	v36 =	vperm.xlane v18, v9;
	v39 =	vmul.f32 v39, v40;
	v25 =	vld [tilespmem:s12+$0xFFFFFF30];
	[tilespmem:s12+$0xB0] =	vst v33  }
0x57: {  	v33 =	vperm.xlane v18, v2;
	v43 =	vld [tilespmem:s12+$0xFFFFFF70];
	[tilespmem:s12+$0xFFFFFFD0] =	vst v24;
	v40 =	vmul.f32 v41, v40  }
0x58: {  	v20 =	vmul.f32 v20, v30;
	v24 =	vmul.f32 v38, v30;
	[tilespmem:s12+$0xFFFFFFC0] =	vst v26;
	v26 =	vld [tilespmem:s12+$0xF0]  }
0x59: {  	v38 =	vmul.f32 v42, v35;
	v30 =	vld [tilespmem:s12+$0xFFFFFF80];
	[tilespmem:s12+$0xFFFFFFA0] =	vst v23;
	v31 =	vmul.f32 v31, v36  }
0x5a: {  	v23 =	vld [tilespmem:s3+$0xFFFFFFA0];
	[tilespmem:s12+$0xFFFFFFF0] =	vst v20;
	v36 =	vmul.f32 v28, v36;
	v28 =	vmul.f32 v37, v35  }
0x5b: {  	v20 =	vmul.f32 v34, v33;
	v33 =	vmul.f32 v25, v33;
	[tilespmem:s12+$0x60] =	vst v27  }
0x5c: {  	v17 =	vmul.f32 v17, v29;
	v25 =	vmul.f32 v43, v29;
	[tilespmem:s12+$0xFFFFFFB0] =	vst v32  }
0x5d: {  	v18 =	vperm.xlane v18, v5;
	[tilespmem:s12+$0xFFFFFF20] =	vst v20;
	v20 =	vmul.f32 v26, v22  }
0x5e: {  	[tilespmem:s12+$0xFFFFFF60] =	vst v17  }
0x5f: {  	v22 =	vmul.f32 v30, v18;
	v17 =	vmul.f32 v19, v18;
	[tilespmem:s12+$0x40] =	vst v39  }
0x60: {  	[tilespmem:s12+$0xFFFFFFE0] =	vst v24  }
0x61: {  	[tilespmem:s12+$0xF0] =	vst v20  }
0x62: {  	[tilespmem:s12+$0xFFFFFF90] =	vst v17  }
0x63: {  	[tilespmem:s12+$0xFFFFFF70] =	vst v25  }
0x64: {  	v20 =	vld [tilespmem:s3+$0xFFFFFFF0];
	[tilespmem:s12+$0x20] =	vst v28  }
0x65: {  	v17 =	vld [tilespmem:s3+$0xFFFFFF60];
	[tilespmem:s12+$0x30] =	vst v38  }
0x66: {  	v24 =	vld [tilespmem:s3+$0xFFFFFFD0];
	[tilespmem:s12+$0xFFFFFF80] =	vst v22  }
0x67: {  	v25 =	vld [tilespmem:s3+$0x80];
	[tilespmem:s12+$0x50] =	vst v40  }
0x68: {  	v28 =	vld [tilespmem:s3+$0xFFFFFF10];
	[tilespmem:s12+$0x0] =	vst v31  }
0x69: {  	v32 =	vld [tilespmem:s3+$0xE0];
	[tilespmem:s12+$0xFFFFFF30] =	vst v33  }
0x6a: {  	s25 =	sshra.s32 s25, $0x2;
	v27 =	vld [tilespmem:s3+$0xFFFFFF40];
	[tilespmem:s12+$0x10] =	vst v36;
	s12 =	smov.u32 s3  }
0x6b: {  	v18 =	vld.idx.msk [tilespmem:v21+s25+$0x0 ss:$0x1], $0xffff  }
0x6c: {  	v19 =	vld [tilespmem:s3+$0xFFFFFF90]  }
0x6d: {  	v26 =	vld [tilespmem:s3+$0xFFFFFFC0]  }
0x6e: {  	v29 =	vld [tilespmem:s3+$0xFFFFFF00]  }
0x6f: {  	v30 =	vld [tilespmem:s3+$0xD0]  }
.Ltmp2:
0x70: {  	v39 =	vld [tilespmem:s3+$0xC0];
	(pc) =	sbr.rel @p0 .LBB2_8-.Ltmp2, $4  }
0x71: {  	v35 =	vperm.xlane v18, v1;
	v22 =	vperm.xlane v18, v16;
	v37 =	vld [tilespmem:s3+$0x90]  }
0x72: {  	v36 =	vperm.xlane v18, v3;
	v34 =	vperm.xlane v18, v15;
	v38 =	vld [tilespmem:s3+$0xFFFFFF50]  }
0x73: {  	v41 =	vmul.f32 v29, v35;
	v29 =	vperm.xlane v18, v14;
	v33 =	vld [tilespmem:s3+$0xB0]  }
0x74: {  	v31 =	vperm.xlane v18, v13;
	v40 =	vmul.f32 v27, v36;
	v27 =	vld [tilespmem:s3+$0x60]  }
0x75: {  	[tilespmem:s12+$0xFFFFFF00] =	vst v41;
	v21 =	vmul.f32 v32, v22  }
0x76: {  	v51 =	vmul.f32 v39, v34;
	[tilespmem:s12+$0xFFFFFF40] =	vst v40  }
0x77: {  	v28 =	vmul.f32 v28, v35;
	[tilespmem:s12+$0xE0] =	vst v21  }
0x78: {  	v25 =	vmul.f32 v25, v31;
	[tilespmem:s12+$0xC0] =	vst v51  }
0x79: {  	v21 =	vmul.f32 v37, v31;
	[tilespmem:s12+$0xFFFFFF10] =	vst v28  }
0x7a: {  	v52 =	vld [tilespmem:s12+$0xA0];
	v59 =	vperm.xlane v18, v6;
	v36 =	vmul.f32 v38, v36;
	[tilespmem:s12+$0x80] =	vst v25  }
0x7b: {  	v53 =	vld [tilespmem:s12+$0x70];
	v62 =	vperm.xlane v18, v4;
	v28 =	vmul.f32 v30, v34;
	[tilespmem:s12+$0x90] =	vst v21  }
0x7c: {  	v55 =	vperm.xlane v18, v12;
	v23 =	vmul.f32 v23, v59;
	[tilespmem:s12+$0xFFFFFF50] =	vst v36  }
0x7d: {  	v17 =	vmul.f32 v17, v62;
	[tilespmem:s12+$0xD0] =	vst v28  }
0x7e: {  	v54 =	vld [tilespmem:s12+$0xFFFFFFB0];
	v27 =	vmul.f32 v27, v55;
	[tilespmem:s12+$0xFFFFFFA0] =	vst v23  }
0x7f: {  	v63 =	vld [tilespmem:s12+$0xF0];
	[tilespmem:s12+$0xFFFFFF60] =	vst v17;
	v56 =	vmul.f32 v52, v29  }
0x80: {  	v25 =	vperm.xlane v18, v8;
	v35 =	vmul.f32 v53, v55;
	[tilespmem:s12+$0x60] =	vst v27  }
0x81: {  	v29 =	vmul.f32 v33, v29;
	[tilespmem:s12+$0xA0] =	vst v56  }
0x82: {  	v30 =	vld [tilespmem:s12+$0xFFFFFF20];
	v20 =	vmul.f32 v20, v25;
	[tilespmem:s12+$0x70] =	vst v35  }
0x83: {  	v31 =	vld [tilespmem:s12+$0x20];
	v28 =	vperm.xlane v18, v7;
	v23 =	vmul.f32 v54, v59;
	[tilespmem:s12+$0xB0] =	vst v29  }
0x84: {  	v57 =	vld [tilespmem:s12+$0x40];
	v17 =	vmul.f32 v63, v22;
	[tilespmem:s12+$0xFFFFFFF0] =	vst v20  }
0x85: {  	v61 =	vperm.xlane v18, v2;
	v21 =	vld [tilespmem:s12+$0xFFFFFFE0];
	v24 =	vmul.f32 v24, v28;
	[tilespmem:s12+$0xFFFFFFB0] =	vst v23  }
0x86: {  	v58 =	vld [tilespmem:s12+$0x50];
	v22 =	vperm.xlane v18, v10;
	v26 =	vmul.f32 v26, v28;
	[tilespmem:s12+$0xF0] =	vst v17  }
0x87: {  	v20 =	vperm.xlane v18, v11;
	v30 =	vmul.f32 v30, v61;
	[tilespmem:s12+$0xFFFFFFD0] =	vst v24  }
0x88: {  	v27 =	vld [tilespmem:s12+$0xFFFFFF30];
	v17 =	vmul.f32 v31, v22;
	[tilespmem:s12+$0xFFFFFFC0] =	vst v26  }
0x89: {  	v29 =	vld [tilespmem:s12+$0xFFFFFF70];
	v23 =	vmul.f32 v57, v20;
	[tilespmem:s12+$0xFFFFFF20] =	vst v30  }
0x8a: {  	v60 =	vld [tilespmem:s12+$0x30];
	v21 =	vmul.f32 v21, v25;
	v25 =	vperm.xlane v18, v5;
	[tilespmem:s12+$0x20] =	vst v17  }
0x8b: {  	v26 =	vld [tilespmem:s12+$0x10];
	v17 =	vmul.f32 v58, v20;
	[tilespmem:s12+$0x40] =	vst v23  }
0x8c: {  	v24 =	vld [tilespmem:s12+$0xFFFFFF80];
	v19 =	vmul.f32 v19, v25;
	[tilespmem:s12+$0xFFFFFFE0] =	vst v21  }
0x8d: {  	v28 =	vld [tilespmem:s12+$0x0];
	v20 =	vmul.f32 v27, v61;
	[tilespmem:s12+$0x50] =	vst v17  }
0x8e: {  	v18 =	vperm.xlane v18, v9;
	v21 =	vmul.f32 v29, v62;
	[tilespmem:s12+$0xFFFFFF90] =	vst v19  }
0x8f: {  	v19 =	vmul.f32 v60, v22;
	[tilespmem:s12+$0xFFFFFF30] =	vst v20  }
0x90: {  	v17 =	vmul.f32 v26, v18;
	[tilespmem:s12+$0xFFFFFF70] =	vst v21  }
0x91: {  	v21 =	vmul.f32 v24, v25;
	[tilespmem:s12+$0x30] =	vst v19  }
0x92: {  	v19 =	vmul.f32 v28, v18;
	[tilespmem:s12+$0x10] =	vst v17  }
0x93: {  	[tilespmem:s12+$0xFFFFFF80] =	vst v21  }
0x94: {  	s3 =	sadd.s32 $0xE00, s4;
	[tilespmem:s12+$0x0] =	vst v19  }
0x95: {  	[spmem:s2] =	stream.indirect.scatter.add.f32 [tilespmem:s17], [sflag:$0x3], $0x20, s3, s16, $0xb8;
	[tilespmem:$0x1FF80] =	vst v63  }
0x96: {  	_ =	swait.ge [sflag:s20], $0x1000  }
0x97: {  	[sflag:s20] =	ssyncset.done $0x0  }
0x98: {  	s12 =	simm.s32 $0x3B00;
	[sflag:s20] =	ssyncadd.s32 $0xFFFFF000  }
0x99: {  	v23 =	vld [tilespmem:s12+$0xFFFFFFA0]  }
0x9a: {  	v20 =	vld [tilespmem:s12+$0xFFFFFFF0]  }
0x9b: {  	v17 =	vld [tilespmem:s12+$0xFFFFFF60]  }
0x9c: {  	v21 =	vmov s31;
	v24 =	vld [tilespmem:s12+$0xFFFFFFD0]  }
0x9d: {  	v25 =	vld [tilespmem:s12+$0x80]  }
0x9e: {  	v28 =	vld [tilespmem:s12+$0xFFFFFF10]  }
0x9f: {  	v32 =	vld [tilespmem:s12+$0xE0]  }
0xa0: {  	s26 =	simm.s32 $0x0;
	v27 =	vld [tilespmem:s12+$0xFFFFFF40]  }
0xa1: {  	v18 =	vld.idx.msk [tilespmem:v21+s26+$0x0 ss:$0x1], $0xffff  }
0xa2: {  	v19 =	vld [tilespmem:s12+$0xFFFFFF90]  }
0xa3: {  	v26 =	vld [tilespmem:s12+$0xFFFFFFC0]  }
0xa4: {  	v29 =	vld [tilespmem:s12+$0xFFFFFF00]  }
0xa5: {  	v30 =	vld [tilespmem:s12+$0xD0]  }
0xa6: {  	v39 =	vld [tilespmem:s12+$0xC0]  }
0xa7: {  	v37 =	vld [tilespmem:s12+$0x90];
	v35 =	vperm.xlane v18, v1;
	v22 =	vperm.xlane v18, v16  }
0xa8: {  	v38 =	vld [tilespmem:s12+$0xFFFFFF50];
	v36 =	vperm.xlane v18, v3;
	v34 =	vperm.xlane v18, v15  }
0xa9: {  	v33 =	vld [tilespmem:s12+$0xB0];
	v31 =	vperm.xlane v18, v13;
	v41 =	vmul.f32 v29, v35  }
0xaa: {  	s3 =	simm.s32 $0x3B00;
	s26 =	simm.s32 $0x40;
	v29 =	vperm.xlane v18, v14;
	v40 =	vmul.f32 v27, v36;
	v27 =	vld [tilespmem:s12+$0x60]  }
.LBB2_10:
0xab: {  	p0 =	sne.s32 s26, $0x1C0  }
0xac: {  	[tilespmem:s12+$0xFFFFFF00] =	vst v41;
	v41 =	vld [tilespmem:s12+$0xFFFFFFB0];
	v39 =	vmul.f32 v39, v34;
	v32 =	vmul.f32 v32, v22;
	s3 =	sadd.s32 $0x200, s3;
	s25 =	smov.u32 s26;
	s26 =	sadd.s32 $0x40, s26  }
0xad: {  	[tilespmem:s12+$0xFFFFFF40] =	vst v40;
	v40 =	vperm.xlane v18, v11;
	v37 =	vmul.f32 v37, v31;
	v42 =	vld [tilespmem:s12+$0xA0]  }
0xae: {  	v28 =	vmul.f32 v28, v35;
	v35 =	vmul.f32 v38, v36;
	v36 =	vld [tilespmem:s12+$0x70];
	[tilespmem:s12+$0xE0] =	vst v32  }
0xaf: {  	v32 =	vperm.xlane v18, v6;
	v38 =	vld [tilespmem:s12+$0xFFFFFFE0];
	v33 =	vmul.f32 v33, v29;
	[tilespmem:s12+$0xC0] =	vst v39  }
0xb0: {  	v30 =	vmul.f32 v30, v34;
	[tilespmem:s12+$0xFFFFFF10] =	vst v28;
	v28 =	vperm.xlane v18, v7;
	v39 =	vld [tilespmem:s12+$0x40]  }
0xb1: {  	v43 =	vperm.xlane v18, v12;
	v23 =	vmul.f32 v23, v32;
	v34 =	vld [tilespmem:s12+$0xFFFFFF20];
	[tilespmem:s12+$0x90] =	vst v37  }
0xb2: {  	[tilespmem:s12+$0xFFFFFF50] =	vst v35;
	v35 =	vperm.xlane v18, v10;
	v37 =	vld [tilespmem:s12+$0x20];
	v29 =	vmul.f32 v42, v29  }
0xb3: {  	v32 =	vmul.f32 v41, v32;
	v41 =	vld [tilespmem:s12+$0x50];
	v36 =	vmul.f32 v36, v43;
	[tilespmem:s12+$0xD0] =	vst v30  }
0xb4: {  	v25 =	vmul.f32 v25, v31;
	v30 =	vperm.xlane v18, v8;
	v42 =	vld [tilespmem:s12+$0x30];
	[tilespmem:s12+$0xA0] =	vst v29  }
0xb5: {  	v26 =	vmul.f32 v26, v28;
	v29 =	vperm.xlane v18, v4;
	v31 =	vld [tilespmem:s12+$0x0];
	[tilespmem:s12+$0x70] =	vst v36  }
0xb6: {  	v27 =	vmul.f32 v27, v43;
	v24 =	vmul.f32 v24, v28;
	v28 =	vld [tilespmem:s12+$0x10];
	[tilespmem:s12+$0x80] =	vst v25  }
0xb7: {  	v36 =	vperm.xlane v18, v9;
	v39 =	vmul.f32 v39, v40;
	v25 =	vld [tilespmem:s12+$0xFFFFFF30];
	[tilespmem:s12+$0xB0] =	vst v33  }
0xb8: {  	v33 =	vperm.xlane v18, v2;
	v43 =	vld [tilespmem:s12+$0xFFFFFF70];
	[tilespmem:s12+$0xFFFFFFD0] =	vst v24;
	v40 =	vmul.f32 v41, v40  }
0xb9: {  	v20 =	vmul.f32 v20, v30;
	v24 =	vmul.f32 v38, v30;
	[tilespmem:s12+$0xFFFFFFC0] =	vst v26;
	v26 =	vld [tilespmem:s12+$0xF0]  }
0xba: {  	v38 =	vmul.f32 v42, v35;
	v30 =	vld [tilespmem:s12+$0xFFFFFF80];
	[tilespmem:s12+$0xFFFFFFA0] =	vst v23;
	v31 =	vmul.f32 v31, v36  }
0xbb: {  	v23 =	vld [tilespmem:s3+$0xFFFFFFA0];
	[tilespmem:s12+$0xFFFFFFF0] =	vst v20;
	v36 =	vmul.f32 v28, v36;
	v28 =	vmul.f32 v37, v35  }
0xbc: {  	v20 =	vmul.f32 v34, v33;
	v33 =	vmul.f32 v25, v33;
	[tilespmem:s12+$0x60] =	vst v27  }
0xbd: {  	v17 =	vmul.f32 v17, v29;
	v25 =	vmul.f32 v43, v29;
	[tilespmem:s12+$0xFFFFFFB0] =	vst v32  }
0xbe: {  	v18 =	vperm.xlane v18, v5;
	[tilespmem:s12+$0xFFFFFF20] =	vst v20;
	v20 =	vmul.f32 v26, v22  }
0xbf: {  	[tilespmem:s12+$0xFFFFFF60] =	vst v17  }
0xc0: {  	v22 =	vmul.f32 v30, v18;
	v17 =	vmul.f32 v19, v18;
	[tilespmem:s12+$0x40] =	vst v39  }
0xc1: {  	[tilespmem:s12+$0xFFFFFFE0] =	vst v24  }
0xc2: {  	[tilespmem:s12+$0xF0] =	vst v20  }
0xc3: {  	[tilespmem:s12+$0xFFFFFF90] =	vst v17  }
0xc4: {  	[tilespmem:s12+$0xFFFFFF70] =	vst v25  }
0xc5: {  	v20 =	vld [tilespmem:s3+$0xFFFFFFF0];
	[tilespmem:s12+$0x20] =	vst v28  }
0xc6: {  	v17 =	vld [tilespmem:s3+$0xFFFFFF60];
	[tilespmem:s12+$0x30] =	vst v38  }
0xc7: {  	v24 =	vld [tilespmem:s3+$0xFFFFFFD0];
	[tilespmem:s12+$0xFFFFFF80] =	vst v22  }
0xc8: {  	v25 =	vld [tilespmem:s3+$0x80];
	[tilespmem:s12+$0x50] =	vst v40  }
0xc9: {  	v28 =	vld [tilespmem:s3+$0xFFFFFF10];
	[tilespmem:s12+$0x0] =	vst v31  }
0xca: {  	v32 =	vld [tilespmem:s3+$0xE0];
	[tilespmem:s12+$0xFFFFFF30] =	vst v33  }
0xcb: {  	s25 =	sshra.s32 s25, $0x2;
	v27 =	vld [tilespmem:s3+$0xFFFFFF40];
	[tilespmem:s12+$0x10] =	vst v36;
	s12 =	smov.u32 s3  }
0xcc: {  	v18 =	vld.idx.msk [tilespmem:v21+s25+$0x0 ss:$0x1], $0xffff  }
0xcd: {  	v19 =	vld [tilespmem:s3+$0xFFFFFF90]  }
0xce: {  	v26 =	vld [tilespmem:s3+$0xFFFFFFC0]  }
0xcf: {  	v29 =	vld [tilespmem:s3+$0xFFFFFF00]  }
0xd0: {  	v30 =	vld [tilespmem:s3+$0xD0]  }
.Ltmp3:
0xd1: {  	v39 =	vld [tilespmem:s3+$0xC0];
	(pc) =	sbr.rel @p0 .LBB2_10-.Ltmp3, $4  }
0xd2: {  	v35 =	vperm.xlane v18, v1;
	v22 =	vperm.xlane v18, v16;
	v37 =	vld [tilespmem:s3+$0x90]  }
0xd3: {  	v36 =	vperm.xlane v18, v3;
	v34 =	vperm.xlane v18, v15;
	v38 =	vld [tilespmem:s3+$0xFFFFFF50]  }
0xd4: {  	v41 =	vmul.f32 v29, v35;
	v29 =	vperm.xlane v18, v14;
	v33 =	vld [tilespmem:s3+$0xB0]  }
0xd5: {  	v31 =	vperm.xlane v18, v13;
	v40 =	vmul.f32 v27, v36;
	v27 =	vld [tilespmem:s3+$0x60]  }
0xd6: {  	[tilespmem:s12+$0xFFFFFF00] =	vst v41;
	v21 =	vmul.f32 v32, v22  }
0xd7: {  	v54 =	vmul.f32 v39, v34;
	[tilespmem:s12+$0xFFFFFF40] =	vst v40  }
0xd8: {  	v28 =	vmul.f32 v28, v35;
	[tilespmem:s12+$0xE0] =	vst v21  }
0xd9: {  	v59 =	vmul.f32 v30, v34;
	[tilespmem:s12+$0xC0] =	vst v54  }
0xda: {  	v57 =	vmul.f32 v37, v31;
	[tilespmem:s12+$0xFFFFFF10] =	vst v28  }
0xdb: {  	v41 =	vperm.xlane v18, v7;
	v25 =	vmul.f32 v25, v31;
	[tilespmem:s12+$0xD0] =	vst v59  }
0xdc: {  	v36 =	vmul.f32 v38, v36;
	[tilespmem:s12+$0x90] =	vst v57  }
0xdd: {  	v45 =	vperm.xlane v18, v6;
	v24 =	vmul.f32 v24, v41;
	[tilespmem:s12+$0x80] =	vst v25  }
0xde: {  	v47 =	vperm.xlane v18, v8;
	v26 =	vmul.f32 v26, v41;
	[tilespmem:s12+$0xFFFFFF50] =	vst v36  }
0xdf: {  	v23 =	vmul.f32 v23, v45;
	[tilespmem:s12+$0xFFFFFFD0] =	vst v24  }
0xe0: {  	v55 =	vld [tilespmem:s12+$0xA0];
	v61 =	vperm.xlane v18, v12;
	v20 =	vmul.f32 v20, v47;
	[tilespmem:s12+$0xFFFFFFC0] =	vst v26  }
0xe1: {  	v56 =	vld [tilespmem:s12+$0x70];
	v54 =	vperm.xlane v18, v4;
	v43 =	vmul.f32 v33, v29;
	[tilespmem:s12+$0xFFFFFFA0] =	vst v23  }
0xe2: {  	v58 =	vld [tilespmem:s12+$0xFFFFFFB0];
	v59 =	vperm.xlane v18, v5;
	v27 =	vmul.f32 v27, v61;
	[tilespmem:s12+$0xFFFFFFF0] =	vst v20  }
0xe3: {  	v60 =	vld [tilespmem:s12+$0xFFFFFF20];
	v17 =	vmul.f32 v17, v54;
	[tilespmem:s12+$0xB0] =	vst v43  }
0xe4: {  	v62 =	vld [tilespmem:s12+$0xFFFFFFE0];
	v19 =	vmul.f32 v19, v59;
	[tilespmem:s12+$0x60] =	vst v27  }
0xe5: {  	v49 =	vld [tilespmem:s12+$0xFFFFFF70];
	v63 =	vmul.f32 v55, v29;
	[tilespmem:s12+$0xFFFFFF60] =	vst v17  }
0xe6: {  	v50 =	vld [tilespmem:s12+$0xFFFFFF80];
	v52 =	vperm.xlane v18, v2;
	v35 =	vmul.f32 v56, v61;
	[tilespmem:s12+$0xFFFFFF90] =	vst v19  }
0xe7: {  	v40 =	vld [tilespmem:s12+$0x40];
	v53 =	vmul.f32 v58, v45;
	[tilespmem:s12+$0xA0] =	vst v63  }
0xe8: {  	v55 =	vld [tilespmem:s12+$0xF0];
	v30 =	vmul.f32 v60, v52;
	[tilespmem:s12+$0x70] =	vst v35  }
0xe9: {  	v46 =	vld [tilespmem:s12+$0x30];
	v21 =	vmul.f32 v62, v47;
	[tilespmem:s12+$0xFFFFFFB0] =	vst v53  }
0xea: {  	v44 =	vld [tilespmem:s12+$0x20];
	v56 =	vperm.xlane v18, v11;
	v61 =	vmul.f32 v49, v54;
	[tilespmem:s12+$0xFFFFFF20] =	vst v30  }
0xeb: {  	v57 =	vld [tilespmem:s12+$0xFFFFFF30];
	v62 =	vmul.f32 v50, v59;
	[tilespmem:s12+$0xFFFFFFE0] =	vst v21  }
0xec: {  	v42 =	vld [tilespmem:s12+$0x50];
	v60 =	vperm.xlane v18, v10;
	v58 =	vmul.f32 v40, v56;
	[tilespmem:s12+$0xFFFFFF70] =	vst v61  }
0xed: {  	v48 =	vld [tilespmem:s12+$0x0];
	[tilespmem:s12+$0xFFFFFF80] =	vst v62;
	v17 =	vmul.f32 v55, v22  }
0xee: {  	v51 =	vld [tilespmem:s12+$0x10];
	v19 =	vmul.f32 v46, v60;
	[tilespmem:s12+$0x40] =	vst v58  }
0xef: {  	[tilespmem:s12+$0xF0] =	vst v17;
	v17 =	vmul.f32 v44, v60  }
0xf0: {  	v18 =	vperm.xlane v18, v9;
	v63 =	vmul.f32 v57, v52;
	[tilespmem:s12+$0x30] =	vst v19  }
0xf1: {  	[tilespmem:s12+$0x20] =	vst v17;
	v17 =	vmul.f32 v42, v56  }
0xf2: {  	v19 =	vmul.f32 v48, v18;
	[tilespmem:s12+$0xFFFFFF30] =	vst v63  }
0xf3: {  	[tilespmem:s12+$0x50] =	vst v17;
	v17 =	vmul.f32 v51, v18  }
0xf4: {  	[tilespmem:s12+$0x0] =	vst v19  }
0xf5: {  	s3 =	sadd.s32 $0xE80, s4;
	s0 =	sadd.s32 $0x1, s0;
	[tilespmem:s12+$0x10] =	vst v17  }
0xf6: {  	[spmem:s2] =	stream.indirect.scatter.add.f32 [tilespmem:s18], [sflag:$0x4], $0x20, s3, s16, $0xb8;
	[tilespmem:$0x1FF80] =	vst v63  }
0xf7: {  	p0 =	sne.s32 s0, $0xE;
	_ =	swait.ge [sflag:s21], $0x1000  }
.Ltmp4:
0xf8: {  	[sflag:s21] =	ssyncset.done $0x0;
	(pc) =	sbr.rel @p0 .LBB2_7-.Ltmp4, $4  }
0xf9: {  	[sflag:s21] =	ssyncadd.s32 $0xFFFFF000  }
0xfa: {  	_ =	swait.ge [sflag:s22], $0x1000  }
0xfb: {  	[sflag:s22] =	ssyncset.done $0x0  }
0xfc: {  	s30 =	sadd.s32 $0x100, s30;
	s31 =	sadd.s32 $0x100, s31;
	[sflag:s22] =	ssyncadd.s32 $0xFFFFF000  }
0xfd: {  	s29 =	sadd.s32 $0x1, s29  }
0xfe: {  	p0 =	sne.s32 s29, $0xE  }
.Ltmp5:
0xff: {  	_ = 	snop;
	(pc) =	sbr.rel @p0 .LBB2_6-.Ltmp5, $1  }
0x100: {  	_ =	sdelay $0x3  }
0x101: {  	s0 =	stileid.u32  }
0x102: {  	[bflag:$0x0] =	sbarrier.arrive $0xFFFF;
	s0 =	sshll.u32 s0, $0x6  }
0x103: {  	s3 =	sadd.s32 $0x0, s23;
	s4 =	sshrl.u32 s13, $0x3;
	s0 =	sor.u32 $0x1C05, s0  }
0x104: {  	[hbm:s3], [sflag:s0] =	dma.local [spmem:s4], $0x1F4  }
0x105: {  	s3 =	simm.s32 $0x1F4;
	s4 =	sadd.s32 $0xFA0, s13;
	_ =	swait.ge [sflag:s15], $0x1F4  }
.LBB2_14:
0x106: {  	s12 =	sadd.s32 s3, s23;
	[sflag:s15] =	ssyncset.done $0x0;
	p0 =	sne.s32 s3, $0x2EE0  }
.Ltmp6:
0x107: {  	s25 =	sshrl.u32 s4, $0x3;
	[sflag:s15] =	ssyncadd.s32 $0xFFFFFE0C;
	(pc) =	sbr.rel @p0 .LBB2_14-.Ltmp6, $3  }
0x108: {  	[hbm:s12], [sflag:s0] =	dma.local [spmem:s25], $0x1F4  }
0x109: {  	s3 =	sadd.s32 $0x1F4, s3;
	_ =	sdelay $0x1  }
0x10a: {  	s4 =	sadd.s32 $0xFA0, s4;
	_ =	swait.ge [sflag:s15], $0x1F4  }
0x10b: {  	[sflag:s15] =	ssyncset.done $0x0  }
0x10c: {  	s0 =	sadd.s32 $0x0, s13;
	[sflag:s15] =	ssyncadd.s32 $0xFFFFFE0C  }
0x10d: {  	[spmem:s0] =	stream.linear.scatter [tilespmem:s14], [sflag:$0x5], $0xFA0, $0x38;
	[tilespmem:$0x1FF80] =	vst v63  }
0x10e: {  	s0 =	simm.s32 $0x3E80;
	_ =	swait.ge [sflag:s15], $0xFA0  }
.LBB2_16:
0x10f: {  	s3 =	sshra.s32 s0, $0x2;
	[sflag:s15] =	ssyncset.done $0x0;
	p0 =	sne.s32 s0, $0x5DC00  }
.Ltmp7:
0x110: {  	s3 =	sadd.s32 s3, s13;
	[sflag:s15] =	ssyncadd.s32 $0xFFFFF060;
	(pc) =	sbr.rel @p0 .LBB2_16-.Ltmp7, $3  }
0x111: {  	[spmem:s3] =	stream.linear.scatter [tilespmem:s14], [sflag:$0x5], $0xFA0, $0x38;
	[tilespmem:$0x1FF80] =	vst v63  }
0x112: {  	s0 =	sadd.s32 $0x3E80, s0;
	_ =	sdelay $0x1  }
0x113: {  	_ =	swait.ge [sflag:s15], $0xFA0  }
0x114: {  	[sflag:s15] =	ssyncset.done $0x0  }
0x115: {  	[sflag:s15] =	ssyncadd.s32 $0xFFFFF060  }
0x116: {  	s28 =	simm.s32 $0x0;
	s29 =	simm.s32 $0x0;
	[bflag:$0x0] =	sbarrier.arrive $0xFFFF  }
.LBB2_18:
0x117: {  	s0 =	smul.u32 $0x1C00, s29;
	_ =	sdelay $0x1  }
0x118: {  	s0 =	sadd.s32 s7, s0  }
0x119: {  	s0 =	sshrl.u32 s0, $0x3  }
0x11a: {  	s3 =	smul.u32 $0xE00, s29;
	s0 =	sadd.s32 s1, s0  }
0x11b: {  	[tilespmem:s28], [sflag:$0x5] =	stream.linear.gather [hbm4b:s0+s28], $0x1C00, $0x38;
	[tilespmem:$0x1FF80] =	vst v63  }
0x11c: {  	s26 =	sadd.s32 s8, s3;
	_ =	swait.ge [sflag:s15], $0x1C00  }
0x11d: {  	s0 =	sshrl.u32 s26, $0x3;
	[sflag:s15] =	ssyncset.done $0x0  }
0x11e: {  	s30 =	simm.s32 $0x1C00;
	s0 =	sadd.s32 s6, s0;
	[sflag:s15] =	ssyncadd.s32 $0xFFFFE400  }
0x11f: {  	[tilespmem:s30], [sflag:$0x5] =	stream.linear.gather [hbm4b:s0+s28], $0xE00, $0x38;
	[tilespmem:$0x1FF80] =	vst v63  }
0x120: {  	_ =	swait.ge [sflag:s15], $0xE00  }
0x121: {  	[sflag:s15] =	ssyncset.done $0x0  }
0x122: {  	s31 =	simm.s32 $0x1C80;
	s0 =	simm.s32 $0x0;
	[sflag:s15] =	ssyncadd.s32 $0xFFFFF200  }
.LBB2_19:
0x123: {  	s3 =	sshll.u32 s0, $0x8  }
0x124: {  	s4 =	sand.u32 $0x3FFFFF00, s3  }
0x125: {  	[tilespmem:s17], [sflag:$0x1] =	stream.indirect.gather [hbm4b:s10+s16], $0x20, s4, s16, $0xb8;
	[tilespmem:$0x1FF80] =	vst v63  }
0x126: {  	s3 =	sor.u32 $0x80, s3  }
0x127: {  	[tilespmem:s18], [sflag:$0x2] =	stream.indirect.gather [hbm4b:s10+s16], $0x20, s3, s16, $0xb8;
	[tilespmem:$0x1FF80] =	vst v63  }
0x128: {  	_ =	swait.ge [sflag:s19], $0x1000  }
0x129: {  	[sflag:s19] =	ssyncset.done $0x0  }
0x12a: {  	s12 =	simm.s32 $0x2B00;
	[sflag:s19] =	ssyncadd.s32 $0xFFFFF000  }
0x12b: {  	v23 =	vld [tilespmem:s12+$0xFFFFFFA0]  }
0x12c: {  	v20 =	vld [tilespmem:s12+$0xFFFFFFF0]  }
0x12d: {  	v17 =	vld [tilespmem:s12+$0xFFFFFF60]  }
0x12e: {  	v21 =	vmov s30;
	v24 =	vld [tilespmem:s12+$0xFFFFFFD0]  }
0x12f: {  	v25 =	vld [tilespmem:s12+$0x80]  }
0x130: {  	v28 =	vld [tilespmem:s12+$0xFFFFFF10]  }
0x131: {  	v32 =	vld [tilespmem:s12+$0xE0]  }
0x132: {  	s26 =	simm.s32 $0x0;
	v27 =	vld [tilespmem:s12+$0xFFFFFF40]  }
0x133: {  	v18 =	vld.idx.msk [tilespmem:v21+s26+$0x0 ss:$0x1], $0xffff  }
0x134: {  	v19 =	vld [tilespmem:s12+$0xFFFFFF90]  }
0x135: {  	v26 =	vld [tilespmem:s12+$0xFFFFFFC0]  }
0x136: {  	v29 =	vld [tilespmem:s12+$0xFFFFFF00]  }
0x137: {  	v30 =	vld [tilespmem:s12+$0xD0]  }
0x138: {  	v39 =	vld [tilespmem:s12+$0xC0]  }
0x139: {  	v37 =	vld [tilespmem:s12+$0x90];
	v35 =	vperm.xlane v18, v1;
	v22 =	vperm.xlane v18, v16  }
0x13a: {  	v38 =	vld [tilespmem:s12+$0xFFFFFF50];
	v36 =	vperm.xlane v18, v3;
	v34 =	vperm.xlane v18, v15  }
0x13b: {  	v33 =	vld [tilespmem:s12+$0xB0];
	v31 =	vperm.xlane v18, v13;
	v41 =	vmul.f32 v29, v35  }
0x13c: {  	s3 =	simm.s32 $0x2B00;
	s26 =	simm.s32 $0x40;
	v29 =	vperm.xlane v18, v14;
	v40 =	vmul.f32 v27, v36;
	v27 =	vld [tilespmem:s12+$0x60]  }
.LBB2_20:
0x13d: {  	p0 =	sne.s32 s26, $0x1C0  }
0x13e: {  	[tilespmem:s12+$0xFFFFFF00] =	vst v41;
	v41 =	vld [tilespmem:s12+$0xFFFFFFB0];
	v39 =	vmul.f32 v39, v34;
	v32 =	vmul.f32 v32, v22;
	s3 =	sadd.s32 $0x200, s3;
	s25 =	smov.u32 s26;
	s26 =	sadd.s32 $0x40, s26  }
0x13f: {  	[tilespmem:s12+$0xFFFFFF40] =	vst v40;
	v40 =	vperm.xlane v18, v11;
	v37 =	vmul.f32 v37, v31;
	v42 =	vld [tilespmem:s12+$0xA0]  }
0x140: {  	v28 =	vmul.f32 v28, v35;
	v35 =	vmul.f32 v38, v36;
	v36 =	vld [tilespmem:s12+$0x70];
	[tilespmem:s12+$0xE0] =	vst v32  }
0x141: {  	v32 =	vperm.xlane v18, v6;
	v38 =	vld [tilespmem:s12+$0xFFFFFFE0];
	v33 =	vmul.f32 v33, v29;
	[tilespmem:s12+$0xC0] =	vst v39  }
0x142: {  	v30 =	vmul.f32 v30, v34;
	[tilespmem:s12+$0xFFFFFF10] =	vst v28;
	v28 =	vperm.xlane v18, v7;
	v39 =	vld [tilespmem:s12+$0x40]  }
0x143: {  	v43 =	vperm.xlane v18, v12;
	v23 =	vmul.f32 v23, v32;
	v34 =	vld [tilespmem:s12+$0xFFFFFF20];
	[tilespmem:s12+$0x90] =	vst v37  }
0x144: {  	[tilespmem:s12+$0xFFFFFF50] =	vst v35;
	v35 =	vperm.xlane v18, v10;
	v37 =	vld [tilespmem:s12+$0x20];
	v29 =	vmul.f32 v42, v29  }
0x145: {  	v32 =	vmul.f32 v41, v32;
	v41 =	vld [tilespmem:s12+$0x50];
	v36 =	vmul.f32 v36, v43;
	[tilespmem:s12+$0xD0] =	vst v30  }
0x146: {  	v25 =	vmul.f32 v25, v31;
	v30 =	vperm.xlane v18, v8;
	v42 =	vld [tilespmem:s12+$0x30];
	[tilespmem:s12+$0xA0] =	vst v29  }
0x147: {  	v26 =	vmul.f32 v26, v28;
	v29 =	vperm.xlane v18, v4;
	v31 =	vld [tilespmem:s12+$0x0];
	[tilespmem:s12+$0x70] =	vst v36  }
0x148: {  	v27 =	vmul.f32 v27, v43;
	v24 =	vmul.f32 v24, v28;
	v28 =	vld [tilespmem:s12+$0x10];
	[tilespmem:s12+$0x80] =	vst v25  }
0x149: {  	v36 =	vperm.xlane v18, v9;
	v39 =	vmul.f32 v39, v40;
	v25 =	vld [tilespmem:s12+$0xFFFFFF30];
	[tilespmem:s12+$0xB0] =	vst v33  }
0x14a: {  	v33 =	vperm.xlane v18, v2;
	v43 =	vld [tilespmem:s12+$0xFFFFFF70];
	[tilespmem:s12+$0xFFFFFFD0] =	vst v24;
	v40 =	vmul.f32 v41, v40  }
0x14b: {  	v20 =	vmul.f32 v20, v30;
	v24 =	vmul.f32 v38, v30;
	[tilespmem:s12+$0xFFFFFFC0] =	vst v26;
	v26 =	vld [tilespmem:s12+$0xF0]  }
0x14c: {  	v38 =	vmul.f32 v42, v35;
	v30 =	vld [tilespmem:s12+$0xFFFFFF80];
	[tilespmem:s12+$0xFFFFFFA0] =	vst v23;
	v31 =	vmul.f32 v31, v36  }
0x14d: {  	v23 =	vld [tilespmem:s3+$0xFFFFFFA0];
	[tilespmem:s12+$0xFFFFFFF0] =	vst v20;
	v36 =	vmul.f32 v28, v36;
	v28 =	vmul.f32 v37, v35  }
0x14e: {  	v20 =	vmul.f32 v34, v33;
	v33 =	vmul.f32 v25, v33;
	[tilespmem:s12+$0x60] =	vst v27  }
0x14f: {  	v17 =	vmul.f32 v17, v29;
	v25 =	vmul.f32 v43, v29;
	[tilespmem:s12+$0xFFFFFFB0] =	vst v32  }
0x150: {  	v18 =	vperm.xlane v18, v5;
	[tilespmem:s12+$0xFFFFFF20] =	vst v20;
	v20 =	vmul.f32 v26, v22  }
0x151: {  	[tilespmem:s12+$0xFFFFFF60] =	vst v17  }
0x152: {  	v22 =	vmul.f32 v30, v18;
	v17 =	vmul.f32 v19, v18;
	[tilespmem:s12+$0x40] =	vst v39  }
0x153: {  	[tilespmem:s12+$0xFFFFFFE0] =	vst v24  }
0x154: {  	[tilespmem:s12+$0xF0] =	vst v20  }
0x155: {  	[tilespmem:s12+$0xFFFFFF90] =	vst v17  }
0x156: {  	[tilespmem:s12+$0xFFFFFF70] =	vst v25  }
0x157: {  	v20 =	vld [tilespmem:s3+$0xFFFFFFF0];
	[tilespmem:s12+$0x20] =	vst v28  }
0x158: {  	v17 =	vld [tilespmem:s3+$0xFFFFFF60];
	[tilespmem:s12+$0x30] =	vst v38  }
0x159: {  	v24 =	vld [tilespmem:s3+$0xFFFFFFD0];
	[tilespmem:s12+$0xFFFFFF80] =	vst v22  }
0x15a: {  	v25 =	vld [tilespmem:s3+$0x80];
	[tilespmem:s12+$0x50] =	vst v40  }
0x15b: {  	v28 =	vld [tilespmem:s3+$0xFFFFFF10];
	[tilespmem:s12+$0x0] =	vst v31  }
0x15c: {  	v32 =	vld [tilespmem:s3+$0xE0];
	[tilespmem:s12+$0xFFFFFF30] =	vst v33  }
0x15d: {  	s25 =	sshra.s32 s25, $0x2;
	v27 =	vld [tilespmem:s3+$0xFFFFFF40];
	[tilespmem:s12+$0x10] =	vst v36;
	s12 =	smov.u32 s3  }
0x15e: {  	v18 =	vld.idx.msk [tilespmem:v21+s25+$0x0 ss:$0x1], $0xffff  }
0x15f: {  	v19 =	vld [tilespmem:s3+$0xFFFFFF90]  }
0x160: {  	v26 =	vld [tilespmem:s3+$0xFFFFFFC0]  }
0x161: {  	v29 =	vld [tilespmem:s3+$0xFFFFFF00]  }
0x162: {  	v30 =	vld [tilespmem:s3+$0xD0]  }
.Ltmp8:
0x163: {  	v39 =	vld [tilespmem:s3+$0xC0];
	(pc) =	sbr.rel @p0 .LBB2_20-.Ltmp8, $4  }
0x164: {  	v35 =	vperm.xlane v18, v1;
	v22 =	vperm.xlane v18, v16;
	v37 =	vld [tilespmem:s3+$0x90]  }
0x165: {  	v36 =	vperm.xlane v18, v3;
	v34 =	vperm.xlane v18, v15;
	v38 =	vld [tilespmem:s3+$0xFFFFFF50]  }
0x166: {  	v41 =	vmul.f32 v29, v35;
	v29 =	vperm.xlane v18, v14;
	v33 =	vld [tilespmem:s3+$0xB0]  }
0x167: {  	v31 =	vperm.xlane v18, v13;
	v40 =	vmul.f32 v27, v36;
	v27 =	vld [tilespmem:s3+$0x60]  }
0x168: {  	[tilespmem:s12+$0xFFFFFF00] =	vst v41;
	v21 =	vmul.f32 v32, v22  }
0x169: {  	v51 =	vmul.f32 v39, v34;
	[tilespmem:s12+$0xFFFFFF40] =	vst v40  }
0x16a: {  	v28 =	vmul.f32 v28, v35;
	[tilespmem:s12+$0xE0] =	vst v21  }
0x16b: {  	v25 =	vmul.f32 v25, v31;
	[tilespmem:s12+$0xC0] =	vst v51  }
0x16c: {  	v21 =	vmul.f32 v37, v31;
	[tilespmem:s12+$0xFFFFFF10] =	vst v28  }
0x16d: {  	v52 =	vld [tilespmem:s12+$0xA0];
	v59 =	vperm.xlane v18, v6;
	v36 =	vmul.f32 v38, v36;
	[tilespmem:s12+$0x80] =	vst v25  }
0x16e: {  	v53 =	vld [tilespmem:s12+$0x70];
	v62 =	vperm.xlane v18, v4;
	v28 =	vmul.f32 v30, v34;
	[tilespmem:s12+$0x90] =	vst v21  }
0x16f: {  	v55 =	vperm.xlane v18, v12;
	v23 =	vmul.f32 v23, v59;
	[tilespmem:s12+$0xFFFFFF50] =	vst v36  }
0x170: {  	v17 =	vmul.f32 v17, v62;
	[tilespmem:s12+$0xD0] =	vst v28  }
0x171: {  	v54 =	vld [tilespmem:s12+$0xFFFFFFB0];
	v27 =	vmul.f32 v27, v55;
	[tilespmem:s12+$0xFFFFFFA0] =	vst v23  }
0x172: {  	v63 =	vld [tilespmem:s12+$0xF0];
	[tilespmem:s12+$0xFFFFFF60] =	vst v17;
	v56 =	vmul.f32 v52, v29  }
0x173: {  	v25 =	vperm.xlane v18, v8;
	v35 =	vmul.f32 v53, v55;
	[tilespmem:s12+$0x60] =	vst v27  }
0x174: {  	v29 =	vmul.f32 v33, v29;
	[tilespmem:s12+$0xA0] =	vst v56  }
0x175: {  	v30 =	vld [tilespmem:s12+$0xFFFFFF20];
	v20 =	vmul.f32 v20, v25;
	[tilespmem:s12+$0x70] =	vst v35  }
0x176: {  	v31 =	vld [tilespmem:s12+$0x20];
	v28 =	vperm.xlane v18, v7;
	v23 =	vmul.f32 v54, v59;
	[tilespmem:s12+$0xB0] =	vst v29  }
0x177: {  	v57 =	vld [tilespmem:s12+$0x40];
	v17 =	vmul.f32 v63, v22;
	[tilespmem:s12+$0xFFFFFFF0] =	vst v20  }
0x178: {  	v61 =	vperm.xlane v18, v2;
	v21 =	vld [tilespmem:s12+$0xFFFFFFE0];
	v24 =	vmul.f32 v24, v28;
	[tilespmem:s12+$0xFFFFFFB0] =	vst v23  }
0x179: {  	v58 =	vld [tilespmem:s12+$0x50];
	v22 =	vperm.xlane v18, v10;
	v26 =	vmul.f32 v26, v28;
	[tilespmem:s12+$0xF0] =	vst v17  }
0x17a: {  	v20 =	vperm.xlane v18, v11;
	v30 =	vmul.f32 v30, v61;
	[tilespmem:s12+$0xFFFFFFD0] =	vst v24  }
0x17b: {  	v27 =	vld [tilespmem:s12+$0xFFFFFF30];
	v17 =	vmul.f32 v31, v22;
	[tilespmem:s12+$0xFFFFFFC0] =	vst v26  }
0x17c: {  	v29 =	vld [tilespmem:s12+$0xFFFFFF70];
	v23 =	vmul.f32 v57, v20;
	[tilespmem:s12+$0xFFFFFF20] =	vst v30  }
0x17d: {  	v60 =	vld [tilespmem:s12+$0x30];
	v21 =	vmul.f32 v21, v25;
	v25 =	vperm.xlane v18, v5;
	[tilespmem:s12+$0x20] =	vst v17  }
0x17e: {  	v26 =	vld [tilespmem:s12+$0x10];
	v17 =	vmul.f32 v58, v20;
	[tilespmem:s12+$0x40] =	vst v23  }
0x17f: {  	v24 =	vld [tilespmem:s12+$0xFFFFFF80];
	v19 =	vmul.f32 v19, v25;
	[tilespmem:s12+$0xFFFFFFE0] =	vst v21  }
0x180: {  	v28 =	vld [tilespmem:s12+$0x0];
	v20 =	vmul.f32 v27, v61;
	[tilespmem:s12+$0x50] =	vst v17  }
0x181: {  	v18 =	vperm.xlane v18, v9;
	v21 =	vmul.f32 v29, v62;
	[tilespmem:s12+$0xFFFFFF90] =	vst v19  }
0x182: {  	v19 =	vmul.f32 v60, v22;
	[tilespmem:s12+$0xFFFFFF30] =	vst v20  }
0x183: {  	v17 =	vmul.f32 v26, v18;
	[tilespmem:s12+$0xFFFFFF70] =	vst v21  }
0x184: {  	v21 =	vmul.f32 v24, v25;
	[tilespmem:s12+$0x30] =	vst v19  }
0x185: {  	v19 =	vmul.f32 v28, v18;
	[tilespmem:s12+$0x10] =	vst v17  }
0x186: {  	[tilespmem:s12+$0xFFFFFF80] =	vst v21  }
0x187: {  	s3 =	sadd.s32 $0xE00, s4;
	[tilespmem:s12+$0x0] =	vst v19  }
0x188: {  	[spmem:s2] =	stream.indirect.scatter.add.f32 [tilespmem:s17], [sflag:$0x3], $0x20, s3, s16, $0xb8;
	[tilespmem:$0x1FF80] =	vst v63  }
0x189: {  	_ =	swait.ge [sflag:s20], $0x1000  }
0x18a: {  	[sflag:s20] =	ssyncset.done $0x0  }
0x18b: {  	s12 =	simm.s32 $0x3B00;
	[sflag:s20] =	ssyncadd.s32 $0xFFFFF000  }
0x18c: {  	v23 =	vld [tilespmem:s12+$0xFFFFFFA0]  }
0x18d: {  	v20 =	vld [tilespmem:s12+$0xFFFFFFF0]  }
0x18e: {  	v17 =	vld [tilespmem:s12+$0xFFFFFF60]  }
0x18f: {  	v21 =	vmov s31;
	v24 =	vld [tilespmem:s12+$0xFFFFFFD0]  }
0x190: {  	v25 =	vld [tilespmem:s12+$0x80]  }
0x191: {  	v28 =	vld [tilespmem:s12+$0xFFFFFF10]  }
0x192: {  	v32 =	vld [tilespmem:s12+$0xE0]  }
0x193: {  	s26 =	simm.s32 $0x0;
	v27 =	vld [tilespmem:s12+$0xFFFFFF40]  }
0x194: {  	v18 =	vld.idx.msk [tilespmem:v21+s26+$0x0 ss:$0x1], $0xffff  }
0x195: {  	v19 =	vld [tilespmem:s12+$0xFFFFFF90]  }
0x196: {  	v26 =	vld [tilespmem:s12+$0xFFFFFFC0]  }
0x197: {  	v29 =	vld [tilespmem:s12+$0xFFFFFF00]  }
0x198: {  	v30 =	vld [tilespmem:s12+$0xD0]  }
0x199: {  	v39 =	vld [tilespmem:s12+$0xC0]  }
0x19a: {  	v37 =	vld [tilespmem:s12+$0x90];
	v35 =	vperm.xlane v18, v1;
	v22 =	vperm.xlane v18, v16  }
0x19b: {  	v38 =	vld [tilespmem:s12+$0xFFFFFF50];
	v36 =	vperm.xlane v18, v3;
	v34 =	vperm.xlane v18, v15  }
0x19c: {  	v33 =	vld [tilespmem:s12+$0xB0];
	v31 =	vperm.xlane v18, v13;
	v41 =	vmul.f32 v29, v35  }
0x19d: {  	s3 =	simm.s32 $0x3B00;
	s26 =	simm.s32 $0x40;
	v29 =	vperm.xlane v18, v14;
	v40 =	vmul.f32 v27, v36;
	v27 =	vld [tilespmem:s12+$0x60]  }
.LBB2_22:
0x19e: {  	p0 =	sne.s32 s26, $0x1C0  }
0x19f: {  	[tilespmem:s12+$0xFFFFFF00] =	vst v41;
	v41 =	vld [tilespmem:s12+$0xFFFFFFB0];
	v39 =	vmul.f32 v39, v34;
	v32 =	vmul.f32 v32, v22;
	s3 =	sadd.s32 $0x200, s3;
	s25 =	smov.u32 s26;
	s26 =	sadd.s32 $0x40, s26  }
0x1a0: {  	[tilespmem:s12+$0xFFFFFF40] =	vst v40;
	v40 =	vperm.xlane v18, v11;
	v37 =	vmul.f32 v37, v31;
	v42 =	vld [tilespmem:s12+$0xA0]  }
0x1a1: {  	v28 =	vmul.f32 v28, v35;
	v35 =	vmul.f32 v38, v36;
	v36 =	vld [tilespmem:s12+$0x70];
	[tilespmem:s12+$0xE0] =	vst v32  }
0x1a2: {  	v32 =	vperm.xlane v18, v6;
	v38 =	vld [tilespmem:s12+$0xFFFFFFE0];
	v33 =	vmul.f32 v33, v29;
	[tilespmem:s12+$0xC0] =	vst v39  }
0x1a3: {  	v30 =	vmul.f32 v30, v34;
	[tilespmem:s12+$0xFFFFFF10] =	vst v28;
	v28 =	vperm.xlane v18, v7;
	v39 =	vld [tilespmem:s12+$0x40]  }
0x1a4: {  	v43 =	vperm.xlane v18, v12;
	v23 =	vmul.f32 v23, v32;
	v34 =	vld [tilespmem:s12+$0xFFFFFF20];
	[tilespmem:s12+$0x90] =	vst v37  }
0x1a5: {  	[tilespmem:s12+$0xFFFFFF50] =	vst v35;
	v35 =	vperm.xlane v18, v10;
	v37 =	vld [tilespmem:s12+$0x20];
	v29 =	vmul.f32 v42, v29  }
0x1a6: {  	v32 =	vmul.f32 v41, v32;
	v41 =	vld [tilespmem:s12+$0x50];
	v36 =	vmul.f32 v36, v43;
	[tilespmem:s12+$0xD0] =	vst v30  }
0x1a7: {  	v25 =	vmul.f32 v25, v31;
	v30 =	vperm.xlane v18, v8;
	v42 =	vld [tilespmem:s12+$0x30];
	[tilespmem:s12+$0xA0] =	vst v29  }
0x1a8: {  	v26 =	vmul.f32 v26, v28;
	v29 =	vperm.xlane v18, v4;
	v31 =	vld [tilespmem:s12+$0x0];
	[tilespmem:s12+$0x70] =	vst v36  }
0x1a9: {  	v27 =	vmul.f32 v27, v43;
	v24 =	vmul.f32 v24, v28;
	v28 =	vld [tilespmem:s12+$0x10];
	[tilespmem:s12+$0x80] =	vst v25  }
0x1aa: {  	v36 =	vperm.xlane v18, v9;
	v39 =	vmul.f32 v39, v40;
	v25 =	vld [tilespmem:s12+$0xFFFFFF30];
	[tilespmem:s12+$0xB0] =	vst v33  }
0x1ab: {  	v33 =	vperm.xlane v18, v2;
	v43 =	vld [tilespmem:s12+$0xFFFFFF70];
	[tilespmem:s12+$0xFFFFFFD0] =	vst v24;
	v40 =	vmul.f32 v41, v40  }
0x1ac: {  	v20 =	vmul.f32 v20, v30;
	v24 =	vmul.f32 v38, v30;
	[tilespmem:s12+$0xFFFFFFC0] =	vst v26;
	v26 =	vld [tilespmem:s12+$0xF0]  }
0x1ad: {  	v38 =	vmul.f32 v42, v35;
	v30 =	vld [tilespmem:s12+$0xFFFFFF80];
	[tilespmem:s12+$0xFFFFFFA0] =	vst v23;
	v31 =	vmul.f32 v31, v36  }
0x1ae: {  	v23 =	vld [tilespmem:s3+$0xFFFFFFA0];
	[tilespmem:s12+$0xFFFFFFF0] =	vst v20;
	v36 =	vmul.f32 v28, v36;
	v28 =	vmul.f32 v37, v35  }
0x1af: {  	v20 =	vmul.f32 v34, v33;
	v33 =	vmul.f32 v25, v33;
	[tilespmem:s12+$0x60] =	vst v27  }
0x1b0: {  	v17 =	vmul.f32 v17, v29;
	v25 =	vmul.f32 v43, v29;
	[tilespmem:s12+$0xFFFFFFB0] =	vst v32  }
0x1b1: {  	v18 =	vperm.xlane v18, v5;
	[tilespmem:s12+$0xFFFFFF20] =	vst v20;
	v20 =	vmul.f32 v26, v22  }
0x1b2: {  	[tilespmem:s12+$0xFFFFFF60] =	vst v17  }
0x1b3: {  	v22 =	vmul.f32 v30, v18;
	v17 =	vmul.f32 v19, v18;
	[tilespmem:s12+$0x40] =	vst v39  }
0x1b4: {  	[tilespmem:s12+$0xFFFFFFE0] =	vst v24  }
0x1b5: {  	[tilespmem:s12+$0xF0] =	vst v20  }
0x1b6: {  	[tilespmem:s12+$0xFFFFFF90] =	vst v17  }
0x1b7: {  	[tilespmem:s12+$0xFFFFFF70] =	vst v25  }
0x1b8: {  	v20 =	vld [tilespmem:s3+$0xFFFFFFF0];
	[tilespmem:s12+$0x20] =	vst v28  }
0x1b9: {  	v17 =	vld [tilespmem:s3+$0xFFFFFF60];
	[tilespmem:s12+$0x30] =	vst v38  }
0x1ba: {  	v24 =	vld [tilespmem:s3+$0xFFFFFFD0];
	[tilespmem:s12+$0xFFFFFF80] =	vst v22  }
0x1bb: {  	v25 =	vld [tilespmem:s3+$0x80];
	[tilespmem:s12+$0x50] =	vst v40  }
0x1bc: {  	v28 =	vld [tilespmem:s3+$0xFFFFFF10];
	[tilespmem:s12+$0x0] =	vst v31  }
0x1bd: {  	v32 =	vld [tilespmem:s3+$0xE0];
	[tilespmem:s12+$0xFFFFFF30] =	vst v33  }
0x1be: {  	s25 =	sshra.s32 s25, $0x2;
	v27 =	vld [tilespmem:s3+$0xFFFFFF40];
	[tilespmem:s12+$0x10] =	vst v36;
	s12 =	smov.u32 s3  }
0x1bf: {  	v18 =	vld.idx.msk [tilespmem:v21+s25+$0x0 ss:$0x1], $0xffff  }
0x1c0: {  	v19 =	vld [tilespmem:s3+$0xFFFFFF90]  }
0x1c1: {  	v26 =	vld [tilespmem:s3+$0xFFFFFFC0]  }
0x1c2: {  	v29 =	vld [tilespmem:s3+$0xFFFFFF00]  }
0x1c3: {  	v30 =	vld [tilespmem:s3+$0xD0]  }
.Ltmp9:
0x1c4: {  	v39 =	vld [tilespmem:s3+$0xC0];
	(pc) =	sbr.rel @p0 .LBB2_22-.Ltmp9, $4  }
0x1c5: {  	v35 =	vperm.xlane v18, v1;
	v22 =	vperm.xlane v18, v16;
	v37 =	vld [tilespmem:s3+$0x90]  }
0x1c6: {  	v36 =	vperm.xlane v18, v3;
	v34 =	vperm.xlane v18, v15;
	v38 =	vld [tilespmem:s3+$0xFFFFFF50]  }
0x1c7: {  	v41 =	vmul.f32 v29, v35;
	v29 =	vperm.xlane v18, v14;
	v33 =	vld [tilespmem:s3+$0xB0]  }
0x1c8: {  	v31 =	vperm.xlane v18, v13;
	v40 =	vmul.f32 v27, v36;
	v27 =	vld [tilespmem:s3+$0x60]  }
0x1c9: {  	[tilespmem:s12+$0xFFFFFF00] =	vst v41;
	v21 =	vmul.f32 v32, v22  }
0x1ca: {  	v54 =	vmul.f32 v39, v34;
	[tilespmem:s12+$0xFFFFFF40] =	vst v40  }
0x1cb: {  	v28 =	vmul.f32 v28, v35;
	[tilespmem:s12+$0xE0] =	vst v21  }
0x1cc: {  	v59 =	vmul.f32 v30, v34;
	[tilespmem:s12+$0xC0] =	vst v54  }
0x1cd: {  	v57 =	vmul.f32 v37, v31;
	[tilespmem:s12+$0xFFFFFF10] =	vst v28  }
0x1ce: {  	v41 =	vperm.xlane v18, v7;
	v25 =	vmul.f32 v25, v31;
	[tilespmem:s12+$0xD0] =	vst v59  }
0x1cf: {  	v36 =	vmul.f32 v38, v36;
	[tilespmem:s12+$0x90] =	vst v57  }
0x1d0: {  	v45 =	vperm.xlane v18, v6;
	v24 =	vmul.f32 v24, v41;
	[tilespmem:s12+$0x80] =	vst v25  }
0x1d1: {  	v47 =	vperm.xlane v18, v8;
	v26 =	vmul.f32 v26, v41;
	[tilespmem:s12+$0xFFFFFF50] =	vst v36  }
0x1d2: {  	v23 =	vmul.f32 v23, v45;
	[tilespmem:s12+$0xFFFFFFD0] =	vst v24  }
0x1d3: {  	v55 =	vld [tilespmem:s12+$0xA0];
	v61 =	vperm.xlane v18, v12;
	v20 =	vmul.f32 v20, v47;
	[tilespmem:s12+$0xFFFFFFC0] =	vst v26  }
0x1d4: {  	v56 =	vld [tilespmem:s12+$0x70];
	v54 =	vperm.xlane v18, v4;
	v43 =	vmul.f32 v33, v29;
	[tilespmem:s12+$0xFFFFFFA0] =	vst v23  }
0x1d5: {  	v58 =	vld [tilespmem:s12+$0xFFFFFFB0];
	v59 =	vperm.xlane v18, v5;
	v27 =	vmul.f32 v27, v61;
	[tilespmem:s12+$0xFFFFFFF0] =	vst v20  }
0x1d6: {  	v60 =	vld [tilespmem:s12+$0xFFFFFF20];
	v17 =	vmul.f32 v17, v54;
	[tilespmem:s12+$0xB0] =	vst v43  }
0x1d7: {  	v62 =	vld [tilespmem:s12+$0xFFFFFFE0];
	v19 =	vmul.f32 v19, v59;
	[tilespmem:s12+$0x60] =	vst v27  }
0x1d8: {  	v49 =	vld [tilespmem:s12+$0xFFFFFF70];
	v63 =	vmul.f32 v55, v29;
	[tilespmem:s12+$0xFFFFFF60] =	vst v17  }
0x1d9: {  	v50 =	vld [tilespmem:s12+$0xFFFFFF80];
	v52 =	vperm.xlane v18, v2;
	v35 =	vmul.f32 v56, v61;
	[tilespmem:s12+$0xFFFFFF90] =	vst v19  }
0x1da: {  	v40 =	vld [tilespmem:s12+$0x40];
	v53 =	vmul.f32 v58, v45;
	[tilespmem:s12+$0xA0] =	vst v63  }
0x1db: {  	v55 =	vld [tilespmem:s12+$0xF0];
	v30 =	vmul.f32 v60, v52;
	[tilespmem:s12+$0x70] =	vst v35  }
0x1dc: {  	v46 =	vld [tilespmem:s12+$0x30];
	v21 =	vmul.f32 v62, v47;
	[tilespmem:s12+$0xFFFFFFB0] =	vst v53  }
0x1dd: {  	v44 =	vld [tilespmem:s12+$0x20];
	v56 =	vperm.xlane v18, v11;
	v61 =	vmul.f32 v49, v54;
	[tilespmem:s12+$0xFFFFFF20] =	vst v30  }
0x1de: {  	v57 =	vld [tilespmem:s12+$0xFFFFFF30];
	v62 =	vmul.f32 v50, v59;
	[tilespmem:s12+$0xFFFFFFE0] =	vst v21  }
0x1df: {  	v42 =	vld [tilespmem:s12+$0x50];
	v60 =	vperm.xlane v18, v10;
	v58 =	vmul.f32 v40, v56;
	[tilespmem:s12+$0xFFFFFF70] =	vst v61  }
0x1e0: {  	v48 =	vld [tilespmem:s12+$0x0];
	[tilespmem:s12+$0xFFFFFF80] =	vst v62;
	v17 =	vmul.f32 v55, v22  }
0x1e1: {  	v51 =	vld [tilespmem:s12+$0x10];
	v19 =	vmul.f32 v46, v60;
	[tilespmem:s12+$0x40] =	vst v58  }
0x1e2: {  	[tilespmem:s12+$0xF0] =	vst v17;
	v17 =	vmul.f32 v44, v60  }
0x1e3: {  	v18 =	vperm.xlane v18, v9;
	v63 =	vmul.f32 v57, v52;
	[tilespmem:s12+$0x30] =	vst v19  }
0x1e4: {  	[tilespmem:s12+$0x20] =	vst v17;
	v17 =	vmul.f32 v42, v56  }
0x1e5: {  	v19 =	vmul.f32 v48, v18;
	[tilespmem:s12+$0xFFFFFF30] =	vst v63  }
0x1e6: {  	[tilespmem:s12+$0x50] =	vst v17;
	v17 =	vmul.f32 v51, v18  }
0x1e7: {  	[tilespmem:s12+$0x0] =	vst v19  }
0x1e8: {  	s3 =	sadd.s32 $0xE80, s4;
	s0 =	sadd.s32 $0x1, s0;
	[tilespmem:s12+$0x10] =	vst v17  }
0x1e9: {  	[spmem:s2] =	stream.indirect.scatter.add.f32 [tilespmem:s18], [sflag:$0x4], $0x20, s3, s16, $0xb8;
	[tilespmem:$0x1FF80] =	vst v63  }
0x1ea: {  	p0 =	sne.s32 s0, $0xE;
	_ =	swait.ge [sflag:s21], $0x1000  }
.Ltmp10:
0x1eb: {  	[sflag:s21] =	ssyncset.done $0x0;
	(pc) =	sbr.rel @p0 .LBB2_19-.Ltmp10, $4  }
0x1ec: {  	[sflag:s21] =	ssyncadd.s32 $0xFFFFF000  }
0x1ed: {  	_ =	swait.ge [sflag:s22], $0x1000  }
0x1ee: {  	[sflag:s22] =	ssyncset.done $0x0  }
0x1ef: {  	s30 =	sadd.s32 $0x100, s30;
	s31 =	sadd.s32 $0x100, s31;
	[sflag:s22] =	ssyncadd.s32 $0xFFFFF000  }
0x1f0: {  	s29 =	sadd.s32 $0x1, s29  }
0x1f1: {  	p0 =	sne.s32 s29, $0xE  }
.Ltmp11:
0x1f2: {  	_ = 	snop;
	(pc) =	sbr.rel @p0 .LBB2_18-.Ltmp11, $1  }
0x1f3: {  	_ =	sdelay $0x3  }
0x1f4: {  	[bflag:$0x0] =	sbarrier.arrive $0xFFFF;
	s0 =	simm.s32 $0x0  }
0x1f5: {  	s3 =	simm.s32 $0x0;
	s28 =	simm.s32 $0x0;
	s29 =	simm.s32 $0x6940  }
.LBB2_26:
0x1f6: {  	s4 =	smul.u32 $0x7D, s3;
	_ =	sdelay $0x1  }
0x1f7: {  	s12 =	sadd.s32 s5, s4  }
0x1f8: {  	s4 =	sshll.u32 s12, $0x2  }
0x1f9: {  	s25 =	sadd.s32 s4, s9  }
0x1fa: {  	[tilespmem:s24], [sflag:$0x5] =	stream.linear.gather [hbm4b:s25+s0], $0xFA0, $0x38;
	[tilespmem:$0x1FF80] =	vst v63  }
0x1fb: {  	_ =	swait.ge [sflag:s15], $0xFA0  }
0x1fc: {  	[sflag:s15] =	ssyncset.done $0x0  }
0x1fd: {  	s31 =	sadd.s32 s4, s10;
	[sflag:s15] =	ssyncadd.s32 $0xFFFFF060  }
0x1fe: {  	[tilespmem:s29], [sflag:$0x5] =	stream.linear.gather [hbm4b:s31+s0], $0xFA0, $0x38;
	[tilespmem:$0x1FF80] =	vst v63  }
0x1ff: {  	s12 =	sshll.u32 s12, $0x5;
	_ =	swait.ge [sflag:s15], $0xFA0  }
0x200: {  	s12 =	sand.u32 $0x3FFFFFE0, s12;
	[sflag:s15] =	ssyncset.done $0x0  }
0x201: {  	s12 =	sadd.s32 s12, s2;
	[sflag:s15] =	ssyncadd.s32 $0xFFFFF060  }
0x202: {  	[tilespmem:s14], [sflag:$0x5] =	stream.linear.gather [spmem:s12], $0xFA0, $0x38;
	[tilespmem:$0x1FF80] =	vst v63  }
0x203: {  	_ =	swait.ge [sflag:s15], $0xFA0  }
0x204: {  	[sflag:s15] =	ssyncset.done $0x0  }
0x205: {  	s12 =	simm.s32 $0x0;
	[sflag:s15] =	ssyncadd.s32 $0xFFFFF060  }
0x206: {  	v17 =	vld [tilespmem:s12+$0x6940]  }
0x207: {  	v18 =	vld [tilespmem:s12+$0x6950]  }
0x208: {  	s25 =	simm.s32 $0x80;
	v19 =	vld [tilespmem:s12+$0x59A0]  }
.LBB2_27:
0x209: {  	p0 =	sne.s32 s25, $0x3E00;
	v20 =	vld [tilespmem:s12+$0x59B0]  }
0x20a: {  	v21 =	vld [tilespmem:s12+$0x4A00]  }
0x20b: {  	v22 =	vld [tilespmem:s12+$0x4A10];
	_ =	sdelay $0x1  }
0x20c: {  	v17 =	vadd.f32 v17, v19  }
0x20d: {  	v18 =	vadd.f32 v18, v20  }
0x20e: {  	v17 =	vadd.f32 v21, v17  }
.Ltmp12:
0x20f: {  	v18 =	vadd.f32 v22, v18;
	(pc) =	sbr.rel @p0 .LBB2_27-.Ltmp12, $4  }
0x210: {  	s26 =	sshra.s32 s25, $0x2;
	v19 =	vmul.f32 $3.333333430e-01, v17  }
0x211: {  	v17 =	vld [tilespmem:s26+$0x6940];
	v20 =	vmul.f32 $3.333333430e-01, v18  }
0x212: {  	v18 =	vld [tilespmem:s26+$0x6950];
	[tilespmem:s12+$0x59A0] =	vst v19  }
0x213: {  	s25 =	sadd.s32 $0x80, s25;
	v19 =	vld [tilespmem:s26+$0x59A0];
	[tilespmem:s12+$0x59B0] =	vst v20;
	s12 =	smov.u32 s26  }
0x214: {  	v20 =	vld [tilespmem:s12+$0x59B0]  }
0x215: {  	v21 =	vld [tilespmem:s12+$0x4A00]  }
0x216: {  	v22 =	vld [tilespmem:s12+$0x4A10];
	_ =	sdelay $0x1  }
0x217: {  	v17 =	vadd.f32 v17, v19  }
0x218: {  	v18 =	vadd.f32 v18, v20  }
0x219: {  	v17 =	vadd.f32 v21, v17  }
0x21a: {  	v18 =	vadd.f32 v22, v18  }
0x21b: {  	v17 =	vmul.f32 $3.333333430e-01, v17  }
0x21c: {  	s3 =	sadd.s32 $0x1, s3;
	v18 =	vmul.f32 $3.333333430e-01, v18  }
0x21d: {  	p0 =	sne.s32 s3, $0x19;
	[tilespmem:s12+$0x59A0] =	vst v17  }
.Ltmp13:
0x21e: {  	s4 =	sadd.s32 s4, s11;
	[tilespmem:s12+$0x59B0] =	vst v18;
	(pc) =	sbr.rel @p0 .LBB2_26-.Ltmp13, $4  }
0x21f: {  	[hbm4b:s4+s28] =	stream.linear.scatter [tilespmem:s24], [sflag:$0x5], $0xFA0, $0x38;
	[tilespmem:$0x1FF80] =	vst v63  }
0x220: {  	_ =	swait.ge [sflag:s15], $0xFA0  }
0x221: {  	[sflag:s15] =	ssyncset.done $0x0  }
0x222: {  	[sflag:s15] =	ssyncadd.s32 $0xFFFFF060  }
0x223: {  	s3 =	rddreg [dreg:$0x7]  }
0x224: {  	s0 =	rddreg [dreg:$0x6];
	s3 =	sadd.s32 $0x1, s3  }
0x225: {  	p0 =	sne.s32 s3, s0  }
.Ltmp14:
0x226: {  	_ = 	snop;
	(pc) =	sbr.rel @p0 .LBB2_1-.Ltmp14, $1  }
0x227: {  	_ =	sdelay $0x3  }
0x228: {  	_ =	sfence.sel $0x180000  }
0x229: {  	[bflag:$0x0] =	sbarrier.arrive $0xFFFF  }
0x22a: {  	_ =	strace $0x90000047  }
0x22b: {  	s0 =	stileid.u32;
	[bflag:$0x2] =	sbarrier.arrive $0xFFFF  }
0x22c: {  	p0 =	sne.s32 s0, $0x0;
	s0 =	rddreg [dreg:$0x5]  }
0x22d: {  	s0 =	sadd.s32 @!p0 $0x100000, s0  }
0x22e: {  	[sflag:s0] =	ssyncadd.tile.s32 @!p0 $0x1;
	_ =	shalt  }
.Lfunc_end2:
_tile_overlayer_lowered:
.L_overlay_start_2:
0x22f: {  	(tag) =	ssettag $0x2  }
0x230: {  	s0 =	rddreg [dreg:$0x0];
	s2 =	stileid.u32  }
0x231: {  	s1 =	rddreg [dreg:$0x1];
	p0 =	sne.s32 s2, $0x0  }
0x232: {  	s3 =	rddreg [dreg:$0x2];
	[bflag:$0x3] =	sbarrier.arrive $0xFFFF;
	s2 =	simm.s32 @!p0 $0x1C05  }
0x233: {  	[timem:s3], [sflag:s2] =	dma.local @!p0 [hbm:s0], s1  }
0x234: {  	s0 =	simm.s32 @!p0 $0x5  }
0x235: {  	_ =	swait.ge @!p0 [sflag:s0], s1  }
0x236: {  	s1 =	ssub.s32 @!p0 $0x0, s1;
	[sflag:s0] =	ssyncset.done @!p0 $0x0  }
0x237: {  	[sflag:s0] =	ssyncadd.s32 @!p0 s1  }
0x238: {  	[bflag:$0x3] =	sbarrier.arrive $0xFFFF  }
0x239: {  	_ =	shalt  }

</sc_bundles>
